<compile_context>
chip_gen: v7x
topology: tpu7x:2x2x1
jax: 0.10.2.dev20260603
libtpu: 0.0.44.dev20260713+nightly
codegen_flags: <defaults>
</compile_context>

<pallas_src>
import functools

import jax
import jax.numpy as jnp
from jax import lax
from jax.experimental import pallas as pl
from jax.experimental.pallas import tpu as pltpu
from jax.experimental.pallas import tpu_sc as plsc

N = 10000
NP = 10240
D = 128
E = 320000
NC, NS = 2, 16
NW = NC * NS
EPT = E // NW
CH = 125
NCH = EPT // CH
RPT = NP // NS
ZB = 128
RING = 2
NH = 2
NCH2 = NCH // NH
DEGW = 128

def _fill(ref, rows, width, value):
  vec = jnp.full((16,), value, jnp.float32)

  def body(i, _):
    for j in range(width // 16):
      ref[i, pl.ds(j * 16, 16)] = vec
    return 0

  lax.fori_loop(0, rows, body, 0)


@functools.cache
def _sc_kernels():
  mesh = plsc.VectorSubcoreMesh(
      core_axis_name="c", subcore_axis_name="s",
      num_cores=NC, num_subcores=NS)

  deg_k = functools.partial(
      pl.kernel,
      out_type=jax.ShapeDtypeStruct((NC, NP, DEGW), jnp.float32),
      mesh=mesh,
      scratch_types=[
          pltpu.VMEM((NCH, CH), jnp.int32),
          pltpu.VMEM((ZB, DEGW), jnp.float32),
          pltpu.VMEM_SHARED((NP, DEGW), jnp.float32),
      ],
  )(_deg_body)

  msg_k = functools.partial(
      pl.kernel,
      out_type=jax.ShapeDtypeStruct((NC, NP, D), jnp.float32),
      mesh=mesh,
      scratch_types=[
          pltpu.VMEM((NCH2, CH), jnp.int32),
          pltpu.VMEM((NCH2, CH), jnp.int32),
          pltpu.VMEM((RING * ZB, D), jnp.float32),
          pltpu.VMEM_SHARED((NP, D), jnp.float32),
          pltpu.SemaphoreType.DMA,
          pltpu.SemaphoreType.DMA,
      ],
  )(_msg_body)

  return deg_k, msg_k


def _deg_body(dst_hbm, out_hbm, dst_v, buf_v, acc_sh):
  cid = lax.axis_index("c")
  sid = lax.axis_index("s")
  ebase = pl.multiple_of((cid * NS + sid) * NCH, 8)
  row0 = pl.multiple_of(sid * RPT, 8)

  _fill(buf_v, ZB, DEGW, 0.0)
  for k in range(RPT // ZB):
    pltpu.sync_copy(buf_v, acc_sh.at[pl.ds(row0 + k * ZB, ZB)])
  plsc.subcore_barrier()

  pltpu.sync_copy(dst_hbm.at[pl.ds(ebase, NCH)], dst_v)
  _fill(buf_v, CH, DEGW, 1.0)

  def body(c, _):
    pltpu.sync_copy(buf_v.at[pl.ds(0, CH)], acc_sh.at[dst_v.at[c]], add=True)
    return 0

  lax.fori_loop(0, NCH, body, 0)
  plsc.subcore_barrier()

  pltpu.sync_copy(acc_sh.at[pl.ds(row0, RPT)],
                  out_hbm.at[cid, pl.ds(row0, RPT)])


def _msg_body(g_hbm, src_hbm, dst_hbm, out_hbm, src_v, dst_v, rows_v,
              acc_sh, sem0, sem1):
  cid = lax.axis_index("c")
  sid = lax.axis_index("s")
  row0 = pl.multiple_of(sid * RPT, 8)

  _fill(rows_v, ZB, D, 0.0)
  for k in range(RPT // ZB):
    pltpu.sync_copy(rows_v.at[pl.ds(0, ZB)], acc_sh.at[pl.ds(row0 + k * ZB, ZB)])
  plsc.subcore_barrier()

  sems = (sem0, sem1)
  bufs = tuple(rows_v.at[pl.ds(s * ZB, CH)] for s in range(RING))

  for h in range(NH):
    ebase = pl.multiple_of((cid * NS + sid) * NCH + h * NCH2, 8)
    pltpu.sync_copy(src_hbm.at[pl.ds(ebase, NCH2)], src_v)
    pltpu.sync_copy(dst_hbm.at[pl.ds(ebase, NCH2)], dst_v)

    for s in range(RING):
      pltpu.async_copy(g_hbm.at[src_v.at[s]], bufs[s], sems[s])

    def body(i, _):
      c = i * RING
      for b in range(RING):
        pltpu.make_async_copy(g_hbm.at[src_v.at[c + b]], bufs[b],
                              sems[b]).wait()
        pltpu.sync_copy(bufs[b], acc_sh.at[dst_v.at[c + b]], add=True)
        pltpu.async_copy(g_hbm.at[src_v.at[c + b + RING]], bufs[b], sems[b])
      return 0

    lax.fori_loop(0, NCH2 // RING - 1, body, 0)
    for b in range(RING):
      c = NCH2 - RING + b
      pltpu.make_async_copy(g_hbm.at[src_v.at[c]], bufs[b], sems[b]).wait()
      pltpu.sync_copy(bufs[b], acc_sh.at[dst_v.at[c]], add=True)
  plsc.subcore_barrier()

  pltpu.sync_copy(acc_sh.at[pl.ds(row0, RPT)],
                  out_hbm.at[cid, pl.ds(row0, RPT)])



_BR = 2000
_GRID = N // _BR


def _dinv(d0, d1):
  deg = d0[:, 0:1] + d1[:, 0:1] + 1.0
  return lax.rsqrt(deg)


def _mm_body(x_ref, w_ref, o_ref):
  o_ref[...] = jnp.dot(x_ref[...], w_ref[...],
                       preferred_element_type=jnp.float32)


def _scale_body(h_ref, d0_ref, d1_ref, g_ref, dinv_ref):
  dinv = _dinv(d0_ref[...], d1_ref[...])
  dinv_ref[...] = jnp.broadcast_to(dinv, (_BR, D))
  g_ref[...] = h_ref[...] * dinv


def _mid_body(a0_ref, a1_ref, g_ref, dinv_ref, b_ref, w_ref, o_ref):
  dinv = dinv_ref[...]
  h = dinv * (a0_ref[...] + a1_ref[...] + g_ref[...]) + b_ref[...]
  h = jnp.maximum(h, 0.0)
  o_ref[...] = jnp.dot(h, w_ref[...],
                       preferred_element_type=jnp.float32) * dinv


def _post_body(a0_ref, a1_ref, g_ref, dinv_ref, b_ref, o_ref):
  o_ref[...] = dinv_ref[...] * (a0_ref[...] + a1_ref[...] + g_ref[...]) \
      + b_ref[...]


_row_spec = pl.BlockSpec((_BR, D), lambda i: (i, 0))
_deg_spec = pl.BlockSpec((_BR, DEGW), lambda i: (i, 0))
_w_spec = pl.BlockSpec((D, D), lambda i: (0, 0))
_b_spec = pl.BlockSpec((1, D), lambda i: (0, 0))
_out_t = jax.ShapeDtypeStruct((N, D), jnp.float32)

_mm = pl.pallas_call(
    _mm_body, grid=(_GRID,),
    in_specs=[_row_spec, _w_spec],
    out_specs=_row_spec, out_shape=_out_t)

_scale = pl.pallas_call(
    _scale_body, grid=(_GRID,),
    in_specs=[_row_spec, _deg_spec, _deg_spec],
    out_specs=[_row_spec, _row_spec], out_shape=[_out_t, _out_t])

_mid = pl.pallas_call(
    _mid_body, grid=(_GRID,),
    in_specs=[_row_spec, _row_spec, _row_spec, _row_spec, _b_spec, _w_spec],
    out_specs=_row_spec, out_shape=_out_t)

_post = pl.pallas_call(
    _post_body, grid=(_GRID,),
    in_specs=[_row_spec, _row_spec, _row_spec, _row_spec, _b_spec],
    out_specs=_row_spec, out_shape=_out_t)


def kernel(x, edge_index, W1, b1, W2, b2):
  src = edge_index[0].astype(jnp.int32).reshape(NW * NCH, CH)
  dst = edge_index[1].astype(jnp.int32).reshape(NW * NCH, CH)
  b1 = b1.reshape(1, D)
  b2 = b2.reshape(1, D)

  deg_k, msg_k = _sc_kernels()
  h1 = _mm(x, W1)
  degp = deg_k(dst)
  g1, dinv = _scale(h1, degp[0], degp[1])
  acc1 = msg_k(g1, src, dst)
  g2 = _mid(acc1[0], acc1[1], g1, dinv, b1, W2)
  acc2 = msg_k(g2, src, dst)
  return _post(acc2[0], acc2[1], g2, dinv, b2)

# --- scband reference (transcript-rebuilt; emitter-appended) ---
"""Pipeline reference for scband-gnnclassifier-661424964180 (READ-ONLY COPY).

The authoritative reference and input builder live on the scoring server;
editing this copy changes nothing except your own understanding.
"""

import jax, jax.numpy as jnp
import numpy as np

N_NODES = 10000


def gcn_conv(x, edge_index, W, b):
    n = x.shape[0]
    src = edge_index[0]
    dst = edge_index[1]
    # add self-loops (PyG GCNConv default add_self_loops=True)
    loop = jnp.arange(n, dtype=src.dtype)
    src = jnp.concatenate([src, loop])
    dst = jnp.concatenate([dst, loop])
    # symmetric normalization D^{-1/2} (A+I) D^{-1/2}
    deg = jnp.zeros((n,), dtype=x.dtype).at[dst].add(1.0)
    deg_inv_sqrt = jnp.where(deg > 0, jax.lax.rsqrt(deg), 0.0)
    norm = deg_inv_sqrt[src] * deg_inv_sqrt[dst]
    # linear transform first (PyG applies lin before propagate)
    h = x @ W
    msg = h[src] * norm[:, None]
    out = jax.ops.segment_sum(msg, dst, num_segments=n)
    return out + b


def setup_inputs(seed: int = 0) -> dict:
    key = jax.random.key(seed)
    k1, k2, k3, k4, k5 = jax.random.split(key, 5)
    x = jax.random.normal(k1, (N_NODES, 128), dtype=jnp.float32)
    edge_index = jax.random.randint(k2, (2, 320000), 0, N_NODES, dtype=jnp.int64)
    # glorot-style init for GCN linear weights
    s1 = float(np.sqrt(6.0 / (128 + 128)))
    W1 = jax.random.uniform(k3, (128, 128), dtype=jnp.float32, minval=-s1, maxval=s1)
    b1 = jnp.zeros((128,), dtype=jnp.float32)
    s2 = float(np.sqrt(6.0 / (128 + 128)))
    W2 = jax.random.uniform(k4, (128, 128), dtype=jnp.float32, minval=-s2, maxval=s2)
    b2 = jnp.zeros((128,), dtype=jnp.float32)
    return {"x": x, "edge_index": edge_index, "W1": W1, "b1": b1, "W2": W2, "b2": b2}


def reference(x, edge_index, W1, b1, W2, b2):
    # conv1 -> relu -> dropout(eval: identity) -> conv2
    h = gcn_conv(x, edge_index, W1, b1)
    h = jax.nn.relu(h)
    # dropout skipped (eval semantics, deterministic reference)
    out = gcn_conv(h, edge_index, W2, b2)
    return out

if __name__ == "__main__":
    import jax
    _d = setup_inputs()
    print(jax.jit(kernel)(*tuple(_d.values())))

</pallas_src>

<mosaic_0001>
#map = affine_map<(d0, d1) -> (0, 0)>
#map1 = affine_map<(d0, d1) -> (0, 0, 0)>
module attributes {stable_mosaic.version = 14 : i64} {
  func.func @_msg_body(%arg0: i32, %arg1: i32, %arg2: memref<10000x128xf32, #tpu.memory_space<hbm>>, %arg3: memref<2560x125xi32, #tpu.memory_space<hbm>>, %arg4: memref<2560x125xi32, #tpu.memory_space<hbm>>, %arg5: memref<2x10240x128xf32, #tpu.memory_space<hbm>>, %arg6: memref<40x125xi32, #tpu.memory_space<vmem>>, %arg7: memref<40x125xi32, #tpu.memory_space<vmem>>, %arg8: memref<256x128xf32, #tpu.memory_space<vmem>>, %arg9: memref<10240x128xf32, #tpu.memory_space<vmem_shared>>, %arg10: memref<!tpu.dma_semaphore, #tpu.memory_space<semaphore_mem>>, %arg11: memref<!tpu.dma_semaphore, #tpu.memory_space<semaphore_mem>>) attributes {dimension_semantics = [#tpu.dimension_semantics<core_parallel>, #tpu.dimension_semantics<subcore_parallel>], iteration_bounds = array<i64: 2, 16>, scalar_prefetch = 0 : i64, scratch_operands = 6 : i64, tpu.core_type = #tpu.core_type<sc_vector_subcore>, window_params = [{transform_indices = #map}, {transform_indices = #map}, {transform_indices = #map}, {transform_indices = #map1}]} {
    %mul3A = arith.constant 640 : i32
    %mul3A_0 = arith.muli %arg1, %mul3A : i32
    %multiple_of3A = tpu.assume_multiple %mul3A_0, 8 : i32
    %broadcast_in_dim3A = arith.constant 0.000000e+00 : f32
    %broadcast_in_dim3A_1 = vector.broadcast %broadcast_in_dim3A : f32 to vector<16xf32>
    %scan3A = arith.constant 0 : i32
    %scan3A_2 = arith.constant 0 : i32
    %scan3A_3 = arith.constant 128 : i32
    %scan3A_4 = arith.addi %scan3A_2, %scan3A_3 : i32
    %scan3A_5 = arith.constant 1 : i32
    %scan3A_6 = scf.for %scan3A_129 = %scan3A_2 to %scan3A_4 step %scan3A_5 iter_args(%scan3A_130 = %scan3A) -> (i32)  : i32 {
      %swap3A = arith.index_cast %scan3A_129 : i32 to index
      %swap3A_131 = arith.constant 0 : index
      %swap3A_132 = tpu.vector_load %arg8[%swap3A, %swap3A_131] {strides = array<i32>} : memref<256x128xf32, #tpu.memory_space<vmem>>, vector<1x16xf32>,
      %swap3A_133 = vector.shape_cast %swap3A_132 : vector<1x16xf32> to vector<16xf32>
      %swap3A_134 = vector.shape_cast %broadcast_in_dim3A_1 : vector<16xf32> to vector<1x16xf32>
      tpu.vector_store %arg8[%swap3A, %swap3A_131], %swap3A_134 {strides = array<i32>} : memref<256x128xf32, #tpu.memory_space<vmem>>, vector<1x16xf32>,
      %swap3A_135 = arith.index_cast %scan3A_129 : i32 to index
      %swap3A_136 = arith.constant 16 : index
      %swap3A_137 = tpu.vector_load %arg8[%swap3A_135, %swap3A_136] {strides = array<i32>} : memref<256x128xf32, #tpu.memory_space<vmem>>, vector<1x16xf32>,
      %swap3A_138 = vector.shape_cast %swap3A_137 : vector<1x16xf32> to vector<16xf32>
      %swap3A_139 = vector.shape_cast %broadcast_in_dim3A_1 : vector<16xf32> to vector<1x16xf32>
      tpu.vector_store %arg8[%swap3A_135, %swap3A_136], %swap3A_139 {strides = array<i32>} : memref<256x128xf32, #tpu.memory_space<vmem>>, vector<1x16xf32>,
      %swap3A_140 = arith.index_cast %scan3A_129 : i32 to index
      %swap3A_141 = arith.constant 32 : index
      %swap3A_142 = tpu.vector_load %arg8[%swap3A_140, %swap3A_141] {strides = array<i32>} : memref<256x128xf32, #tpu.memory_space<vmem>>, vector<1x16xf32>,
      %swap3A_143 = vector.shape_cast %swap3A_142 : vector<1x16xf32> to vector<16xf32>
      %swap3A_144 = vector.shape_cast %broadcast_in_dim3A_1 : vector<16xf32> to vector<1x16xf32>
      tpu.vector_store %arg8[%swap3A_140, %swap3A_141], %swap3A_144 {strides = array<i32>} : memref<256x128xf32, #tpu.memory_space<vmem>>, vector<1x16xf32>,
      %swap3A_145 = arith.index_cast %scan3A_129 : i32 to index
      %swap3A_146 = arith.constant 48 : index
      %swap3A_147 = tpu.vector_load %arg8[%swap3A_145, %swap3A_146] {strides = array<i32>} : memref<256x128xf32, #tpu.memory_space<vmem>>, vector<1x16xf32>,
      %swap3A_148 = vector.shape_cast %swap3A_147 : vector<1x16xf32> to vector<16xf32>
      %swap3A_149 = vector.shape_cast %broadcast_in_dim3A_1 : vector<16xf32> to vector<1x16xf32>
      tpu.vector_store %arg8[%swap3A_145, %swap3A_146], %swap3A_149 {strides = array<i32>} : memref<256x128xf32, #tpu.memory_space<vmem>>, vector<1x16xf32>,
      %swap3A_150 = arith.index_cast %scan3A_129 : i32 to index
      %swap3A_151 = arith.constant 64 : index
      %swap3A_152 = tpu.vector_load %arg8[%swap3A_150, %swap3A_151] {strides = array<i32>} : memref<256x128xf32, #tpu.memory_space<vmem>>, vector<1x16xf32>,
      %swap3A_153 = vector.shape_cast %swap3A_152 : vector<1x16xf32> to vector<16xf32>
      %swap3A_154 = vector.shape_cast %broadcast_in_dim3A_1 : vector<16xf32> to vector<1x16xf32>
      tpu.vector_store %arg8[%swap3A_150, %swap3A_151], %swap3A_154 {strides = array<i32>} : memref<256x128xf32, #tpu.memory_space<vmem>>, vector<1x16xf32>,
      %swap3A_155 = arith.index_cast %scan3A_129 : i32 to index
      %swap3A_156 = arith.constant 80 : index
      %swap3A_157 = tpu.vector_load %arg8[%swap3A_155, %swap3A_156] {strides = array<i32>} : memref<256x128xf32, #tpu.memory_space<vmem>>, vector<1x16xf32>,
      %swap3A_158 = vector.shape_cast %swap3A_157 : vector<1x16xf32> to vector<16xf32>
      %swap3A_159 = vector.shape_cast %broadcast_in_dim3A_1 : vector<16xf32> to vector<1x16xf32>
      tpu.vector_store %arg8[%swap3A_155, %swap3A_156], %swap3A_159 {strides = array<i32>} : memref<256x128xf32, #tpu.memory_space<vmem>>, vector<1x16xf32>,
      %swap3A_160 = arith.index_cast %scan3A_129 : i32 to index
      %swap3A_161 = arith.constant 96 : index
      %swap3A_162 = tpu.vector_load %arg8[%swap3A_160, %swap3A_161] {strides = array<i32>} : memref<256x128xf32, #tpu.memory_space<vmem>>, vector<1x16xf32>,
      %swap3A_163 = vector.shape_cast %swap3A_162 : vector<1x16xf32> to vector<16xf32>
      %swap3A_164 = vector.shape_cast %broadcast_in_dim3A_1 : vector<16xf32> to vector<1x16xf32>
      tpu.vector_store %arg8[%swap3A_160, %swap3A_161], %swap3A_164 {strides = array<i32>} : memref<256x128xf32, #tpu.memory_space<vmem>>, vector<1x16xf32>,
      %swap3A_165 = arith.index_cast %scan3A_129 : i32 to index
      %swap3A_166 = arith.constant 112 : index
      %swap3A_167 = tpu.vector_load %arg8[%swap3A_165, %swap3A_166] {strides = array<i32>} : memref<256x128xf32, #tpu.memory_space<vmem>>, vector<1x16xf32>,
      %swap3A_168 = vector.shape_cast %swap3A_167 : vector<1x16xf32> to vector<16xf32>
      %swap3A_169 = vector.shape_cast %broadcast_in_dim3A_1 : vector<16xf32> to vector<1x16xf32>
      tpu.vector_store %arg8[%swap3A_165, %swap3A_166], %swap3A_169 {strides = array<i32>} : memref<256x128xf32, #tpu.memory_space<vmem>>, vector<1x16xf32>,
      %scan3A_170 = arith.constant 0 : i32
      scf.yield %scan3A_170 : i32
    }
    %scan3A_7 = arith.constant 128 : i32
    %add3A = arith.constant 0 : i32
    %add3A_8 = arith.addi %multiple_of3A, %add3A : i32
    "tpu.region"() ({
      %run_scoped3A_129 = tpu.sem_alloc : memref<!tpu.dma_semaphore, #tpu.memory_space<semaphore_mem>>
      %dma_start3A_130 = arith.constant 0 : i32
      %dma_start3A_131 = arith.constant 0 : i32
      %dma_start3A_132 = tpu.memref_slice %arg8[%dma_start3A_130, %dma_start3A_131] : memref<256x128xf32, #tpu.memory_space<vmem>> -> memref<128x128xf32, #tpu.memory_space<vmem>>
      %dma_start3A_133 = arith.constant 0 : i32
      %dma_start3A_134 = tpu.memref_slice %arg9[%add3A_8, %dma_start3A_133] : memref<10240x128xf32, #tpu.memory_space<vmem_shared>> -> memref<128x128xf32, #tpu.memory_space<vmem_shared>>
      %dma_start3A_135 = arith.constant 0 : i32
      %dma_start3A_136 = tpu.memref_slice %arg9[%add3A_8, %dma_start3A_135] : memref<10240x128xf32, #tpu.memory_space<vmem_shared>> -> memref<128x128xf32, #tpu.memory_space<vmem_shared>>
      %dma_start3A_137 = arith.constant 0 : i32
      %dma_start3A_138 = arith.constant 0 : i32
      %dma_start3A_139 = tpu.memref_slice %arg8[%dma_start3A_137, %dma_start3A_138] : memref<256x128xf32, #tpu.memory_space<vmem>> -> memref<128x128xf32, #tpu.memory_space<vmem>>
      tpu.enqueue_dma source(%dma_start3A_139 : memref<128x128xf32, #tpu.memory_space<vmem>>) target(%dma_start3A_136 : memref<128x128xf32, #tpu.memory_space<vmem_shared>>) target_semaphore(%run_scoped3A_129 : memref<!tpu.dma_semaphore, #tpu.memory_space<semaphore_mem>>)
      %dma_wait3A_140 = arith.constant 0 : i32
      %dma_wait3A_141 = arith.constant 0 : i32
      %dma_wait3A_142 = tpu.memref_slice %arg8[%dma_wait3A_140, %dma_wait3A_141] : memref<256x128xf32, #tpu.memory_space<vmem>> -> memref<128x128xf32, #tpu.memory_space<vmem>>
      %dma_wait3A_143 = arith.constant 0 : i32
      %dma_wait3A_144 = tpu.memref_slice %arg9[%add3A_8, %dma_wait3A_143] : memref<10240x128xf32, #tpu.memory_space<vmem_shared>> -> memref<128x128xf32, #tpu.memory_space<vmem_shared>>
      %dma_wait3A_145 = arith.constant 0 : i32
      %dma_wait3A_146 = tpu.memref_slice %arg9[%add3A_8, %dma_wait3A_145] : memref<10240x128xf32, #tpu.memory_space<vmem_shared>> -> memref<128x128xf32, #tpu.memory_space<vmem_shared>>
      %dma_wait3A_147 = arith.constant 0 : i32
      %dma_wait3A_148 = arith.constant 0 : i32
      %dma_wait3A_149 = tpu.memref_slice %arg8[%dma_wait3A_147, %dma_wait3A_148] : memref<256x128xf32, #tpu.memory_space<vmem>> -> memref<128x128xf32, #tpu.memory_space<vmem>>
      tpu.wait_dma2 semaphore(%run_scoped3A_129 : memref<!tpu.dma_semaphore, #tpu.memory_space<semaphore_mem>>) src(%dma_wait3A_149 : memref<128x128xf32, #tpu.memory_space<vmem>>) dst(%dma_wait3A_146 : memref<128x128xf32, #tpu.memory_space<vmem_shared>>)
      tpu.yield
    }) : () -> ()
    %add3A_9 = arith.constant 128 : i32
    %add3A_10 = arith.addi %multiple_of3A, %add3A_9 : i32
    "tpu.region"() ({
      %run_scoped3A_129 = tpu.sem_alloc : memref<!tpu.dma_semaphore, #tpu.memory_space<semaphore_mem>>
      %dma_start3A_130 = arith.constant 0 : i32
      %dma_start3A_131 = arith.constant 0 : i32
      %dma_start3A_132 = tpu.memref_slice %arg8[%dma_start3A_130, %dma_start3A_131] : memref<256x128xf32, #tpu.memory_space<vmem>> -> memref<128x128xf32, #tpu.memory_space<vmem>>
      %dma_start3A_133 = arith.constant 0 : i32
      %dma_start3A_134 = tpu.memref_slice %arg9[%add3A_10, %dma_start3A_133] : memref<10240x128xf32, #tpu.memory_space<vmem_shared>> -> memref<128x128xf32, #tpu.memory_space<vmem_shared>>
      %dma_start3A_135 = arith.constant 0 : i32
      %dma_start3A_136 = tpu.memref_slice %arg9[%add3A_10, %dma_start3A_135] : memref<10240x128xf32, #tpu.memory_space<vmem_shared>> -> memref<128x128xf32, #tpu.memory_space<vmem_shared>>
      %dma_start3A_137 = arith.constant 0 : i32
      %dma_start3A_138 = arith.constant 0 : i32
      %dma_start3A_139 = tpu.memref_slice %arg8[%dma_start3A_137, %dma_start3A_138] : memref<256x128xf32, #tpu.memory_space<vmem>> -> memref<128x128xf32, #tpu.memory_space<vmem>>
      tpu.enqueue_dma source(%dma_start3A_139 : memref<128x128xf32, #tpu.memory_space<vmem>>) target(%dma_start3A_136 : memref<128x128xf32, #tpu.memory_space<vmem_shared>>) target_semaphore(%run_scoped3A_129 : memref<!tpu.dma_semaphore, #tpu.memory_space<semaphore_mem>>)
      %dma_wait3A_140 = arith.constant 0 : i32
      %dma_wait3A_141 = arith.constant 0 : i32
      %dma_wait3A_142 = tpu.memref_slice %arg8[%dma_wait3A_140, %dma_wait3A_141] : memref<256x128xf32, #tpu.memory_space<vmem>> -> memref<128x128xf32, #tpu.memory_space<vmem>>
      %dma_wait3A_143 = arith.constant 0 : i32
      %dma_wait3A_144 = tpu.memref_slice %arg9[%add3A_10, %dma_wait3A_143] : memref<10240x128xf32, #tpu.memory_space<vmem_shared>> -> memref<128x128xf32, #tpu.memory_space<vmem_shared>>
      %dma_wait3A_145 = arith.constant 0 : i32
      %dma_wait3A_146 = tpu.memref_slice %arg9[%add3A_10, %dma_wait3A_145] : memref<10240x128xf32, #tpu.memory_space<vmem_shared>> -> memref<128x128xf32, #tpu.memory_space<vmem_shared>>
      %dma_wait3A_147 = arith.constant 0 : i32
      %dma_wait3A_148 = arith.constant 0 : i32
      %dma_wait3A_149 = tpu.memref_slice %arg8[%dma_wait3A_147, %dma_wait3A_148] : memref<256x128xf32, #tpu.memory_space<vmem>> -> memref<128x128xf32, #tpu.memory_space<vmem>>
      tpu.wait_dma2 semaphore(%run_scoped3A_129 : memref<!tpu.dma_semaphore, #tpu.memory_space<semaphore_mem>>) src(%dma_wait3A_149 : memref<128x128xf32, #tpu.memory_space<vmem>>) dst(%dma_wait3A_146 : memref<128x128xf32, #tpu.memory_space<vmem_shared>>)
      tpu.yield
    }) : () -> ()
    %add3A_11 = arith.constant 256 : i32
    %add3A_12 = arith.addi %multiple_of3A, %add3A_11 : i32
    "tpu.region"() ({
      %run_scoped3A_129 = tpu.sem_alloc : memref<!tpu.dma_semaphore, #tpu.memory_space<semaphore_mem>>
      %dma_start3A_130 = arith.constant 0 : i32
      %dma_start3A_131 = arith.constant 0 : i32
      %dma_start3A_132 = tpu.memref_slice %arg8[%dma_start3A_130, %dma_start3A_131] : memref<256x128xf32, #tpu.memory_space<vmem>> -> memref<128x128xf32, #tpu.memory_space<vmem>>
      %dma_start3A_133 = arith.constant 0 : i32
      %dma_start3A_134 = tpu.memref_slice %arg9[%add3A_12, %dma_start3A_133] : memref<10240x128xf32, #tpu.memory_space<vmem_shared>> -> memref<128x128xf32, #tpu.memory_space<vmem_shared>>
      %dma_start3A_135 = arith.constant 0 : i32
      %dma_start3A_136 = tpu.memref_slice %arg9[%add3A_12, %dma_start3A_135] : memref<10240x128xf32, #tpu.memory_space<vmem_shared>> -> memref<128x128xf32, #tpu.memory_space<vmem_shared>>
      %dma_start3A_137 = arith.constant 0 : i32
      %dma_start3A_138 = arith.constant 0 : i32
      %dma_start3A_139 = tpu.memref_slice %arg8[%dma_start3A_137, %dma_start3A_138] : memref<256x128xf32, #tpu.memory_space<vmem>> -> memref<128x128xf32, #tpu.memory_space<vmem>>
      tpu.enqueue_dma source(%dma_start3A_139 : memref<128x128xf32, #tpu.memory_space<vmem>>) target(%dma_start3A_136 : memref<128x128xf32, #tpu.memory_space<vmem_shared>>) target_semaphore(%run_scoped3A_129 : memref<!tpu.dma_semaphore, #tpu.memory_space<semaphore_mem>>)
      %dma_wait3A_140 = arith.constant 0 : i32
      %dma_wait3A_141 = arith.constant 0 : i32
      %dma_wait3A_142 = tpu.memref_slice %arg8[%dma_wait3A_140, %dma_wait3A_141] : memref<256x128xf32, #tpu.memory_space<vmem>> -> memref<128x128xf32, #tpu.memory_space<vmem>>
      %dma_wait3A_143 = arith.constant 0 : i32
      %dma_wait3A_144 = tpu.memref_slice %arg9[%add3A_12, %dma_wait3A_143] : memref<10240x128xf32, #tpu.memory_space<vmem_shared>> -> memref<128x128xf32, #tpu.memory_space<vmem_shared>>
      %dma_wait3A_145 = arith.constant 0 : i32
      %dma_wait3A_146 = tpu.memref_slice %arg9[%add3A_12, %dma_wait3A_145] : memref<10240x128xf32, #tpu.memory_space<vmem_shared>> -> memref<128x128xf32, #tpu.memory_space<vmem_shared>>
      %dma_wait3A_147 = arith.constant 0 : i32
      %dma_wait3A_148 = arith.constant 0 : i32
      %dma_wait3A_149 = tpu.memref_slice %arg8[%dma_wait3A_147, %dma_wait3A_148] : memref<256x128xf32, #tpu.memory_space<vmem>> -> memref<128x128xf32, #tpu.memory_space<vmem>>
      tpu.wait_dma2 semaphore(%run_scoped3A_129 : memref<!tpu.dma_semaphore, #tpu.memory_space<semaphore_mem>>) src(%dma_wait3A_149 : memref<128x128xf32, #tpu.memory_space<vmem>>) dst(%dma_wait3A_146 : memref<128x128xf32, #tpu.memory_space<vmem_shared>>)
      tpu.yield
    }) : () -> ()
    %add3A_13 = arith.constant 384 : i32
    %add3A_14 = arith.addi %multiple_of3A, %add3A_13 : i32
    "tpu.region"() ({
      %run_scoped3A_129 = tpu.sem_alloc : memref<!tpu.dma_semaphore, #tpu.memory_space<semaphore_mem>>
      %dma_start3A_130 = arith.constant 0 : i32
      %dma_start3A_131 = arith.constant 0 : i32
      %dma_start3A_132 = tpu.memref_slice %arg8[%dma_start3A_130, %dma_start3A_131] : memref<256x128xf32, #tpu.memory_space<vmem>> -> memref<128x128xf32, #tpu.memory_space<vmem>>
      %dma_start3A_133 = arith.constant 0 : i32
      %dma_start3A_134 = tpu.memref_slice %arg9[%add3A_14, %dma_start3A_133] : memref<10240x128xf32, #tpu.memory_space<vmem_shared>> -> memref<128x128xf32, #tpu.memory_space<vmem_shared>>
      %dma_start3A_135 = arith.constant 0 : i32
      %dma_start3A_136 = tpu.memref_slice %arg9[%add3A_14, %dma_start3A_135] : memref<10240x128xf32, #tpu.memory_space<vmem_shared>> -> memref<128x128xf32, #tpu.memory_space<vmem_shared>>
      %dma_start3A_137 = arith.constant 0 : i32
      %dma_start3A_138 = arith.constant 0 : i32
      %dma_start3A_139 = tpu.memref_slice %arg8[%dma_start3A_137, %dma_start3A_138] : memref<256x128xf32, #tpu.memory_space<vmem>> -> memref<128x128xf32, #tpu.memory_space<vmem>>
      tpu.enqueue_dma source(%dma_start3A_139 : memref<128x128xf32, #tpu.memory_space<vmem>>) target(%dma_start3A_136 : memref<128x128xf32, #tpu.memory_space<vmem_shared>>) target_semaphore(%run_scoped3A_129 : memref<!tpu.dma_semaphore, #tpu.memory_space<semaphore_mem>>)
      %dma_wait3A_140 = arith.constant 0 : i32
      %dma_wait3A_141 = arith.constant 0 : i32
      %dma_wait3A_142 = tpu.memref_slice %arg8[%dma_wait3A_140, %dma_wait3A_141] : memref<256x128xf32, #tpu.memory_space<vmem>> -> memref<128x128xf32, #tpu.memory_space<vmem>>
      %dma_wait3A_143 = arith.constant 0 : i32
      %dma_wait3A_144 = tpu.memref_slice %arg9[%add3A_14, %dma_wait3A_143] : memref<10240x128xf32, #tpu.memory_space<vmem_shared>> -> memref<128x128xf32, #tpu.memory_space<vmem_shared>>
      %dma_wait3A_145 = arith.constant 0 : i32
      %dma_wait3A_146 = tpu.memref_slice %arg9[%add3A_14, %dma_wait3A_145] : memref<10240x128xf32, #tpu.memory_space<vmem_shared>> -> memref<128x128xf32, #tpu.memory_space<vmem_shared>>
      %dma_wait3A_147 = arith.constant 0 : i32
      %dma_wait3A_148 = arith.constant 0 : i32
      %dma_wait3A_149 = tpu.memref_slice %arg8[%dma_wait3A_147, %dma_wait3A_148] : memref<256x128xf32, #tpu.memory_space<vmem>> -> memref<128x128xf32, #tpu.memory_space<vmem>>
      tpu.wait_dma2 semaphore(%run_scoped3A_129 : memref<!tpu.dma_semaphore, #tpu.memory_space<semaphore_mem>>) src(%dma_wait3A_149 : memref<128x128xf32, #tpu.memory_space<vmem>>) dst(%dma_wait3A_146 : memref<128x128xf32, #tpu.memory_space<vmem_shared>>)
      tpu.yield
    }) : () -> ()
    %add3A_15 = arith.constant 512 : i32
    %add3A_16 = arith.addi %multiple_of3A, %add3A_15 : i32
    "tpu.region"() ({
      %run_scoped3A_129 = tpu.sem_alloc : memref<!tpu.dma_semaphore, #tpu.memory_space<semaphore_mem>>
      %dma_start3A_130 = arith.constant 0 : i32
      %dma_start3A_131 = arith.constant 0 : i32
      %dma_start3A_132 = tpu.memref_slice %arg8[%dma_start3A_130, %dma_start3A_131] : memref<256x128xf32, #tpu.memory_space<vmem>> -> memref<128x128xf32, #tpu.memory_space<vmem>>
      %dma_start3A_133 = arith.constant 0 : i32
      %dma_start3A_134 = tpu.memref_slice %arg9[%add3A_16, %dma_start3A_133] : memref<10240x128xf32, #tpu.memory_space<vmem_shared>> -> memref<128x128xf32, #tpu.memory_space<vmem_shared>>
      %dma_start3A_135 = arith.constant 0 : i32
      %dma_start3A_136 = tpu.memref_slice %arg9[%add3A_16, %dma_start3A_135] : memref<10240x128xf32, #tpu.memory_space<vmem_shared>> -> memref<128x128xf32, #tpu.memory_space<vmem_shared>>
      %dma_start3A_137 = arith.constant 0 : i32
      %dma_start3A_138 = arith.constant 0 : i32
      %dma_start3A_139 = tpu.memref_slice %arg8[%dma_start3A_137, %dma_start3A_138] : memref<256x128xf32, #tpu.memory_space<vmem>> -> memref<128x128xf32, #tpu.memory_space<vmem>>
      tpu.enqueue_dma source(%dma_start3A_139 : memref<128x128xf32, #tpu.memory_space<vmem>>) target(%dma_start3A_136 : memref<128x128xf32, #tpu.memory_space<vmem_shared>>) target_semaphore(%run_scoped3A_129 : memref<!tpu.dma_semaphore, #tpu.memory_space<semaphore_mem>>)
      %dma_wait3A_140 = arith.constant 0 : i32
      %dma_wait3A_141 = arith.constant 0 : i32
      %dma_wait3A_142 = tpu.memref_slice %arg8[%dma_wait3A_140, %dma_wait3A_141] : memref<256x128xf32, #tpu.memory_space<vmem>> -> memref<128x128xf32, #tpu.memory_space<vmem>>
      %dma_wait3A_143 = arith.constant 0 : i32
      %dma_wait3A_144 = tpu.memref_slice %arg9[%add3A_16, %dma_wait3A_143] : memref<10240x128xf32, #tpu.memory_space<vmem_shared>> -> memref<128x128xf32, #tpu.memory_space<vmem_shared>>
      %dma_wait3A_145 = arith.constant 0 : i32
      %dma_wait3A_146 = tpu.memref_slice %arg9[%add3A_16, %dma_wait3A_145] : memref<10240x128xf32, #tpu.memory_space<vmem_shared>> -> memref<128x128xf32, #tpu.memory_space<vmem_shared>>
      %dma_wait3A_147 = arith.constant 0 : i32
      %dma_wait3A_148 = arith.constant 0 : i32
      %dma_wait3A_149 = tpu.memref_slice %arg8[%dma_wait3A_147, %dma_wait3A_148] : memref<256x128xf32, #tpu.memory_space<vmem>> -> memref<128x128xf32, #tpu.memory_space<vmem>>
      tpu.wait_dma2 semaphore(%run_scoped3A_129 : memref<!tpu.dma_semaphore, #tpu.memory_space<semaphore_mem>>) src(%dma_wait3A_149 : memref<128x128xf32, #tpu.memory_space<vmem>>) dst(%dma_wait3A_146 : memref<128x128xf32, #tpu.memory_space<vmem_shared>>)
      tpu.yield
    }) : () -> ()
    %barrier3A = arith.constant 0 : index
    tpu.barrier barrier_id(%barrier3A)
    %mul3A_17 = arith.constant 16 : i32
    %mul3A_18 = arith.muli %arg0, %mul3A_17 : i32
    %add3A_19 = arith.addi %mul3A_18, %arg1 : i32
    %mul3A_20 = arith.constant 80 : i32
    %mul3A_21 = arith.muli %add3A_19, %mul3A_20 : i32
    %add3A_22 = arith.constant 0 : i32
    %add3A_23 = arith.addi %mul3A_21, %add3A_22 : i32
    %multiple_of3A_24 = tpu.assume_multiple %add3A_23, 8 : i32
    "tpu.region"() ({
      %run_scoped3A_129 = tpu.sem_alloc : memref<!tpu.dma_semaphore, #tpu.memory_space<semaphore_mem>>
      %dma_start3A_130 = arith.constant 0 : i32
      %dma_start3A_131 = tpu.memref_slice %arg3[%multiple_of3A_24, %dma_start3A_130] : memref<2560x125xi32, #tpu.memory_space<hbm>> -> memref<40x125xi32, #tpu.memory_space<hbm>>
      %dma_start3A_132 = arith.constant 0 : i32
      %dma_start3A_133 = tpu.memref_slice %arg3[%multiple_of3A_24, %dma_start3A_132] : memref<2560x125xi32, #tpu.memory_space<hbm>> -> memref<40x125xi32, #tpu.memory_space<hbm>>
      tpu.enqueue_dma source(%dma_start3A_133 : memref<40x125xi32, #tpu.memory_space<hbm>>) target(%arg6 : memref<40x125xi32, #tpu.memory_space<vmem>>) target_semaphore(%run_scoped3A_129 : memref<!tpu.dma_semaphore, #tpu.memory_space<semaphore_mem>>)
      %dma_wait3A_134 = arith.constant 0 : i32
      %dma_wait3A_135 = tpu.memref_slice %arg3[%multiple_of3A_24, %dma_wait3A_134] : memref<2560x125xi32, #tpu.memory_space<hbm>> -> memref<40x125xi32, #tpu.memory_space<hbm>>
      %dma_wait3A_136 = arith.constant 0 : i32
      %dma_wait3A_137 = tpu.memref_slice %arg3[%multiple_of3A_24, %dma_wait3A_136] : memref<2560x125xi32, #tpu.memory_space<hbm>> -> memref<40x125xi32, #tpu.memory_space<hbm>>
      tpu.wait_dma2 semaphore(%run_scoped3A_129 : memref<!tpu.dma_semaphore, #tpu.memory_space<semaphore_mem>>) src(%dma_wait3A_137 : memref<40x125xi32, #tpu.memory_space<hbm>>) dst(%arg6 : memref<40x125xi32, #tpu.memory_space<vmem>>)
      tpu.yield
    }) : () -> ()
    "tpu.region"() ({
      %run_scoped3A_129 = tpu.sem_alloc : memref<!tpu.dma_semaphore, #tpu.memory_space<semaphore_mem>>
      %dma_start3A_130 = arith.constant 0 : i32
      %dma_start3A_131 = tpu.memref_slice %arg4[%multiple_of3A_24, %dma_start3A_130] : memref<2560x125xi32, #tpu.memory_space<hbm>> -> memref<40x125xi32, #tpu.memory_space<hbm>>
      %dma_start3A_132 = arith.constant 0 : i32
      %dma_start3A_133 = tpu.memref_slice %arg4[%multiple_of3A_24, %dma_start3A_132] : memref<2560x125xi32, #tpu.memory_space<hbm>> -> memref<40x125xi32, #tpu.memory_space<hbm>>
      tpu.enqueue_dma source(%dma_start3A_133 : memref<40x125xi32, #tpu.memory_space<hbm>>) target(%arg7 : memref<40x125xi32, #tpu.memory_space<vmem>>) target_semaphore(%run_scoped3A_129 : memref<!tpu.dma_semaphore, #tpu.memory_space<semaphore_mem>>)
      %dma_wait3A_134 = arith.constant 0 : i32
      %dma_wait3A_135 = tpu.memref_slice %arg4[%multiple_of3A_24, %dma_wait3A_134] : memref<2560x125xi32, #tpu.memory_space<hbm>> -> memref<40x125xi32, #tpu.memory_space<hbm>>
      %dma_wait3A_136 = arith.constant 0 : i32
      %dma_wait3A_137 = tpu.memref_slice %arg4[%multiple_of3A_24, %dma_wait3A_136] : memref<2560x125xi32, #tpu.memory_space<hbm>> -> memref<40x125xi32, #tpu.memory_space<hbm>>
      tpu.wait_dma2 semaphore(%run_scoped3A_129 : memref<!tpu.dma_semaphore, #tpu.memory_space<semaphore_mem>>) src(%dma_wait3A_137 : memref<40x125xi32, #tpu.memory_space<hbm>>) dst(%arg7 : memref<40x125xi32, #tpu.memory_space<vmem>>)
      tpu.yield
    }) : () -> ()
    %dma_start3A = arith.constant 0 : i32
    %dma_start3A_25 = arith.constant 0 : i32
    %dma_start3A_26 = arith.constant 0 : i32
    %dma_start3A_27 = tpu.memref_slice %arg8[%dma_start3A_25, %dma_start3A_26] : memref<256x128xf32, #tpu.memory_space<vmem>> -> memref<125x128xf32, #tpu.memory_space<vmem>>
    %dma_start3A_28 = arith.constant 0 : i32
    %dma_start3A_29 = tpu.memref_slice %arg6[%dma_start3A, %dma_start3A_28] : memref<40x125xi32, #tpu.memory_space<vmem>> -> memref<1x125xi32, #tpu.memory_space<vmem>>
    %dma_start3A_30 = tpu.memref_squeeze %dma_start3A_29 : memref<1x125xi32, #tpu.memory_space<vmem>> -> memref<125xi32, #tpu.memory_space<vmem>>
    %dma_start3A_31 = arith.constant 0 : i32
    %dma_start3A_32 = arith.constant 0 : i32
    %dma_start3A_33 = tpu.memref_slice %arg2[%dma_start3A_31, %dma_start3A_32] : memref<10000x128xf32, #tpu.memory_space<hbm>> -> memref<10000x128xf32, #tpu.memory_space<hbm>>
    tpu.enqueue_indirect_dma source(%dma_start3A_33 : memref<10000x128xf32, #tpu.memory_space<hbm>>) target(%dma_start3A_27 : memref<125x128xf32, #tpu.memory_space<vmem>>) offsets(%dma_start3A_30 : memref<125xi32, #tpu.memory_space<vmem>>) semaphore(%arg10 : memref<!tpu.dma_semaphore, #tpu.memory_space<semaphore_mem>>)
    %dma_start3A_34 = arith.constant 1 : i32
    %dma_start3A_35 = arith.constant 128 : i32
    %dma_start3A_36 = arith.constant 0 : i32
    %dma_start3A_37 = tpu.memref_slice %arg8[%dma_start3A_35, %dma_start3A_36] : memref<256x128xf32, #tpu.memory_space<vmem>> -> memref<125x128xf32, #tpu.memory_space<vmem>>
    %dma_start3A_38 = arith.constant 0 : i32
    %dma_start3A_39 = tpu.memref_slice %arg6[%dma_start3A_34, %dma_start3A_38] : memref<40x125xi32, #tpu.memory_space<vmem>> -> memref<1x125xi32, #tpu.memory_space<vmem>>
    %dma_start3A_40 = tpu.memref_squeeze %dma_start3A_39 : memref<1x125xi32, #tpu.memory_space<vmem>> -> memref<125xi32, #tpu.memory_space<vmem>>
    %dma_start3A_41 = arith.constant 0 : i32
    %dma_start3A_42 = arith.constant 0 : i32
    %dma_start3A_43 = tpu.memref_slice %arg2[%dma_start3A_41, %dma_start3A_42] : memref<10000x128xf32, #tpu.memory_space<hbm>> -> memref<10000x128xf32, #tpu.memory_space<hbm>>
    tpu.enqueue_indirect_dma source(%dma_start3A_43 : memref<10000x128xf32, #tpu.memory_space<hbm>>) target(%dma_start3A_37 : memref<125x128xf32, #tpu.memory_space<vmem>>) offsets(%dma_start3A_40 : memref<125xi32, #tpu.memory_space<vmem>>) semaphore(%arg11 : memref<!tpu.dma_semaphore, #tpu.memory_space<semaphore_mem>>)
    %scan3A_44 = arith.constant 0 : i32
    %scan3A_45 = arith.constant 0 : i32
    %scan3A_46 = arith.constant 19 : i32
    %scan3A_47 = arith.addi %scan3A_45, %scan3A_46 : i32
    %scan3A_48 = arith.constant 1 : i32
    %scan3A_49 = scf.for %scan3A_129 = %scan3A_45 to %scan3A_47 step %scan3A_48 iter_args(%scan3A_130 = %scan3A_44) -> (i32)  : i32 {
      %mul3A_131 = arith.constant 2 : i32
      %mul3A_132 = arith.muli %scan3A_129, %mul3A_131 : i32
      %add3A_133 = arith.constant 0 : i32
      %add3A_134 = arith.addi %mul3A_132, %add3A_133 : i32
      %dma_wait3A_135 = arith.constant 0 : i32
      %dma_wait3A_136 = arith.constant 0 : i32
      %dma_wait3A_137 = tpu.memref_slice %arg8[%dma_wait3A_135, %dma_wait3A_136] : memref<256x128xf32, #tpu.memory_space<vmem>> -> memref<125x128xf32, #tpu.memory_space<vmem>>
      %dma_wait3A_138 = arith.constant 0 : i32
      %dma_wait3A_139 = tpu.memref_slice %arg6[%add3A_134, %dma_wait3A_138] : memref<40x125xi32, #tpu.memory_space<vmem>> -> memref<1x125xi32, #tpu.memory_space<vmem>>
      %dma_wait3A_140 = tpu.memref_squeeze %dma_wait3A_139 : memref<1x125xi32, #tpu.memory_space<vmem>> -> memref<125xi32, #tpu.memory_space<vmem>>
      %dma_wait3A_141 = arith.constant 0 : i32
      %dma_wait3A_142 = arith.constant 0 : i32
      %dma_wait3A_143 = tpu.memref_slice %arg2[%dma_wait3A_141, %dma_wait3A_142] : memref<10000x128xf32, #tpu.memory_space<hbm>> -> memref<10000x128xf32, #tpu.memory_space<hbm>>
      tpu.wait_indirect_dma semaphore(%arg10 : memref<!tpu.dma_semaphore, #tpu.memory_space<semaphore_mem>>) src(%dma_wait3A_143 : memref<10000x128xf32, #tpu.memory_space<hbm>>) dst(%dma_wait3A_137 : memref<125x128xf32, #tpu.memory_space<vmem>>)
      %add3A_144 = arith.constant 0 : i32
      %add3A_145 = arith.addi %mul3A_132, %add3A_144 : i32
      "tpu.region"() ({
        %run_scoped3A_186 = tpu.sem_alloc : memref<!tpu.dma_semaphore, #tpu.memory_space<semaphore_mem>>
        %dma_start3A_187 = arith.constant 0 : i32
        %dma_start3A_188 = arith.constant 0 : i32
        %dma_start3A_189 = tpu.memref_slice %arg8[%dma_start3A_187, %dma_start3A_188] : memref<256x128xf32, #tpu.memory_space<vmem>> -> memref<125x128xf32, #tpu.memory_space<vmem>>
        %dma_start3A_190 = arith.constant 0 : i32
        %dma_start3A_191 = tpu.memref_slice %arg7[%add3A_145, %dma_start3A_190] : memref<40x125xi32, #tpu.memory_space<vmem>> -> memref<1x125xi32, #tpu.memory_space<vmem>>
        %dma_start3A_192 = tpu.memref_squeeze %dma_start3A_191 : memref<1x125xi32, #tpu.memory_space<vmem>> -> memref<125xi32, #tpu.memory_space<vmem>>
        %dma_start3A_193 = arith.constant 0 : i32
        %dma_start3A_194 = arith.constant 0 : i32
        %dma_start3A_195 = tpu.memref_slice %arg9[%dma_start3A_193, %dma_start3A_194] : memref<10240x128xf32, #tpu.memory_space<vmem_shared>> -> memref<10240x128xf32, #tpu.memory_space<vmem_shared>>
        tpu.enqueue_indirect_dma source(%dma_start3A_189 : memref<125x128xf32, #tpu.memory_space<vmem>>) target(%dma_start3A_195 : memref<10240x128xf32, #tpu.memory_space<vmem_shared>>) offsets(%dma_start3A_192 : memref<125xi32, #tpu.memory_space<vmem>>) semaphore(%run_scoped3A_186 : memref<!tpu.dma_semaphore, #tpu.memory_space<semaphore_mem>>) {add = true}
        %dma_wait3A_196 = arith.constant 0 : i32
        %dma_wait3A_197 = arith.constant 0 : i32
        %dma_wait3A_198 = tpu.memref_slice %arg8[%dma_wait3A_196, %dma_wait3A_197] : memref<256x128xf32, #tpu.memory_space<vmem>> -> memref<125x128xf32, #tpu.memory_space<vmem>>
        %dma_wait3A_199 = arith.constant 0 : i32
        %dma_wait3A_200 = tpu.memref_slice %arg7[%add3A_145, %dma_wait3A_199] : memref<40x125xi32, #tpu.memory_space<vmem>> -> memref<1x125xi32, #tpu.memory_space<vmem>>
        %dma_wait3A_201 = tpu.memref_squeeze %dma_wait3A_200 : memref<1x125xi32, #tpu.memory_space<vmem>> -> memref<125xi32, #tpu.memory_space<vmem>>
        %dma_wait3A_202 = arith.constant 0 : i32
        %dma_wait3A_203 = arith.constant 0 : i32
        %dma_wait3A_204 = tpu.memref_slice %arg9[%dma_wait3A_202, %dma_wait3A_203] : memref<10240x128xf32, #tpu.memory_space<vmem_shared>> -> memref<10240x128xf32, #tpu.memory_space<vmem_shared>>
        tpu.wait_indirect_dma semaphore(%run_scoped3A_186 : memref<!tpu.dma_semaphore, #tpu.memory_space<semaphore_mem>>) src(%dma_wait3A_198 : memref<125x128xf32, #tpu.memory_space<vmem>>) dst(%dma_wait3A_204 : memref<10240x128xf32, #tpu.memory_space<vmem_shared>>)
        tpu.yield
      }) : () -> ()
      %add3A_146 = arith.constant 0 : i32
      %add3A_147 = arith.addi %mul3A_132, %add3A_146 : i32
      %add3A_148 = arith.constant 2 : i32
      %add3A_149 = arith.addi %add3A_147, %add3A_148 : i32
      %dma_start3A_150 = arith.constant 0 : i32
      %dma_start3A_151 = arith.constant 0 : i32
      %dma_start3A_152 = tpu.memref_slice %arg8[%dma_start3A_150, %dma_start3A_151] : memref<256x128xf32, #tpu.memory_space<vmem>> -> memref<125x128xf32, #tpu.memory_space<vmem>>
      %dma_start3A_153 = arith.constant 0 : i32
      %dma_start3A_154 = tpu.memref_slice %arg6[%add3A_149, %dma_start3A_153] : memref<40x125xi32, #tpu.memory_space<vmem>> -> memref<1x125xi32, #tpu.memory_space<vmem>>
      %dma_start3A_155 = tpu.memref_squeeze %dma_start3A_154 : memref<1x125xi32, #tpu.memory_space<vmem>> -> memref<125xi32, #tpu.memory_space<vmem>>
      %dma_start3A_156 = arith.constant 0 : i32
      %dma_start3A_157 = arith.constant 0 : i32
      %dma_start3A_158 = tpu.memref_slice %arg2[%dma_start3A_156, %dma_start3A_157] : memref<10000x128xf32, #tpu.memory_space<hbm>> -> memref<10000x128xf32, #tpu.memory_space<hbm>>
      tpu.enqueue_indirect_dma source(%dma_start3A_158 : memref<10000x128xf32, #tpu.memory_space<hbm>>) target(%dma_start3A_152 : memref<125x128xf32, #tpu.memory_space<vmem>>) offsets(%dma_start3A_155 : memref<125xi32, #tpu.memory_space<vmem>>) semaphore(%arg10 : memref<!tpu.dma_semaphore, #tpu.memory_space<semaphore_mem>>)
      %add3A_159 = arith.constant 1 : i32
      %add3A_160 = arith.addi %mul3A_132, %add3A_159 : i32
      %dma_wait3A_161 = arith.constant 128 : i32
      %dma_wait3A_162 = arith.constant 0 : i32
      %dma_wait3A_163 = tpu.memref_slice %arg8[%dma_wait3A_161, %dma_wait3A_162] : memref<256x128xf32, #tpu.memory_space<vmem>> -> memref<125x128xf32, #tpu.memory_space<vmem>>
      %dma_wait3A_164 = arith.constant 0 : i32
      %dma_wait3A_165 = tpu.memref_slice %arg6[%add3A_160, %dma_wait3A_164] : memref<40x125xi32, #tpu.memory_space<vmem>> -> memref<1x125xi32, #tpu.memory_space<vmem>>
      %dma_wait3A_166 = tpu.memref_squeeze %dma_wait3A_165 : memref<1x125xi32, #tpu.memory_space<vmem>> -> memref<125xi32, #tpu.memory_space<vmem>>
      %dma_wait3A_167 = arith.constant 0 : i32
      %dma_wait3A_168 = arith.constant 0 : i32
      %dma_wait3A_169 = tpu.memref_slice %arg2[%dma_wait3A_167, %dma_wait3A_168] : memref<10000x128xf32, #tpu.memory_space<hbm>> -> memref<10000x128xf32, #tpu.memory_space<hbm>>
      tpu.wait_indirect_dma semaphore(%arg11 : memref<!tpu.dma_semaphore, #tpu.memory_space<semaphore_mem>>) src(%dma_wait3A_169 : memref<10000x128xf32, #tpu.memory_space<hbm>>) dst(%dma_wait3A_163 : memref<125x128xf32, #tpu.memory_space<vmem>>)
      %add3A_170 = arith.constant 1 : i32
      %add3A_171 = arith.addi %mul3A_132, %add3A_170 : i32
      "tpu.region"() ({
        %run_scoped3A_186 = tpu.sem_alloc : memref<!tpu.dma_semaphore, #tpu.memory_space<semaphore_mem>>
        %dma_start3A_187 = arith.constant 128 : i32
        %dma_start3A_188 = arith.constant 0 : i32
        %dma_start3A_189 = tpu.memref_slice %arg8[%dma_start3A_187, %dma_start3A_188] : memref<256x128xf32, #tpu.memory_space<vmem>> -> memref<125x128xf32, #tpu.memory_space<vmem>>
        %dma_start3A_190 = arith.constant 0 : i32
        %dma_start3A_191 = tpu.memref_slice %arg7[%add3A_171, %dma_start3A_190] : memref<40x125xi32, #tpu.memory_space<vmem>> -> memref<1x125xi32, #tpu.memory_space<vmem>>
        %dma_start3A_192 = tpu.memref_squeeze %dma_start3A_191 : memref<1x125xi32, #tpu.memory_space<vmem>> -> memref<125xi32, #tpu.memory_space<vmem>>
        %dma_start3A_193 = arith.constant 0 : i32
        %dma_start3A_194 = arith.constant 0 : i32
        %dma_start3A_195 = tpu.memref_slice %arg9[%dma_start3A_193, %dma_start3A_194] : memref<10240x128xf32, #tpu.memory_space<vmem_shared>> -> memref<10240x128xf32, #tpu.memory_space<vmem_shared>>
        tpu.enqueue_indirect_dma source(%dma_start3A_189 : memref<125x128xf32, #tpu.memory_space<vmem>>) target(%dma_start3A_195 : memref<10240x128xf32, #tpu.memory_space<vmem_shared>>) offsets(%dma_start3A_192 : memref<125xi32, #tpu.memory_space<vmem>>) semaphore(%run_scoped3A_186 : memref<!tpu.dma_semaphore, #tpu.memory_space<semaphore_mem>>) {add = true}
        %dma_wait3A_196 = arith.constant 128 : i32
        %dma_wait3A_197 = arith.constant 0 : i32
        %dma_wait3A_198 = tpu.memref_slice %arg8[%dma_wait3A_196, %dma_wait3A_197] : memref<256x128xf32, #tpu.memory_space<vmem>> -> memref<125x128xf32, #tpu.memory_space<vmem>>
        %dma_wait3A_199 = arith.constant 0 : i32
        %dma_wait3A_200 = tpu.memref_slice %arg7[%add3A_171, %dma_wait3A_199] : memref<40x125xi32, #tpu.memory_space<vmem>> -> memref<1x125xi32, #tpu.memory_space<vmem>>
        %dma_wait3A_201 = tpu.memref_squeeze %dma_wait3A_200 : memref<1x125xi32, #tpu.memory_space<vmem>> -> memref<125xi32, #tpu.memory_space<vmem>>
        %dma_wait3A_202 = arith.constant 0 : i32
        %dma_wait3A_203 = arith.constant 0 : i32
        %dma_wait3A_204 = tpu.memref_slice %arg9[%dma_wait3A_202, %dma_wait3A_203] : memref<10240x128xf32, #tpu.memory_space<vmem_shared>> -> memref<10240x128xf32, #tpu.memory_space<vmem_shared>>
        tpu.wait_indirect_dma semaphore(%run_scoped3A_186 : memref<!tpu.dma_semaphore, #tpu.memory_space<semaphore_mem>>) src(%dma_wait3A_198 : memref<125x128xf32, #tpu.memory_space<vmem>>) dst(%dma_wait3A_204 : memref<10240x128xf32, #tpu.memory_space<vmem_shared>>)
        tpu.yield
      }) : () -> ()
      %add3A_172 = arith.constant 1 : i32
      %add3A_173 = arith.addi %mul3A_132, %add3A_172 : i32
      %add3A_174 = arith.constant 2 : i32
      %add3A_175 = arith.addi %add3A_173, %add3A_174 : i32
      %dma_start3A_176 = arith.constant 128 : i32
      %dma_start3A_177 = arith.constant 0 : i32
      %dma_start3A_178 = tpu.memref_slice %arg8[%dma_start3A_176, %dma_start3A_177] : memref<256x128xf32, #tpu.memory_space<vmem>> -> memref<125x128xf32, #tpu.memory_space<vmem>>
      %dma_start3A_179 = arith.constant 0 : i32
      %dma_start3A_180 = tpu.memref_slice %arg6[%add3A_175, %dma_start3A_179] : memref<40x125xi32, #tpu.memory_space<vmem>> -> memref<1x125xi32, #tpu.memory_space<vmem>>
      %dma_start3A_181 = tpu.memref_squeeze %dma_start3A_180 : memref<1x125xi32, #tpu.memory_space<vmem>> -> memref<125xi32, #tpu.memory_space<vmem>>
      %dma_start3A_182 = arith.constant 0 : i32
      %dma_start3A_183 = arith.constant 0 : i32
      %dma_start3A_184 = tpu.memref_slice %arg2[%dma_start3A_182, %dma_start3A_183] : memref<10000x128xf32, #tpu.memory_space<hbm>> -> memref<10000x128xf32, #tpu.memory_space<hbm>>
      tpu.enqueue_indirect_dma source(%dma_start3A_184 : memref<10000x128xf32, #tpu.memory_space<hbm>>) target(%dma_start3A_178 : memref<125x128xf32, #tpu.memory_space<vmem>>) offsets(%dma_start3A_181 : memref<125xi32, #tpu.memory_space<vmem>>) semaphore(%arg11 : memref<!tpu.dma_semaphore, #tpu.memory_space<semaphore_mem>>)
      %scan3A_185 = arith.constant 0 : i32
      scf.yield %scan3A_185 : i32
    }
    %scan3A_50 = arith.constant 19 : i32
    %dma_wait3A = arith.constant 38 : i32
    %dma_wait3A_51 = arith.constant 0 : i32
    %dma_wait3A_52 = arith.constant 0 : i32
    %dma_wait3A_53 = tpu.memref_slice %arg8[%dma_wait3A_51, %dma_wait3A_52] : memref<256x128xf32, #tpu.memory_space<vmem>> -> memref<125x128xf32, #tpu.memory_space<vmem>>
    %dma_wait3A_54 = arith.constant 0 : i32
    %dma_wait3A_55 = tpu.memref_slice %arg6[%dma_wait3A, %dma_wait3A_54] : memref<40x125xi32, #tpu.memory_space<vmem>> -> memref<1x125xi32, #tpu.memory_space<vmem>>
    %dma_wait3A_56 = tpu.memref_squeeze %dma_wait3A_55 : memref<1x125xi32, #tpu.memory_space<vmem>> -> memref<125xi32, #tpu.memory_space<vmem>>
    %dma_wait3A_57 = arith.constant 0 : i32
    %dma_wait3A_58 = arith.constant 0 : i32
    %dma_wait3A_59 = tpu.memref_slice %arg2[%dma_wait3A_57, %dma_wait3A_58] : memref<10000x128xf32, #tpu.memory_space<hbm>> -> memref<10000x128xf32, #tpu.memory_space<hbm>>
    tpu.wait_indirect_dma semaphore(%arg10 : memref<!tpu.dma_semaphore, #tpu.memory_space<semaphore_mem>>) src(%dma_wait3A_59 : memref<10000x128xf32, #tpu.memory_space<hbm>>) dst(%dma_wait3A_53 : memref<125x128xf32, #tpu.memory_space<vmem>>)
    %run_scoped3A = arith.constant 38 : i32
    "tpu.region"() ({
      %run_scoped3A_129 = tpu.sem_alloc : memref<!tpu.dma_semaphore, #tpu.memory_space<semaphore_mem>>
      %dma_start3A_130 = arith.constant 0 : i32
      %dma_start3A_131 = arith.constant 0 : i32
      %dma_start3A_132 = tpu.memref_slice %arg8[%dma_start3A_130, %dma_start3A_131] : memref<256x128xf32, #tpu.memory_space<vmem>> -> memref<125x128xf32, #tpu.memory_space<vmem>>
      %dma_start3A_133 = arith.constant 0 : i32
      %dma_start3A_134 = tpu.memref_slice %arg7[%run_scoped3A, %dma_start3A_133] : memref<40x125xi32, #tpu.memory_space<vmem>> -> memref<1x125xi32, #tpu.memory_space<vmem>>
      %dma_start3A_135 = tpu.memref_squeeze %dma_start3A_134 : memref<1x125xi32, #tpu.memory_space<vmem>> -> memref<125xi32, #tpu.memory_space<vmem>>
      %dma_start3A_136 = arith.constant 0 : i32
      %dma_start3A_137 = arith.constant 0 : i32
      %dma_start3A_138 = tpu.memref_slice %arg9[%dma_start3A_136, %dma_start3A_137] : memref<10240x128xf32, #tpu.memory_space<vmem_shared>> -> memref<10240x128xf32, #tpu.memory_space<vmem_shared>>
      tpu.enqueue_indirect_dma source(%dma_start3A_132 : memref<125x128xf32, #tpu.memory_space<vmem>>) target(%dma_start3A_138 : memref<10240x128xf32, #tpu.memory_space<vmem_shared>>) offsets(%dma_start3A_135 : memref<125xi32, #tpu.memory_space<vmem>>) semaphore(%run_scoped3A_129 : memref<!tpu.dma_semaphore, #tpu.memory_space<semaphore_mem>>) {add = true}
      %dma_wait3A_139 = arith.constant 0 : i32
      %dma_wait3A_140 = arith.constant 0 : i32
      %dma_wait3A_141 = tpu.memref_slice %arg8[%dma_wait3A_139, %dma_wait3A_140] : memref<256x128xf32, #tpu.memory_space<vmem>> -> memref<125x128xf32, #tpu.memory_space<vmem>>
      %dma_wait3A_142 = arith.constant 0 : i32
      %dma_wait3A_143 = tpu.memref_slice %arg7[%run_scoped3A, %dma_wait3A_142] : memref<40x125xi32, #tpu.memory_space<vmem>> -> memref<1x125xi32, #tpu.memory_space<vmem>>
      %dma_wait3A_144 = tpu.memref_squeeze %dma_wait3A_143 : memref<1x125xi32, #tpu.memory_space<vmem>> -> memref<125xi32, #tpu.memory_space<vmem>>
      %dma_wait3A_145 = arith.constant 0 : i32
      %dma_wait3A_146 = arith.constant 0 : i32
      %dma_wait3A_147 = tpu.memref_slice %arg9[%dma_wait3A_145, %dma_wait3A_146] : memref<10240x128xf32, #tpu.memory_space<vmem_shared>> -> memref<10240x128xf32, #tpu.memory_space<vmem_shared>>
      tpu.wait_indirect_dma semaphore(%run_scoped3A_129 : memref<!tpu.dma_semaphore, #tpu.memory_space<semaphore_mem>>) src(%dma_wait3A_141 : memref<125x128xf32, #tpu.memory_space<vmem>>) dst(%dma_wait3A_147 : memref<10240x128xf32, #tpu.memory_space<vmem_shared>>)
      tpu.yield
    }) : () -> ()
    %dma_wait3A_60 = arith.constant 39 : i32
    %dma_wait3A_61 = arith.constant 128 : i32
    %dma_wait3A_62 = arith.constant 0 : i32
    %dma_wait3A_63 = tpu.memref_slice %arg8[%dma_wait3A_61, %dma_wait3A_62] : memref<256x128xf32, #tpu.memory_space<vmem>> -> memref<125x128xf32, #tpu.memory_space<vmem>>
    %dma_wait3A_64 = arith.constant 0 : i32
    %dma_wait3A_65 = tpu.memref_slice %arg6[%dma_wait3A_60, %dma_wait3A_64] : memref<40x125xi32, #tpu.memory_space<vmem>> -> memref<1x125xi32, #tpu.memory_space<vmem>>
    %dma_wait3A_66 = tpu.memref_squeeze %dma_wait3A_65 : memref<1x125xi32, #tpu.memory_space<vmem>> -> memref<125xi32, #tpu.memory_space<vmem>>
    %dma_wait3A_67 = arith.constant 0 : i32
    %dma_wait3A_68 = arith.constant 0 : i32
    %dma_wait3A_69 = tpu.memref_slice %arg2[%dma_wait3A_67, %dma_wait3A_68] : memref<10000x128xf32, #tpu.memory_space<hbm>> -> memref<10000x128xf32, #tpu.memory_space<hbm>>
    tpu.wait_indirect_dma semaphore(%arg11 : memref<!tpu.dma_semaphore, #tpu.memory_space<semaphore_mem>>) src(%dma_wait3A_69 : memref<10000x128xf32, #tpu.memory_space<hbm>>) dst(%dma_wait3A_63 : memref<125x128xf32, #tpu.memory_space<vmem>>)
    %run_scoped3A_70 = arith.constant 39 : i32
    "tpu.region"() ({
      %run_scoped3A_129 = tpu.sem_alloc : memref<!tpu.dma_semaphore, #tpu.memory_space<semaphore_mem>>
      %dma_start3A_130 = arith.constant 128 : i32
      %dma_start3A_131 = arith.constant 0 : i32
      %dma_start3A_132 = tpu.memref_slice %arg8[%dma_start3A_130, %dma_start3A_131] : memref<256x128xf32, #tpu.memory_space<vmem>> -> memref<125x128xf32, #tpu.memory_space<vmem>>
      %dma_start3A_133 = arith.constant 0 : i32
      %dma_start3A_134 = tpu.memref_slice %arg7[%run_scoped3A_70, %dma_start3A_133] : memref<40x125xi32, #tpu.memory_space<vmem>> -> memref<1x125xi32, #tpu.memory_space<vmem>>
      %dma_start3A_135 = tpu.memref_squeeze %dma_start3A_134 : memref<1x125xi32, #tpu.memory_space<vmem>> -> memref<125xi32, #tpu.memory_space<vmem>>
      %dma_start3A_136 = arith.constant 0 : i32
      %dma_start3A_137 = arith.constant 0 : i32
      %dma_start3A_138 = tpu.memref_slice %arg9[%dma_start3A_136, %dma_start3A_137] : memref<10240x128xf32, #tpu.memory_space<vmem_shared>> -> memref<10240x128xf32, #tpu.memory_space<vmem_shared>>
      tpu.enqueue_indirect_dma source(%dma_start3A_132 : memref<125x128xf32, #tpu.memory_space<vmem>>) target(%dma_start3A_138 : memref<10240x128xf32, #tpu.memory_space<vmem_shared>>) offsets(%dma_start3A_135 : memref<125xi32, #tpu.memory_space<vmem>>) semaphore(%run_scoped3A_129 : memref<!tpu.dma_semaphore, #tpu.memory_space<semaphore_mem>>) {add = true}
      %dma_wait3A_139 = arith.constant 128 : i32
      %dma_wait3A_140 = arith.constant 0 : i32
      %dma_wait3A_141 = tpu.memref_slice %arg8[%dma_wait3A_139, %dma_wait3A_140] : memref<256x128xf32, #tpu.memory_space<vmem>> -> memref<125x128xf32, #tpu.memory_space<vmem>>
      %dma_wait3A_142 = arith.constant 0 : i32
      %dma_wait3A_143 = tpu.memref_slice %arg7[%run_scoped3A_70, %dma_wait3A_142] : memref<40x125xi32, #tpu.memory_space<vmem>> -> memref<1x125xi32, #tpu.memory_space<vmem>>
      %dma_wait3A_144 = tpu.memref_squeeze %dma_wait3A_143 : memref<1x125xi32, #tpu.memory_space<vmem>> -> memref<125xi32, #tpu.memory_space<vmem>>
      %dma_wait3A_145 = arith.constant 0 : i32
      %dma_wait3A_146 = arith.constant 0 : i32
      %dma_wait3A_147 = tpu.memref_slice %arg9[%dma_wait3A_145, %dma_wait3A_146] : memref<10240x128xf32, #tpu.memory_space<vmem_shared>> -> memref<10240x128xf32, #tpu.memory_space<vmem_shared>>
      tpu.wait_indirect_dma semaphore(%run_scoped3A_129 : memref<!tpu.dma_semaphore, #tpu.memory_space<semaphore_mem>>) src(%dma_wait3A_141 : memref<125x128xf32, #tpu.memory_space<vmem>>) dst(%dma_wait3A_147 : memref<10240x128xf32, #tpu.memory_space<vmem_shared>>)
      tpu.yield
    }) : () -> ()
    %mul3A_71 = arith.constant 16 : i32
    %mul3A_72 = arith.muli %arg0, %mul3A_71 : i32
    %add3A_73 = arith.addi %mul3A_72, %arg1 : i32
    %mul3A_74 = arith.constant 80 : i32
    %mul3A_75 = arith.muli %add3A_73, %mul3A_74 : i32
    %add3A_76 = arith.constant 40 : i32
    %add3A_77 = arith.addi %mul3A_75, %add3A_76 : i32
    %multiple_of3A_78 = tpu.assume_multiple %add3A_77, 8 : i32
    "tpu.region"() ({
      %run_scoped3A_129 = tpu.sem_alloc : memref<!tpu.dma_semaphore, #tpu.memory_space<semaphore_mem>>
      %dma_start3A_130 = arith.constant 0 : i32
      %dma_start3A_131 = tpu.memref_slice %arg3[%multiple_of3A_78, %dma_start3A_130] : memref<2560x125xi32, #tpu.memory_space<hbm>> -> memref<40x125xi32, #tpu.memory_space<hbm>>
      %dma_start3A_132 = arith.constant 0 : i32
      %dma_start3A_133 = tpu.memref_slice %arg3[%multiple_of3A_78, %dma_start3A_132] : memref<2560x125xi32, #tpu.memory_space<hbm>> -> memref<40x125xi32, #tpu.memory_space<hbm>>
      tpu.enqueue_dma source(%dma_start3A_133 : memref<40x125xi32, #tpu.memory_space<hbm>>) target(%arg6 : memref<40x125xi32, #tpu.memory_space<vmem>>) target_semaphore(%run_scoped3A_129 : memref<!tpu.dma_semaphore, #tpu.memory_space<semaphore_mem>>)
      %dma_wait3A_134 = arith.constant 0 : i32
      %dma_wait3A_135 = tpu.memref_slice %arg3[%multiple_of3A_78, %dma_wait3A_134] : memref<2560x125xi32, #tpu.memory_space<hbm>> -> memref<40x125xi32, #tpu.memory_space<hbm>>
      %dma_wait3A_136 = arith.constant 0 : i32
      %dma_wait3A_137 = tpu.memref_slice %arg3[%multiple_of3A_78, %dma_wait3A_136] : memref<2560x125xi32, #tpu.memory_space<hbm>> -> memref<40x125xi32, #tpu.memory_space<hbm>>
      tpu.wait_dma2 semaphore(%run_scoped3A_129 : memref<!tpu.dma_semaphore, #tpu.memory_space<semaphore_mem>>) src(%dma_wait3A_137 : memref<40x125xi32, #tpu.memory_space<hbm>>) dst(%arg6 : memref<40x125xi32, #tpu.memory_space<vmem>>)
      tpu.yield
    }) : () -> ()
    "tpu.region"() ({
      %run_scoped3A_129 = tpu.sem_alloc : memref<!tpu.dma_semaphore, #tpu.memory_space<semaphore_mem>>
      %dma_start3A_130 = arith.constant 0 : i32
      %dma_start3A_131 = tpu.memref_slice %arg4[%multiple_of3A_78, %dma_start3A_130] : memref<2560x125xi32, #tpu.memory_space<hbm>> -> memref<40x125xi32, #tpu.memory_space<hbm>>
      %dma_start3A_132 = arith.constant 0 : i32
      %dma_start3A_133 = tpu.memref_slice %arg4[%multiple_of3A_78, %dma_start3A_132] : memref<2560x125xi32, #tpu.memory_space<hbm>> -> memref<40x125xi32, #tpu.memory_space<hbm>>
      tpu.enqueue_dma source(%dma_start3A_133 : memref<40x125xi32, #tpu.memory_space<hbm>>) target(%arg7 : memref<40x125xi32, #tpu.memory_space<vmem>>) target_semaphore(%run_scoped3A_129 : memref<!tpu.dma_semaphore, #tpu.memory_space<semaphore_mem>>)
      %dma_wait3A_134 = arith.constant 0 : i32
      %dma_wait3A_135 = tpu.memref_slice %arg4[%multiple_of3A_78, %dma_wait3A_134] : memref<2560x125xi32, #tpu.memory_space<hbm>> -> memref<40x125xi32, #tpu.memory_space<hbm>>
      %dma_wait3A_136 = arith.constant 0 : i32
      %dma_wait3A_137 = tpu.memref_slice %arg4[%multiple_of3A_78, %dma_wait3A_136] : memref<2560x125xi32, #tpu.memory_space<hbm>> -> memref<40x125xi32, #tpu.memory_space<hbm>>
      tpu.wait_dma2 semaphore(%run_scoped3A_129 : memref<!tpu.dma_semaphore, #tpu.memory_space<semaphore_mem>>) src(%dma_wait3A_137 : memref<40x125xi32, #tpu.memory_space<hbm>>) dst(%arg7 : memref<40x125xi32, #tpu.memory_space<vmem>>)
      tpu.yield
    }) : () -> ()
    %dma_start3A_79 = arith.constant 0 : i32
    %dma_start3A_80 = arith.constant 0 : i32
    %dma_start3A_81 = arith.constant 0 : i32
    %dma_start3A_82 = tpu.memref_slice %arg8[%dma_start3A_80, %dma_start3A_81] : memref<256x128xf32, #tpu.memory_space<vmem>> -> memref<125x128xf32, #tpu.memory_space<vmem>>
    %dma_start3A_83 = arith.constant 0 : i32
    %dma_start3A_84 = tpu.memref_slice %arg6[%dma_start3A_79, %dma_start3A_83] : memref<40x125xi32, #tpu.memory_space<vmem>> -> memref<1x125xi32, #tpu.memory_space<vmem>>
    %dma_start3A_85 = tpu.memref_squeeze %dma_start3A_84 : memref<1x125xi32, #tpu.memory_space<vmem>> -> memref<125xi32, #tpu.memory_space<vmem>>
    %dma_start3A_86 = arith.constant 0 : i32
    %dma_start3A_87 = arith.constant 0 : i32
    %dma_start3A_88 = tpu.memref_slice %arg2[%dma_start3A_86, %dma_start3A_87] : memref<10000x128xf32, #tpu.memory_space<hbm>> -> memref<10000x128xf32, #tpu.memory_space<hbm>>
    tpu.enqueue_indirect_dma source(%dma_start3A_88 : memref<10000x128xf32, #tpu.memory_space<hbm>>) target(%dma_start3A_82 : memref<125x128xf32, #tpu.memory_space<vmem>>) offsets(%dma_start3A_85 : memref<125xi32, #tpu.memory_space<vmem>>) semaphore(%arg10 : memref<!tpu.dma_semaphore, #tpu.memory_space<semaphore_mem>>)
    %dma_start3A_89 = arith.constant 1 : i32
    %dma_start3A_90 = arith.constant 128 : i32
    %dma_start3A_91 = arith.constant 0 : i32
    %dma_start3A_92 = tpu.memref_slice %arg8[%dma_start3A_90, %dma_start3A_91] : memref<256x128xf32, #tpu.memory_space<vmem>> -> memref<125x128xf32, #tpu.memory_space<vmem>>
    %dma_start3A_93 = arith.constant 0 : i32
    %dma_start3A_94 = tpu.memref_slice %arg6[%dma_start3A_89, %dma_start3A_93] : memref<40x125xi32, #tpu.memory_space<vmem>> -> memref<1x125xi32, #tpu.memory_space<vmem>>
    %dma_start3A_95 = tpu.memref_squeeze %dma_start3A_94 : memref<1x125xi32, #tpu.memory_space<vmem>> -> memref<125xi32, #tpu.memory_space<vmem>>
    %dma_start3A_96 = arith.constant 0 : i32
    %dma_start3A_97 = arith.constant 0 : i32
    %dma_start3A_98 = tpu.memref_slice %arg2[%dma_start3A_96, %dma_start3A_97] : memref<10000x128xf32, #tpu.memory_space<hbm>> -> memref<10000x128xf32, #tpu.memory_space<hbm>>
    tpu.enqueue_indirect_dma source(%dma_start3A_98 : memref<10000x128xf32, #tpu.memory_space<hbm>>) target(%dma_start3A_92 : memref<125x128xf32, #tpu.memory_space<vmem>>) offsets(%dma_start3A_95 : memref<125xi32, #tpu.memory_space<vmem>>) semaphore(%arg11 : memref<!tpu.dma_semaphore, #tpu.memory_space<semaphore_mem>>)
    %scan3A_99 = arith.constant 0 : i32
    %scan3A_100 = arith.constant 0 : i32
    %scan3A_101 = arith.constant 19 : i32
    %scan3A_102 = arith.addi %scan3A_100, %scan3A_101 : i32
    %scan3A_103 = arith.constant 1 : i32
    %scan3A_104 = scf.for %scan3A_129 = %scan3A_100 to %scan3A_102 step %scan3A_103 iter_args(%scan3A_130 = %scan3A_99) -> (i32)  : i32 {
      %mul3A_131 = arith.constant 2 : i32
      %mul3A_132 = arith.muli %scan3A_129, %mul3A_131 : i32
      %add3A_133 = arith.constant 0 : i32
      %add3A_134 = arith.addi %mul3A_132, %add3A_133 : i32
      %dma_wait3A_135 = arith.constant 0 : i32
      %dma_wait3A_136 = arith.constant 0 : i32
      %dma_wait3A_137 = tpu.memref_slice %arg8[%dma_wait3A_135, %dma_wait3A_136] : memref<256x128xf32, #tpu.memory_space<vmem>> -> memref<125x128xf32, #tpu.memory_space<vmem>>
      %dma_wait3A_138 = arith.constant 0 : i32
      %dma_wait3A_139 = tpu.memref_slice %arg6[%add3A_134, %dma_wait3A_138] : memref<40x125xi32, #tpu.memory_space<vmem>> -> memref<1x125xi32, #tpu.memory_space<vmem>>
      %dma_wait3A_140 = tpu.memref_squeeze %dma_wait3A_139 : memref<1x125xi32, #tpu.memory_space<vmem>> -> memref<125xi32, #tpu.memory_space<vmem>>
      %dma_wait3A_141 = arith.constant 0 : i32
      %dma_wait3A_142 = arith.constant 0 : i32
      %dma_wait3A_143 = tpu.memref_slice %arg2[%dma_wait3A_141, %dma_wait3A_142] : memref<10000x128xf32, #tpu.memory_space<hbm>> -> memref<10000x128xf32, #tpu.memory_space<hbm>>
      tpu.wait_indirect_dma semaphore(%arg10 : memref<!tpu.dma_semaphore, #tpu.memory_space<semaphore_mem>>) src(%dma_wait3A_143 : memref<10000x128xf32, #tpu.memory_space<hbm>>) dst(%dma_wait3A_137 : memref<125x128xf32, #tpu.memory_space<vmem>>)
      %add3A_144 = arith.constant 0 : i32
      %add3A_145 = arith.addi %mul3A_132, %add3A_144 : i32
      "tpu.region"() ({
        %run_scoped3A_186 = tpu.sem_alloc : memref<!tpu.dma_semaphore, #tpu.memory_space<semaphore_mem>>
        %dma_start3A_187 = arith.constant 0 : i32
        %dma_start3A_188 = arith.constant 0 : i32
        %dma_start3A_189 = tpu.memref_slice %arg8[%dma_start3A_187, %dma_start3A_188] : memref<256x128xf32, #tpu.memory_space<vmem>> -> memref<125x128xf32, #tpu.memory_space<vmem>>
        %dma_start3A_190 = arith.constant 0 : i32
        %dma_start3A_191 = tpu.memref_slice %arg7[%add3A_145, %dma_start3A_190] : memref<40x125xi32, #tpu.memory_space<vmem>> -> memref<1x125xi32, #tpu.memory_space<vmem>>
        %dma_start3A_192 = tpu.memref_squeeze %dma_start3A_191 : memref<1x125xi32, #tpu.memory_space<vmem>> -> memref<125xi32, #tpu.memory_space<vmem>>
        %dma_start3A_193 = arith.constant 0 : i32
        %dma_start3A_194 = arith.constant 0 : i32
        %dma_start3A_195 = tpu.memref_slice %arg9[%dma_start3A_193, %dma_start3A_194] : memref<10240x128xf32, #tpu.memory_space<vmem_shared>> -> memref<10240x128xf32, #tpu.memory_space<vmem_shared>>
        tpu.enqueue_indirect_dma source(%dma_start3A_189 : memref<125x128xf32, #tpu.memory_space<vmem>>) target(%dma_start3A_195 : memref<10240x128xf32, #tpu.memory_space<vmem_shared>>) offsets(%dma_start3A_192 : memref<125xi32, #tpu.memory_space<vmem>>) semaphore(%run_scoped3A_186 : memref<!tpu.dma_semaphore, #tpu.memory_space<semaphore_mem>>) {add = true}
        %dma_wait3A_196 = arith.constant 0 : i32
        %dma_wait3A_197 = arith.constant 0 : i32
        %dma_wait3A_198 = tpu.memref_slice %arg8[%dma_wait3A_196, %dma_wait3A_197] : memref<256x128xf32, #tpu.memory_space<vmem>> -> memref<125x128xf32, #tpu.memory_space<vmem>>
        %dma_wait3A_199 = arith.constant 0 : i32
        %dma_wait3A_200 = tpu.memref_slice %arg7[%add3A_145, %dma_wait3A_199] : memref<40x125xi32, #tpu.memory_space<vmem>> -> memref<1x125xi32, #tpu.memory_space<vmem>>
        %dma_wait3A_201 = tpu.memref_squeeze %dma_wait3A_200 : memref<1x125xi32, #tpu.memory_space<vmem>> -> memref<125xi32, #tpu.memory_space<vmem>>
        %dma_wait3A_202 = arith.constant 0 : i32
        %dma_wait3A_203 = arith.constant 0 : i32
        %dma_wait3A_204 = tpu.memref_slice %arg9[%dma_wait3A_202, %dma_wait3A_203] : memref<10240x128xf32, #tpu.memory_space<vmem_shared>> -> memref<10240x128xf32, #tpu.memory_space<vmem_shared>>
        tpu.wait_indirect_dma semaphore(%run_scoped3A_186 : memref<!tpu.dma_semaphore, #tpu.memory_space<semaphore_mem>>) src(%dma_wait3A_198 : memref<125x128xf32, #tpu.memory_space<vmem>>) dst(%dma_wait3A_204 : memref<10240x128xf32, #tpu.memory_space<vmem_shared>>)
        tpu.yield
      }) : () -> ()
      %add3A_146 = arith.constant 0 : i32
      %add3A_147 = arith.addi %mul3A_132, %add3A_146 : i32
      %add3A_148 = arith.constant 2 : i32
      %add3A_149 = arith.addi %add3A_147, %add3A_148 : i32
      %dma_start3A_150 = arith.constant 0 : i32
      %dma_start3A_151 = arith.constant 0 : i32
      %dma_start3A_152 = tpu.memref_slice %arg8[%dma_start3A_150, %dma_start3A_151] : memref<256x128xf32, #tpu.memory_space<vmem>> -> memref<125x128xf32, #tpu.memory_space<vmem>>
      %dma_start3A_153 = arith.constant 0 : i32
      %dma_start3A_154 = tpu.memref_slice %arg6[%add3A_149, %dma_start3A_153] : memref<40x125xi32, #tpu.memory_space<vmem>> -> memref<1x125xi32, #tpu.memory_space<vmem>>
      %dma_start3A_155 = tpu.memref_squeeze %dma_start3A_154 : memref<1x125xi32, #tpu.memory_space<vmem>> -> memref<125xi32, #tpu.memory_space<vmem>>
      %dma_start3A_156 = arith.constant 0 : i32
      %dma_start3A_157 = arith.constant 0 : i32
      %dma_start3A_158 = tpu.memref_slice %arg2[%dma_start3A_156, %dma_start3A_157] : memref<10000x128xf32, #tpu.memory_space<hbm>> -> memref<10000x128xf32, #tpu.memory_space<hbm>>
      tpu.enqueue_indirect_dma source(%dma_start3A_158 : memref<10000x128xf32, #tpu.memory_space<hbm>>) target(%dma_start3A_152 : memref<125x128xf32, #tpu.memory_space<vmem>>) offsets(%dma_start3A_155 : memref<125xi32, #tpu.memory_space<vmem>>) semaphore(%arg10 : memref<!tpu.dma_semaphore, #tpu.memory_space<semaphore_mem>>)
      %add3A_159 = arith.constant 1 : i32
      %add3A_160 = arith.addi %mul3A_132, %add3A_159 : i32
      %dma_wait3A_161 = arith.constant 128 : i32
      %dma_wait3A_162 = arith.constant 0 : i32
      %dma_wait3A_163 = tpu.memref_slice %arg8[%dma_wait3A_161, %dma_wait3A_162] : memref<256x128xf32, #tpu.memory_space<vmem>> -> memref<125x128xf32, #tpu.memory_space<vmem>>
      %dma_wait3A_164 = arith.constant 0 : i32
      %dma_wait3A_165 = tpu.memref_slice %arg6[%add3A_160, %dma_wait3A_164] : memref<40x125xi32, #tpu.memory_space<vmem>> -> memref<1x125xi32, #tpu.memory_space<vmem>>
      %dma_wait3A_166 = tpu.memref_squeeze %dma_wait3A_165 : memref<1x125xi32, #tpu.memory_space<vmem>> -> memref<125xi32, #tpu.memory_space<vmem>>
      %dma_wait3A_167 = arith.constant 0 : i32
      %dma_wait3A_168 = arith.constant 0 : i32
      %dma_wait3A_169 = tpu.memref_slice %arg2[%dma_wait3A_167, %dma_wait3A_168] : memref<10000x128xf32, #tpu.memory_space<hbm>> -> memref<10000x128xf32, #tpu.memory_space<hbm>>
      tpu.wait_indirect_dma semaphore(%arg11 : memref<!tpu.dma_semaphore, #tpu.memory_space<semaphore_mem>>) src(%dma_wait3A_169 : memref<10000x128xf32, #tpu.memory_space<hbm>>) dst(%dma_wait3A_163 : memref<125x128xf32, #tpu.memory_space<vmem>>)
      %add3A_170 = arith.constant 1 : i32
      %add3A_171 = arith.addi %mul3A_132, %add3A_170 : i32
      "tpu.region"() ({
        %run_scoped3A_186 = tpu.sem_alloc : memref<!tpu.dma_semaphore, #tpu.memory_space<semaphore_mem>>
        %dma_start3A_187 = arith.constant 128 : i32
        %dma_start3A_188 = arith.constant 0 : i32
        %dma_start3A_189 = tpu.memref_slice %arg8[%dma_start3A_187, %dma_start3A_188] : memref<256x128xf32, #tpu.memory_space<vmem>> -> memref<125x128xf32, #tpu.memory_space<vmem>>
        %dma_start3A_190 = arith.constant 0 : i32
        %dma_start3A_191 = tpu.memref_slice %arg7[%add3A_171, %dma_start3A_190] : memref<40x125xi32, #tpu.memory_space<vmem>> -> memref<1x125xi32, #tpu.memory_space<vmem>>
        %dma_start3A_192 = tpu.memref_squeeze %dma_start3A_191 : memref<1x125xi32, #tpu.memory_space<vmem>> -> memref<125xi32, #tpu.memory_space<vmem>>
        %dma_start3A_193 = arith.constant 0 : i32
        %dma_start3A_194 = arith.constant 0 : i32
        %dma_start3A_195 = tpu.memref_slice %arg9[%dma_start3A_193, %dma_start3A_194] : memref<10240x128xf32, #tpu.memory_space<vmem_shared>> -> memref<10240x128xf32, #tpu.memory_space<vmem_shared>>
        tpu.enqueue_indirect_dma source(%dma_start3A_189 : memref<125x128xf32, #tpu.memory_space<vmem>>) target(%dma_start3A_195 : memref<10240x128xf32, #tpu.memory_space<vmem_shared>>) offsets(%dma_start3A_192 : memref<125xi32, #tpu.memory_space<vmem>>) semaphore(%run_scoped3A_186 : memref<!tpu.dma_semaphore, #tpu.memory_space<semaphore_mem>>) {add = true}
        %dma_wait3A_196 = arith.constant 128 : i32
        %dma_wait3A_197 = arith.constant 0 : i32
        %dma_wait3A_198 = tpu.memref_slice %arg8[%dma_wait3A_196, %dma_wait3A_197] : memref<256x128xf32, #tpu.memory_space<vmem>> -> memref<125x128xf32, #tpu.memory_space<vmem>>
        %dma_wait3A_199 = arith.constant 0 : i32
        %dma_wait3A_200 = tpu.memref_slice %arg7[%add3A_171, %dma_wait3A_199] : memref<40x125xi32, #tpu.memory_space<vmem>> -> memref<1x125xi32, #tpu.memory_space<vmem>>
        %dma_wait3A_201 = tpu.memref_squeeze %dma_wait3A_200 : memref<1x125xi32, #tpu.memory_space<vmem>> -> memref<125xi32, #tpu.memory_space<vmem>>
        %dma_wait3A_202 = arith.constant 0 : i32
        %dma_wait3A_203 = arith.constant 0 : i32
        %dma_wait3A_204 = tpu.memref_slice %arg9[%dma_wait3A_202, %dma_wait3A_203] : memref<10240x128xf32, #tpu.memory_space<vmem_shared>> -> memref<10240x128xf32, #tpu.memory_space<vmem_shared>>
        tpu.wait_indirect_dma semaphore(%run_scoped3A_186 : memref<!tpu.dma_semaphore, #tpu.memory_space<semaphore_mem>>) src(%dma_wait3A_198 : memref<125x128xf32, #tpu.memory_space<vmem>>) dst(%dma_wait3A_204 : memref<10240x128xf32, #tpu.memory_space<vmem_shared>>)
        tpu.yield
      }) : () -> ()
      %add3A_172 = arith.constant 1 : i32
      %add3A_173 = arith.addi %mul3A_132, %add3A_172 : i32
      %add3A_174 = arith.constant 2 : i32
      %add3A_175 = arith.addi %add3A_173, %add3A_174 : i32
      %dma_start3A_176 = arith.constant 128 : i32
      %dma_start3A_177 = arith.constant 0 : i32
      %dma_start3A_178 = tpu.memref_slice %arg8[%dma_start3A_176, %dma_start3A_177] : memref<256x128xf32, #tpu.memory_space<vmem>> -> memref<125x128xf32, #tpu.memory_space<vmem>>
      %dma_start3A_179 = arith.constant 0 : i32
      %dma_start3A_180 = tpu.memref_slice %arg6[%add3A_175, %dma_start3A_179] : memref<40x125xi32, #tpu.memory_space<vmem>> -> memref<1x125xi32, #tpu.memory_space<vmem>>
      %dma_start3A_181 = tpu.memref_squeeze %dma_start3A_180 : memref<1x125xi32, #tpu.memory_space<vmem>> -> memref<125xi32, #tpu.memory_space<vmem>>
      %dma_start3A_182 = arith.constant 0 : i32
      %dma_start3A_183 = arith.constant 0 : i32
      %dma_start3A_184 = tpu.memref_slice %arg2[%dma_start3A_182, %dma_start3A_183] : memref<10000x128xf32, #tpu.memory_space<hbm>> -> memref<10000x128xf32, #tpu.memory_space<hbm>>
      tpu.enqueue_indirect_dma source(%dma_start3A_184 : memref<10000x128xf32, #tpu.memory_space<hbm>>) target(%dma_start3A_178 : memref<125x128xf32, #tpu.memory_space<vmem>>) offsets(%dma_start3A_181 : memref<125xi32, #tpu.memory_space<vmem>>) semaphore(%arg11 : memref<!tpu.dma_semaphore, #tpu.memory_space<semaphore_mem>>)
      %scan3A_185 = arith.constant 0 : i32
      scf.yield %scan3A_185 : i32
    }
    %scan3A_105 = arith.constant 19 : i32
    %dma_wait3A_106 = arith.constant 38 : i32
    %dma_wait3A_107 = arith.constant 0 : i32
    %dma_wait3A_108 = arith.constant 0 : i32
    %dma_wait3A_109 = tpu.memref_slice %arg8[%dma_wait3A_107, %dma_wait3A_108] : memref<256x128xf32, #tpu.memory_space<vmem>> -> memref<125x128xf32, #tpu.memory_space<vmem>>
    %dma_wait3A_110 = arith.constant 0 : i32
    %dma_wait3A_111 = tpu.memref_slice %arg6[%dma_wait3A_106, %dma_wait3A_110] : memref<40x125xi32, #tpu.memory_space<vmem>> -> memref<1x125xi32, #tpu.memory_space<vmem>>
    %dma_wait3A_112 = tpu.memref_squeeze %dma_wait3A_111 : memref<1x125xi32, #tpu.memory_space<vmem>> -> memref<125xi32, #tpu.memory_space<vmem>>
    %dma_wait3A_113 = arith.constant 0 : i32
    %dma_wait3A_114 = arith.constant 0 : i32
    %dma_wait3A_115 = tpu.memref_slice %arg2[%dma_wait3A_113, %dma_wait3A_114] : memref<10000x128xf32, #tpu.memory_space<hbm>> -> memref<10000x128xf32, #tpu.memory_space<hbm>>
    tpu.wait_indirect_dma semaphore(%arg10 : memref<!tpu.dma_semaphore, #tpu.memory_space<semaphore_mem>>) src(%dma_wait3A_115 : memref<10000x128xf32, #tpu.memory_space<hbm>>) dst(%dma_wait3A_109 : memref<125x128xf32, #tpu.memory_space<vmem>>)
    %run_scoped3A_116 = arith.constant 38 : i32
    "tpu.region"() ({
      %run_scoped3A_129 = tpu.sem_alloc : memref<!tpu.dma_semaphore, #tpu.memory_space<semaphore_mem>>
      %dma_start3A_130 = arith.constant 0 : i32
      %dma_start3A_131 = arith.constant 0 : i32
      %dma_start3A_132 = tpu.memref_slice %arg8[%dma_start3A_130, %dma_start3A_131] : memref<256x128xf32, #tpu.memory_space<vmem>> -> memref<125x128xf32, #tpu.memory_space<vmem>>
      %dma_start3A_133 = arith.constant 0 : i32
      %dma_start3A_134 = tpu.memref_slice %arg7[%run_scoped3A_116, %dma_start3A_133] : memref<40x125xi32, #tpu.memory_space<vmem>> -> memref<1x125xi32, #tpu.memory_space<vmem>>
      %dma_start3A_135 = tpu.memref_squeeze %dma_start3A_134 : memref<1x125xi32, #tpu.memory_space<vmem>> -> memref<125xi32, #tpu.memory_space<vmem>>
      %dma_start3A_136 = arith.constant 0 : i32
      %dma_start3A_137 = arith.constant 0 : i32
      %dma_start3A_138 = tpu.memref_slice %arg9[%dma_start3A_136, %dma_start3A_137] : memref<10240x128xf32, #tpu.memory_space<vmem_shared>> -> memref<10240x128xf32, #tpu.memory_space<vmem_shared>>
      tpu.enqueue_indirect_dma source(%dma_start3A_132 : memref<125x128xf32, #tpu.memory_space<vmem>>) target(%dma_start3A_138 : memref<10240x128xf32, #tpu.memory_space<vmem_shared>>) offsets(%dma_start3A_135 : memref<125xi32, #tpu.memory_space<vmem>>) semaphore(%run_scoped3A_129 : memref<!tpu.dma_semaphore, #tpu.memory_space<semaphore_mem>>) {add = true}
      %dma_wait3A_139 = arith.constant 0 : i32
      %dma_wait3A_140 = arith.constant 0 : i32
      %dma_wait3A_141 = tpu.memref_slice %arg8[%dma_wait3A_139, %dma_wait3A_140] : memref<256x128xf32, #tpu.memory_space<vmem>> -> memref<125x128xf32, #tpu.memory_space<vmem>>
      %dma_wait3A_142 = arith.constant 0 : i32
      %dma_wait3A_143 = tpu.memref_slice %arg7[%run_scoped3A_116, %dma_wait3A_142] : memref<40x125xi32, #tpu.memory_space<vmem>> -> memref<1x125xi32, #tpu.memory_space<vmem>>
      %dma_wait3A_144 = tpu.memref_squeeze %dma_wait3A_143 : memref<1x125xi32, #tpu.memory_space<vmem>> -> memref<125xi32, #tpu.memory_space<vmem>>
      %dma_wait3A_145 = arith.constant 0 : i32
      %dma_wait3A_146 = arith.constant 0 : i32
      %dma_wait3A_147 = tpu.memref_slice %arg9[%dma_wait3A_145, %dma_wait3A_146] : memref<10240x128xf32, #tpu.memory_space<vmem_shared>> -> memref<10240x128xf32, #tpu.memory_space<vmem_shared>>
      tpu.wait_indirect_dma semaphore(%run_scoped3A_129 : memref<!tpu.dma_semaphore, #tpu.memory_space<semaphore_mem>>) src(%dma_wait3A_141 : memref<125x128xf32, #tpu.memory_space<vmem>>) dst(%dma_wait3A_147 : memref<10240x128xf32, #tpu.memory_space<vmem_shared>>)
      tpu.yield
    }) : () -> ()
    %dma_wait3A_117 = arith.constant 39 : i32
    %dma_wait3A_118 = arith.constant 128 : i32
    %dma_wait3A_119 = arith.constant 0 : i32
    %dma_wait3A_120 = tpu.memref_slice %arg8[%dma_wait3A_118, %dma_wait3A_119] : memref<256x128xf32, #tpu.memory_space<vmem>> -> memref<125x128xf32, #tpu.memory_space<vmem>>
    %dma_wait3A_121 = arith.constant 0 : i32
    %dma_wait3A_122 = tpu.memref_slice %arg6[%dma_wait3A_117, %dma_wait3A_121] : memref<40x125xi32, #tpu.memory_space<vmem>> -> memref<1x125xi32, #tpu.memory_space<vmem>>
    %dma_wait3A_123 = tpu.memref_squeeze %dma_wait3A_122 : memref<1x125xi32, #tpu.memory_space<vmem>> -> memref<125xi32, #tpu.memory_space<vmem>>
    %dma_wait3A_124 = arith.constant 0 : i32
    %dma_wait3A_125 = arith.constant 0 : i32
    %dma_wait3A_126 = tpu.memref_slice %arg2[%dma_wait3A_124, %dma_wait3A_125] : memref<10000x128xf32, #tpu.memory_space<hbm>> -> memref<10000x128xf32, #tpu.memory_space<hbm>>
    tpu.wait_indirect_dma semaphore(%arg11 : memref<!tpu.dma_semaphore, #tpu.memory_space<semaphore_mem>>) src(%dma_wait3A_126 : memref<10000x128xf32, #tpu.memory_space<hbm>>) dst(%dma_wait3A_120 : memref<125x128xf32, #tpu.memory_space<vmem>>)
    %run_scoped3A_127 = arith.constant 39 : i32
    "tpu.region"() ({
      %run_scoped3A_129 = tpu.sem_alloc : memref<!tpu.dma_semaphore, #tpu.memory_space<semaphore_mem>>
      %dma_start3A_130 = arith.constant 128 : i32
      %dma_start3A_131 = arith.constant 0 : i32
      %dma_start3A_132 = tpu.memref_slice %arg8[%dma_start3A_130, %dma_start3A_131] : memref<256x128xf32, #tpu.memory_space<vmem>> -> memref<125x128xf32, #tpu.memory_space<vmem>>
      %dma_start3A_133 = arith.constant 0 : i32
      %dma_start3A_134 = tpu.memref_slice %arg7[%run_scoped3A_127, %dma_start3A_133] : memref<40x125xi32, #tpu.memory_space<vmem>> -> memref<1x125xi32, #tpu.memory_space<vmem>>
      %dma_start3A_135 = tpu.memref_squeeze %dma_start3A_134 : memref<1x125xi32, #tpu.memory_space<vmem>> -> memref<125xi32, #tpu.memory_space<vmem>>
      %dma_start3A_136 = arith.constant 0 : i32
      %dma_start3A_137 = arith.constant 0 : i32
      %dma_start3A_138 = tpu.memref_slice %arg9[%dma_start3A_136, %dma_start3A_137] : memref<10240x128xf32, #tpu.memory_space<vmem_shared>> -> memref<10240x128xf32, #tpu.memory_space<vmem_shared>>
      tpu.enqueue_indirect_dma source(%dma_start3A_132 : memref<125x128xf32, #tpu.memory_space<vmem>>) target(%dma_start3A_138 : memref<10240x128xf32, #tpu.memory_space<vmem_shared>>) offsets(%dma_start3A_135 : memref<125xi32, #tpu.memory_space<vmem>>) semaphore(%run_scoped3A_129 : memref<!tpu.dma_semaphore, #tpu.memory_space<semaphore_mem>>) {add = true}
      %dma_wait3A_139 = arith.constant 128 : i32
      %dma_wait3A_140 = arith.constant 0 : i32
      %dma_wait3A_141 = tpu.memref_slice %arg8[%dma_wait3A_139, %dma_wait3A_140] : memref<256x128xf32, #tpu.memory_space<vmem>> -> memref<125x128xf32, #tpu.memory_space<vmem>>
      %dma_wait3A_142 = arith.constant 0 : i32
      %dma_wait3A_143 = tpu.memref_slice %arg7[%run_scoped3A_127, %dma_wait3A_142] : memref<40x125xi32, #tpu.memory_space<vmem>> -> memref<1x125xi32, #tpu.memory_space<vmem>>
      %dma_wait3A_144 = tpu.memref_squeeze %dma_wait3A_143 : memref<1x125xi32, #tpu.memory_space<vmem>> -> memref<125xi32, #tpu.memory_space<vmem>>
      %dma_wait3A_145 = arith.constant 0 : i32
      %dma_wait3A_146 = arith.constant 0 : i32
      %dma_wait3A_147 = tpu.memref_slice %arg9[%dma_wait3A_145, %dma_wait3A_146] : memref<10240x128xf32, #tpu.memory_space<vmem_shared>> -> memref<10240x128xf32, #tpu.memory_space<vmem_shared>>
      tpu.wait_indirect_dma semaphore(%run_scoped3A_129 : memref<!tpu.dma_semaphore, #tpu.memory_space<semaphore_mem>>) src(%dma_wait3A_141 : memref<125x128xf32, #tpu.memory_space<vmem>>) dst(%dma_wait3A_147 : memref<10240x128xf32, #tpu.memory_space<vmem_shared>>)
      tpu.yield
    }) : () -> ()
    %barrier3A_128 = arith.constant 0 : index
    tpu.barrier barrier_id(%barrier3A_128)
    "tpu.region"() ({
      %run_scoped3A_129 = tpu.sem_alloc : memref<!tpu.dma_semaphore, #tpu.memory_space<semaphore_mem>>
      %dma_start3A_130 = arith.constant 0 : i32
      %dma_start3A_131 = tpu.memref_slice %arg5[%arg0, %multiple_of3A, %dma_start3A_130] : memref<2x10240x128xf32, #tpu.memory_space<hbm>> -> memref<1x640x128xf32, #tpu.memory_space<hbm>>
      %dma_start3A_132 = tpu.memref_squeeze %dma_start3A_131 : memref<1x640x128xf32, #tpu.memory_space<hbm>> -> memref<640x128xf32, #tpu.memory_space<hbm>>
      %dma_start3A_133 = arith.constant 0 : i32
      %dma_start3A_134 = tpu.memref_slice %arg9[%multiple_of3A, %dma_start3A_133] : memref<10240x128xf32, #tpu.memory_space<vmem_shared>> -> memref<640x128xf32, #tpu.memory_space<vmem_shared>>
      tpu.enqueue_dma source(%dma_start3A_134 : memref<640x128xf32, #tpu.memory_space<vmem_shared>>) target(%dma_start3A_132 : memref<640x128xf32, #tpu.memory_space<hbm>>) target_semaphore(%run_scoped3A_129 : memref<!tpu.dma_semaphore, #tpu.memory_space<semaphore_mem>>)
      %dma_wait3A_135 = arith.constant 0 : i32
      %dma_wait3A_136 = tpu.memref_slice %arg5[%arg0, %multiple_of3A, %dma_wait3A_135] : memref<2x10240x128xf32, #tpu.memory_space<hbm>> -> memref<1x640x128xf32, #tpu.memory_space<hbm>>
      %dma_wait3A_137 = tpu.memref_squeeze %dma_wait3A_136 : memref<1x640x128xf32, #tpu.memory_space<hbm>> -> memref<640x128xf32, #tpu.memory_space<hbm>>
      %dma_wait3A_138 = arith.constant 0 : i32
      %dma_wait3A_139 = tpu.memref_slice %arg9[%multiple_of3A, %dma_wait3A_138] : memref<10240x128xf32, #tpu.memory_space<vmem_shared>> -> memref<640x128xf32, #tpu.memory_space<vmem_shared>>
      tpu.wait_dma2 semaphore(%run_scoped3A_129 : memref<!tpu.dma_semaphore, #tpu.memory_space<semaphore_mem>>) src(%dma_wait3A_139 : memref<640x128xf32, #tpu.memory_space<vmem_shared>>) dst(%dma_wait3A_137 : memref<640x128xf32, #tpu.memory_space<hbm>>)
      tpu.yield
    }) : () -> ()
    return
  }
}

#map = affine_map<(d0, d1) -> (0, 0)>
#map1 = affine_map<(d0, d1) -> (0, 0, 0)>
module attributes {stable_mosaic.version = 14 : i64} {
  func.func @_msg_body(%arg0: i32, %arg1: i32, %arg2: memref<10000x128xf32, #tpu.memory_space<hbm>>, %arg3: memref<2560x125xi32, #tpu.memory_space<hbm>>, %arg4: memref<2560x125xi32, #tpu.memory_space<hbm>>, %arg5: memref<2x10240x128xf32, #tpu.memory_space<hbm>>, %arg6: memref<40x125xi32, #tpu.memory_space<vmem>>, %arg7: memref<40x125xi32, #tpu.memory_space<vmem>>, %arg8: memref<256x128xf32, #tpu.memory_space<vmem>>, %arg9: memref<10240x128xf32, #tpu.memory_space<vmem_shared>>, %arg10: memref<!tpu.dma_semaphore, #tpu.memory_space<semaphore_mem>>, %arg11: memref<!tpu.dma_semaphore, #tpu.memory_space<semaphore_mem>>) attributes {dimension_semantics = [#tpu.dimension_semantics<core_parallel>, #tpu.dimension_semantics<subcore_parallel>], iteration_bounds = array<i64: 2, 16>, scalar_prefetch = 0 : i64, scratch_operands = 6 : i64, tpu.core_type = #tpu.core_type<sc_vector_subcore>, window_params = [{transform_indices = #map}, {transform_indices = #map}, {transform_indices = #map}, {transform_indices = #map1}]} {
    %mul3A = arith.constant 640 : i32
    %mul3A_0 = arith.muli %arg1, %mul3A : i32
    %multiple_of3A = tpu.assume_multiple %mul3A_0, 8 : i32
    %broadcast_in_dim3A = arith.constant 0.000000e+00 : f32
    %broadcast_in_dim3A_1 = vector.broadcast %broadcast_in_dim3A : f32 to vector<16xf32>
    %scan3A = arith.constant 0 : i32
    %scan3A_2 = arith.constant 0 : i32
    %scan3A_3 = arith.constant 128 : i32
    %scan3A_4 = arith.addi %scan3A_2, %scan3A_3 : i32
    %scan3A_5 = arith.constant 1 : i32
    %scan3A_6 = scf.for %scan3A_129 = %scan3A_2 to %scan3A_4 step %scan3A_5 iter_args(%scan3A_130 = %scan3A) -> (i32)  : i32 {
      %swap3A = arith.index_cast %scan3A_129 : i32 to index
      %swap3A_131 = arith.constant 0 : index
      %swap3A_132 = tpu.vector_load %arg8[%swap3A, %swap3A_131] {strides = array<i32>} : memref<256x128xf32, #tpu.memory_space<vmem>>, vector<1x16xf32>,
      %swap3A_133 = vector.shape_cast %swap3A_132 : vector<1x16xf32> to vector<16xf32>
      %swap3A_134 = vector.shape_cast %broadcast_in_dim3A_1 : vector<16xf32> to vector<1x16xf32>
      tpu.vector_store %arg8[%swap3A, %swap3A_131], %swap3A_134 {strides = array<i32>} : memref<256x128xf32, #tpu.memory_space<vmem>>, vector<1x16xf32>,
      %swap3A_135 = arith.index_cast %scan3A_129 : i32 to index
      %swap3A_136 = arith.constant 16 : index
      %swap3A_137 = tpu.vector_load %arg8[%swap3A_135, %swap3A_136] {strides = array<i32>} : memref<256x128xf32, #tpu.memory_space<vmem>>, vector<1x16xf32>,
      %swap3A_138 = vector.shape_cast %swap3A_137 : vector<1x16xf32> to vector<16xf32>
      %swap3A_139 = vector.shape_cast %broadcast_in_dim3A_1 : vector<16xf32> to vector<1x16xf32>
      tpu.vector_store %arg8[%swap3A_135, %swap3A_136], %swap3A_139 {strides = array<i32>} : memref<256x128xf32, #tpu.memory_space<vmem>>, vector<1x16xf32>,
      %swap3A_140 = arith.index_cast %scan3A_129 : i32 to index
      %swap3A_141 = arith.constant 32 : index
      %swap3A_142 = tpu.vector_load %arg8[%swap3A_140, %swap3A_141] {strides = array<i32>} : memref<256x128xf32, #tpu.memory_space<vmem>>, vector<1x16xf32>,
      %swap3A_143 = vector.shape_cast %swap3A_142 : vector<1x16xf32> to vector<16xf32>
      %swap3A_144 = vector.shape_cast %broadcast_in_dim3A_1 : vector<16xf32> to vector<1x16xf32>
      tpu.vector_store %arg8[%swap3A_140, %swap3A_141], %swap3A_144 {strides = array<i32>} : memref<256x128xf32, #tpu.memory_space<vmem>>, vector<1x16xf32>,
      %swap3A_145 = arith.index_cast %scan3A_129 : i32 to index
      %swap3A_146 = arith.constant 48 : index
      %swap3A_147 = tpu.vector_load %arg8[%swap3A_145, %swap3A_146] {strides = array<i32>} : memref<256x128xf32, #tpu.memory_space<vmem>>, vector<1x16xf32>,
      %swap3A_148 = vector.shape_cast %swap3A_147 : vector<1x16xf32> to vector<16xf32>
      %swap3A_149 = vector.shape_cast %broadcast_in_dim3A_1 : vector<16xf32> to vector<1x16xf32>
      tpu.vector_store %arg8[%swap3A_145, %swap3A_146], %swap3A_149 {strides = array<i32>} : memref<256x128xf32, #tpu.memory_space<vmem>>, vector<1x16xf32>,
      %swap3A_150 = arith.index_cast %scan3A_129 : i32 to index
      %swap3A_151 = arith.constant 64 : index
      %swap3A_152 = tpu.vector_load %arg8[%swap3A_150, %swap3A_151] {strides = array<i32>} : memref<256x128xf32, #tpu.memory_space<vmem>>, vector<1x16xf32>,
      %swap3A_153 = vector.shape_cast %swap3A_152 : vector<1x16xf32> to vector<16xf32>
      %swap3A_154 = vector.shape_cast %broadcast_in_dim3A_1 : vector<16xf32> to vector<1x16xf32>
      tpu.vector_store %arg8[%swap3A_150, %swap3A_151], %swap3A_154 {strides = array<i32>} : memref<256x128xf32, #tpu.memory_space<vmem>>, vector<1x16xf32>,
      %swap3A_155 = arith.index_cast %scan3A_129 : i32 to index
      %swap3A_156 = arith.constant 80 : index
      %swap3A_157 = tpu.vector_load %arg8[%swap3A_155, %swap3A_156] {strides = array<i32>} : memref<256x128xf32, #tpu.memory_space<vmem>>, vector<1x16xf32>,
      %swap3A_158 = vector.shape_cast %swap3A_157 : vector<1x16xf32> to vector<16xf32>
      %swap3A_159 = vector.shape_cast %broadcast_in_dim3A_1 : vector<16xf32> to vector<1x16xf32>
      tpu.vector_store %arg8[%swap3A_155, %swap3A_156], %swap3A_159 {strides = array<i32>} : memref<256x128xf32, #tpu.memory_space<vmem>>, vector<1x16xf32>,
      %swap3A_160 = arith.index_cast %scan3A_129 : i32 to index
      %swap3A_161 = arith.constant 96 : index
      %swap3A_162 = tpu.vector_load %arg8[%swap3A_160, %swap3A_161] {strides = array<i32>} : memref<256x128xf32, #tpu.memory_space<vmem>>, vector<1x16xf32>,
      %swap3A_163 = vector.shape_cast %swap3A_162 : vector<1x16xf32> to vector<16xf32>
      %swap3A_164 = vector.shape_cast %broadcast_in_dim3A_1 : vector<16xf32> to vector<1x16xf32>
      tpu.vector_store %arg8[%swap3A_160, %swap3A_161], %swap3A_164 {strides = array<i32>} : memref<256x128xf32, #tpu.memory_space<vmem>>, vector<1x16xf32>,
      %swap3A_165 = arith.index_cast %scan3A_129 : i32 to index
      %swap3A_166 = arith.constant 112 : index
      %swap3A_167 = tpu.vector_load %arg8[%swap3A_165, %swap3A_166] {strides = array<i32>} : memref<256x128xf32, #tpu.memory_space<vmem>>, vector<1x16xf32>,
      %swap3A_168 = vector.shape_cast %swap3A_167 : vector<1x16xf32> to vector<16xf32>
      %swap3A_169 = vector.shape_cast %broadcast_in_dim3A_1 : vector<16xf32> to vector<1x16xf32>
      tpu.vector_store %arg8[%swap3A_165, %swap3A_166], %swap3A_169 {strides = array<i32>} : memref<256x128xf32, #tpu.memory_space<vmem>>, vector<1x16xf32>,
      %scan3A_170 = arith.constant 0 : i32
      scf.yield %scan3A_170 : i32
    }
    %scan3A_7 = arith.constant 128 : i32
    %add3A = arith.constant 0 : i32
    %add3A_8 = arith.addi %multiple_of3A, %add3A : i32
    "tpu.region"() ({
      %run_scoped3A_129 = tpu.sem_alloc : memref<!tpu.dma_semaphore, #tpu.memory_space<semaphore_mem>>
      %dma_start3A_130 = arith.constant 0 : i32
      %dma_start3A_131 = arith.constant 0 : i32
      %dma_start3A_132 = tpu.memref_slice %arg8[%dma_start3A_130, %dma_start3A_131] : memref<256x128xf32, #tpu.memory_space<vmem>> -> memref<128x128xf32, #tpu.memory_space<vmem>>
      %dma_start3A_133 = arith.constant 0 : i32
      %dma_start3A_134 = tpu.memref_slice %arg9[%add3A_8, %dma_start3A_133] : memref<10240x128xf32, #tpu.memory_space<vmem_shared>> -> memref<128x128xf32, #tpu.memory_space<vmem_shared>>
      %dma_start3A_135 = arith.constant 0 : i32
      %dma_start3A_136 = tpu.memref_slice %arg9[%add3A_8, %dma_start3A_135] : memref<10240x128xf32, #tpu.memory_space<vmem_shared>> -> memref<128x128xf32, #tpu.memory_space<vmem_shared>>
      %dma_start3A_137 = arith.constant 0 : i32
      %dma_start3A_138 = arith.constant 0 : i32
      %dma_start3A_139 = tpu.memref_slice %arg8[%dma_start3A_137, %dma_start3A_138] : memref<256x128xf32, #tpu.memory_space<vmem>> -> memref<128x128xf32, #tpu.memory_space<vmem>>
      tpu.enqueue_dma source(%dma_start3A_139 : memref<128x128xf32, #tpu.memory_space<vmem>>) target(%dma_start3A_136 : memref<128x128xf32, #tpu.memory_space<vmem_shared>>) target_semaphore(%run_scoped3A_129 : memref<!tpu.dma_semaphore, #tpu.memory_space<semaphore_mem>>)
      %dma_wait3A_140 = arith.constant 0 : i32
      %dma_wait3A_141 = arith.constant 0 : i32
      %dma_wait3A_142 = tpu.memref_slice %arg8[%dma_wait3A_140, %dma_wait3A_141] : memref<256x128xf32, #tpu.memory_space<vmem>> -> memref<128x128xf32, #tpu.memory_space<vmem>>
      %dma_wait3A_143 = arith.constant 0 : i32
      %dma_wait3A_144 = tpu.memref_slice %arg9[%add3A_8, %dma_wait3A_143] : memref<10240x128xf32, #tpu.memory_space<vmem_shared>> -> memref<128x128xf32, #tpu.memory_space<vmem_shared>>
      %dma_wait3A_145 = arith.constant 0 : i32
      %dma_wait3A_146 = tpu.memref_slice %arg9[%add3A_8, %dma_wait3A_145] : memref<10240x128xf32, #tpu.memory_space<vmem_shared>> -> memref<128x128xf32, #tpu.memory_space<vmem_shared>>
      %dma_wait3A_147 = arith.constant 0 : i32
      %dma_wait3A_148 = arith.constant 0 : i32
      %dma_wait3A_149 = tpu.memref_slice %arg8[%dma_wait3A_147, %dma_wait3A_148] : memref<256x128xf32, #tpu.memory_space<vmem>> -> memref<128x128xf32, #tpu.memory_space<vmem>>
      tpu.wait_dma2 semaphore(%run_scoped3A_129 : memref<!tpu.dma_semaphore, #tpu.memory_space<semaphore_mem>>) src(%dma_wait3A_149 : memref<128x128xf32, #tpu.memory_space<vmem>>) dst(%dma_wait3A_146 : memref<128x128xf32, #tpu.memory_space<vmem_shared>>)
      tpu.yield
    }) : () -> ()
    %add3A_9 = arith.constant 128 : i32
    %add3A_10 = arith.addi %multiple_of3A, %add3A_9 : i32
    "tpu.region"() ({
      %run_scoped3A_129 = tpu.sem_alloc : memref<!tpu.dma_semaphore, #tpu.memory_space<semaphore_mem>>
      %dma_start3A_130 = arith.constant 0 : i32
      %dma_start3A_131 = arith.constant 0 : i32
      %dma_start3A_132 = tpu.memref_slice %arg8[%dma_start3A_130, %dma_start3A_131] : memref<256x128xf32, #tpu.memory_space<vmem>> -> memref<128x128xf32, #tpu.memory_space<vmem>>
      %dma_start3A_133 = arith.constant 0 : i32
      %dma_start3A_134 = tpu.memref_slice %arg9[%add3A_10, %dma_start3A_133] : memref<10240x128xf32, #tpu.memory_space<vmem_shared>> -> memref<128x128xf32, #tpu.memory_space<vmem_shared>>
      %dma_start3A_135 = arith.constant 0 : i32
      %dma_start3A_136 = tpu.memref_slice %arg9[%add3A_10, %dma_start3A_135] : memref<10240x128xf32, #tpu.memory_space<vmem_shared>> -> memref<128x128xf32, #tpu.memory_space<vmem_shared>>
      %dma_start3A_137 = arith.constant 0 : i32
      %dma_start3A_138 = arith.constant 0 : i32
      %dma_start3A_139 = tpu.memref_slice %arg8[%dma_start3A_137, %dma_start3A_138] : memref<256x128xf32, #tpu.memory_space<vmem>> -> memref<128x128xf32, #tpu.memory_space<vmem>>
      tpu.enqueue_dma source(%dma_start3A_139 : memref<128x128xf32, #tpu.memory_space<vmem>>) target(%dma_start3A_136 : memref<128x128xf32, #tpu.memory_space<vmem_shared>>) target_semaphore(%run_scoped3A_129 : memref<!tpu.dma_semaphore, #tpu.memory_space<semaphore_mem>>)
      %dma_wait3A_140 = arith.constant 0 : i32
      %dma_wait3A_141 = arith.constant 0 : i32
      %dma_wait3A_142 = tpu.memref_slice %arg8[%dma_wait3A_140, %dma_wait3A_141] : memref<256x128xf32, #tpu.memory_space<vmem>> -> memref<128x128xf32, #tpu.memory_space<vmem>>
      %dma_wait3A_143 = arith.constant 0 : i32
      %dma_wait3A_144 = tpu.memref_slice %arg9[%add3A_10, %dma_wait3A_143] : memref<10240x128xf32, #tpu.memory_space<vmem_shared>> -> memref<128x128xf32, #tpu.memory_space<vmem_shared>>
      %dma_wait3A_145 = arith.constant 0 : i32
      %dma_wait3A_146 = tpu.memref_slice %arg9[%add3A_10, %dma_wait3A_145] : memref<10240x128xf32, #tpu.memory_space<vmem_shared>> -> memref<128x128xf32, #tpu.memory_space<vmem_shared>>
      %dma_wait3A_147 = arith.constant 0 : i32
      %dma_wait3A_148 = arith.constant 0 : i32
      %dma_wait3A_149 = tpu.memref_slice %arg8[%dma_wait3A_147, %dma_wait3A_148] : memref<256x128xf32, #tpu.memory_space<vmem>> -> memref<128x128xf32, #tpu.memory_space<vmem>>
      tpu.wait_dma2 semaphore(%run_scoped3A_129 : memref<!tpu.dma_semaphore, #tpu.memory_space<semaphore_mem>>) src(%dma_wait3A_149 : memref<128x128xf32, #tpu.memory_space<vmem>>) dst(%dma_wait3A_146 : memref<128x128xf32, #tpu.memory_space<vmem_shared>>)
      tpu.yield
    }) : () -> ()
    %add3A_11 = arith.constant 256 : i32
    %add3A_12 = arith.addi %multiple_of3A, %add3A_11 : i32
    "tpu.region"() ({
      %run_scoped3A_129 = tpu.sem_alloc : memref<!tpu.dma_semaphore, #tpu.memory_space<semaphore_mem>>
      %dma_start3A_130 = arith.constant 0 : i32
      %dma_start3A_131 = arith.constant 0 : i32
      %dma_start3A_132 = tpu.memref_slice %arg8[%dma_start3A_130, %dma_start3A_131] : memref<256x128xf32, #tpu.memory_space<vmem>> -> memref<128x128xf32, #tpu.memory_space<vmem>>
      %dma_start3A_133 = arith.constant 0 : i32
      %dma_start3A_134 = tpu.memref_slice %arg9[%add3A_12, %dma_start3A_133] : memref<10240x128xf32, #tpu.memory_space<vmem_shared>> -> memref<128x128xf32, #tpu.memory_space<vmem_shared>>
      %dma_start3A_135 = arith.constant 0 : i32
      %dma_start3A_136 = tpu.memref_slice %arg9[%add3A_12, %dma_start3A_135] : memref<10240x128xf32, #tpu.memory_space<vmem_shared>> -> memref<128x128xf32, #tpu.memory_space<vmem_shared>>
      %dma_start3A_137 = arith.constant 0 : i32
      %dma_start3A_138 = arith.constant 0 : i32
      %dma_start3A_139 = tpu.memref_slice %arg8[%dma_start3A_137, %dma_start3A_138] : memref<256x128xf32, #tpu.memory_space<vmem>> -> memref<128x128xf32, #tpu.memory_space<vmem>>
      tpu.enqueue_dma source(%dma_start3A_139 : memref<128x128xf32, #tpu.memory_space<vmem>>) target(%dma_start3A_136 : memref<128x128xf32, #tpu.memory_space<vmem_shared>>) target_semaphore(%run_scoped3A_129 : memref<!tpu.dma_semaphore, #tpu.memory_space<semaphore_mem>>)
      %dma_wait3A_140 = arith.constant 0 : i32
      %dma_wait3A_141 = arith.constant 0 : i32
      %dma_wait3A_142 = tpu.memref_slice %arg8[%dma_wait3A_140, %dma_wait3A_141] : memref<256x128xf32, #tpu.memory_space<vmem>> -> memref<128x128xf32, #tpu.memory_space<vmem>>
      %dma_wait3A_143 = arith.constant 0 : i32
      %dma_wait3A_144 = tpu.memref_slice %arg9[%add3A_12, %dma_wait3A_143] : memref<10240x128xf32, #tpu.memory_space<vmem_shared>> -> memref<128x128xf32, #tpu.memory_space<vmem_shared>>
      %dma_wait3A_145 = arith.constant 0 : i32
      %dma_wait3A_146 = tpu.memref_slice %arg9[%add3A_12, %dma_wait3A_145] : memref<10240x128xf32, #tpu.memory_space<vmem_shared>> -> memref<128x128xf32, #tpu.memory_space<vmem_shared>>
      %dma_wait3A_147 = arith.constant 0 : i32
      %dma_wait3A_148 = arith.constant 0 : i32
      %dma_wait3A_149 = tpu.memref_slice %arg8[%dma_wait3A_147, %dma_wait3A_148] : memref<256x128xf32, #tpu.memory_space<vmem>> -> memref<128x128xf32, #tpu.memory_space<vmem>>
      tpu.wait_dma2 semaphore(%run_scoped3A_129 : memref<!tpu.dma_semaphore, #tpu.memory_space<semaphore_mem>>) src(%dma_wait3A_149 : memref<128x128xf32, #tpu.memory_space<vmem>>) dst(%dma_wait3A_146 : memref<128x128xf32, #tpu.memory_space<vmem_shared>>)
      tpu.yield
    }) : () -> ()
    %add3A_13 = arith.constant 384 : i32
    %add3A_14 = arith.addi %multiple_of3A, %add3A_13 : i32
    "tpu.region"() ({
      %run_scoped3A_129 = tpu.sem_alloc : memref<!tpu.dma_semaphore, #tpu.memory_space<semaphore_mem>>
      %dma_start3A_130 = arith.constant 0 : i32
      %dma_start3A_131 = arith.constant 0 : i32
      %dma_start3A_132 = tpu.memref_slice %arg8[%dma_start3A_130, %dma_start3A_131] : memref<256x128xf32, #tpu.memory_space<vmem>> -> memref<128x128xf32, #tpu.memory_space<vmem>>
      %dma_start3A_133 = arith.constant 0 : i32
      %dma_start3A_134 = tpu.memref_slice %arg9[%add3A_14, %dma_start3A_133] : memref<10240x128xf32, #tpu.memory_space<vmem_shared>> -> memref<128x128xf32, #tpu.memory_space<vmem_shared>>
      %dma_start3A_135 = arith.constant 0 : i32
      %dma_start3A_136 = tpu.memref_slice %arg9[%add3A_14, %dma_start3A_135] : memref<10240x128xf32, #tpu.memory_space<vmem_shared>> -> memref<128x128xf32, #tpu.memory_space<vmem_shared>>
      %dma_start3A_137 = arith.constant 0 : i32
      %dma_start3A_138 = arith.constant 0 : i32
      %dma_start3A_139 = tpu.memref_slice %arg8[%dma_start3A_137, %dma_start3A_138] : memref<256x128xf32, #tpu.memory_space<vmem>> -> memref<128x128xf32, #tpu.memory_space<vmem>>
      tpu.enqueue_dma source(%dma_start3A_139 : memref<128x128xf32, #tpu.memory_space<vmem>>) target(%dma_start3A_136 : memref<128x128xf32, #tpu.memory_space<vmem_shared>>) target_semaphore(%run_scoped3A_129 : memref<!tpu.dma_semaphore, #tpu.memory_space<semaphore_mem>>)
      %dma_wait3A_140 = arith.constant 0 : i32
      %dma_wait3A_141 = arith.constant 0 : i32
      %dma_wait3A_142 = tpu.memref_slice %arg8[%dma_wait3A_140, %dma_wait3A_141] : memref<256x128xf32, #tpu.memory_space<vmem>> -> memref<128x128xf32, #tpu.memory_space<vmem>>
      %dma_wait3A_143 = arith.constant 0 : i32
      %dma_wait3A_144 = tpu.memref_slice %arg9[%add3A_14, %dma_wait3A_143] : memref<10240x128xf32, #tpu.memory_space<vmem_shared>> -> memref<128x128xf32, #tpu.memory_space<vmem_shared>>
      %dma_wait3A_145 = arith.constant 0 : i32
      %dma_wait3A_146 = tpu.memref_slice %arg9[%add3A_14, %dma_wait3A_145] : memref<10240x128xf32, #tpu.memory_space<vmem_shared>> -> memref<128x128xf32, #tpu.memory_space<vmem_shared>>
      %dma_wait3A_147 = arith.constant 0 : i32
      %dma_wait3A_148 = arith.constant 0 : i32
      %dma_wait3A_149 = tpu.memref_slice %arg8[%dma_wait3A_147, %dma_wait3A_148] : memref<256x128xf32, #tpu.memory_space<vmem>> -> memref<128x128xf32, #tpu.memory_space<vmem>>
      tpu.wait_dma2 semaphore(%run_scoped3A_129 : memref<!tpu.dma_semaphore, #tpu.memory_space<semaphore_mem>>) src(%dma_wait3A_149 : memref<128x128xf32, #tpu.memory_space<vmem>>) dst(%dma_wait3A_146 : memref<128x128xf32, #tpu.memory_space<vmem_shared>>)
      tpu.yield
    }) : () -> ()
    %add3A_15 = arith.constant 512 : i32
    %add3A_16 = arith.addi %multiple_of3A, %add3A_15 : i32
    "tpu.region"() ({
      %run_scoped3A_129 = tpu.sem_alloc : memref<!tpu.dma_semaphore, #tpu.memory_space<semaphore_mem>>
      %dma_start3A_130 = arith.constant 0 : i32
      %dma_start3A_131 = arith.constant 0 : i32
      %dma_start3A_132 = tpu.memref_slice %arg8[%dma_start3A_130, %dma_start3A_131] : memref<256x128xf32, #tpu.memory_space<vmem>> -> memref<128x128xf32, #tpu.memory_space<vmem>>
      %dma_start3A_133 = arith.constant 0 : i32
      %dma_start3A_134 = tpu.memref_slice %arg9[%add3A_16, %dma_start3A_133] : memref<10240x128xf32, #tpu.memory_space<vmem_shared>> -> memref<128x128xf32, #tpu.memory_space<vmem_shared>>
      %dma_start3A_135 = arith.constant 0 : i32
      %dma_start3A_136 = tpu.memref_slice %arg9[%add3A_16, %dma_start3A_135] : memref<10240x128xf32, #tpu.memory_space<vmem_shared>> -> memref<128x128xf32, #tpu.memory_space<vmem_shared>>
      %dma_start3A_137 = arith.constant 0 : i32
      %dma_start3A_138 = arith.constant 0 : i32
      %dma_start3A_139 = tpu.memref_slice %arg8[%dma_start3A_137, %dma_start3A_138] : memref<256x128xf32, #tpu.memory_space<vmem>> -> memref<128x128xf32, #tpu.memory_space<vmem>>
      tpu.enqueue_dma source(%dma_start3A_139 : memref<128x128xf32, #tpu.memory_space<vmem>>) target(%dma_start3A_136 : memref<128x128xf32, #tpu.memory_space<vmem_shared>>) target_semaphore(%run_scoped3A_129 : memref<!tpu.dma_semaphore, #tpu.memory_space<semaphore_mem>>)
      %dma_wait3A_140 = arith.constant 0 : i32
      %dma_wait3A_141 = arith.constant 0 : i32
      %dma_wait3A_142 = tpu.memref_slice %arg8[%dma_wait3A_140, %dma_wait3A_141] : memref<256x128xf32, #tpu.memory_space<vmem>> -> memref<128x128xf32, #tpu.memory_space<vmem>>
      %dma_wait3A_143 = arith.constant 0 : i32
      %dma_wait3A_144 = tpu.memref_slice %arg9[%add3A_16, %dma_wait3A_143] : memref<10240x128xf32, #tpu.memory_space<vmem_shared>> -> memref<128x128xf32, #tpu.memory_space<vmem_shared>>
      %dma_wait3A_145 = arith.constant 0 : i32
      %dma_wait3A_146 = tpu.memref_slice %arg9[%add3A_16, %dma_wait3A_145] : memref<10240x128xf32, #tpu.memory_space<vmem_shared>> -> memref<128x128xf32, #tpu.memory_space<vmem_shared>>
      %dma_wait3A_147 = arith.constant 0 : i32
      %dma_wait3A_148 = arith.constant 0 : i32
      %dma_wait3A_149 = tpu.memref_slice %arg8[%dma_wait3A_147, %dma_wait3A_148] : memref<256x128xf32, #tpu.memory_space<vmem>> -> memref<128x128xf32, #tpu.memory_space<vmem>>
      tpu.wait_dma2 semaphore(%run_scoped3A_129 : memref<!tpu.dma_semaphore, #tpu.memory_space<semaphore_mem>>) src(%dma_wait3A_149 : memref<128x128xf32, #tpu.memory_space<vmem>>) dst(%dma_wait3A_146 : memref<128x128xf32, #tpu.memory_space<vmem_shared>>)
      tpu.yield
    }) : () -> ()
    %barrier3A = arith.constant 0 : index
    tpu.barrier barrier_id(%barrier3A)
    %mul3A_17 = arith.constant 16 : i32
    %mul3A_18 = arith.muli %arg0, %mul3A_17 : i32
    %add3A_19 = arith.addi %mul3A_18, %arg1 : i32
    %mul3A_20 = arith.constant 80 : i32
    %mul3A_21 = arith.muli %add3A_19, %mul3A_20 : i32
    %add3A_22 = arith.constant 0 : i32
    %add3A_23 = arith.addi %mul3A_21, %add3A_22 : i32
    %multiple_of3A_24 = tpu.assume_multiple %add3A_23, 8 : i32
    "tpu.region"() ({
      %run_scoped3A_129 = tpu.sem_alloc : memref<!tpu.dma_semaphore, #tpu.memory_space<semaphore_mem>>
      %dma_start3A_130 = arith.constant 0 : i32
      %dma_start3A_131 = tpu.memref_slice %arg3[%multiple_of3A_24, %dma_start3A_130] : memref<2560x125xi32, #tpu.memory_space<hbm>> -> memref<40x125xi32, #tpu.memory_space<hbm>>
      %dma_start3A_132 = arith.constant 0 : i32
      %dma_start3A_133 = tpu.memref_slice %arg3[%multiple_of3A_24, %dma_start3A_132] : memref<2560x125xi32, #tpu.memory_space<hbm>> -> memref<40x125xi32, #tpu.memory_space<hbm>>
      tpu.enqueue_dma source(%dma_start3A_133 : memref<40x125xi32, #tpu.memory_space<hbm>>) target(%arg6 : memref<40x125xi32, #tpu.memory_space<vmem>>) target_semaphore(%run_scoped3A_129 : memref<!tpu.dma_semaphore, #tpu.memory_space<semaphore_mem>>)
      %dma_wait3A_134 = arith.constant 0 : i32
      %dma_wait3A_135 = tpu.memref_slice %arg3[%multiple_of3A_24, %dma_wait3A_134] : memref<2560x125xi32, #tpu.memory_space<hbm>> -> memref<40x125xi32, #tpu.memory_space<hbm>>
      %dma_wait3A_136 = arith.constant 0 : i32
      %dma_wait3A_137 = tpu.memref_slice %arg3[%multiple_of3A_24, %dma_wait3A_136] : memref<2560x125xi32, #tpu.memory_space<hbm>> -> memref<40x125xi32, #tpu.memory_space<hbm>>
      tpu.wait_dma2 semaphore(%run_scoped3A_129 : memref<!tpu.dma_semaphore, #tpu.memory_space<semaphore_mem>>) src(%dma_wait3A_137 : memref<40x125xi32, #tpu.memory_space<hbm>>) dst(%arg6 : memref<40x125xi32, #tpu.memory_space<vmem>>)
      tpu.yield
    }) : () -> ()
    "tpu.region"() ({
      %run_scoped3A_129 = tpu.sem_alloc : memref<!tpu.dma_semaphore, #tpu.memory_space<semaphore_mem>>
      %dma_start3A_130 = arith.constant 0 : i32
      %dma_start3A_131 = tpu.memref_slice %arg4[%multiple_of3A_24, %dma_start3A_130] : memref<2560x125xi32, #tpu.memory_space<hbm>> -> memref<40x125xi32, #tpu.memory_space<hbm>>
      %dma_start3A_132 = arith.constant 0 : i32
      %dma_start3A_133 = tpu.memref_slice %arg4[%multiple_of3A_24, %dma_start3A_132] : memref<2560x125xi32, #tpu.memory_space<hbm>> -> memref<40x125xi32, #tpu.memory_space<hbm>>
      tpu.enqueue_dma source(%dma_start3A_133 : memref<40x125xi32, #tpu.memory_space<hbm>>) target(%arg7 : memref<40x125xi32, #tpu.memory_space<vmem>>) target_semaphore(%run_scoped3A_129 : memref<!tpu.dma_semaphore, #tpu.memory_space<semaphore_mem>>)
      %dma_wait3A_134 = arith.constant 0 : i32
      %dma_wait3A_135 = tpu.memref_slice %arg4[%multiple_of3A_24, %dma_wait3A_134] : memref<2560x125xi32, #tpu.memory_space<hbm>> -> memref<40x125xi32, #tpu.memory_space<hbm>>
      %dma_wait3A_136 = arith.constant 0 : i32
      %dma_wait3A_137 = tpu.memref_slice %arg4[%multiple_of3A_24, %dma_wait3A_136] : memref<2560x125xi32, #tpu.memory_space<hbm>> -> memref<40x125xi32, #tpu.memory_space<hbm>>
      tpu.wait_dma2 semaphore(%run_scoped3A_129 : memref<!tpu.dma_semaphore, #tpu.memory_space<semaphore_mem>>) src(%dma_wait3A_137 : memref<40x125xi32, #tpu.memory_space<hbm>>) dst(%arg7 : memref<40x125xi32, #tpu.memory_space<vmem>>)
      tpu.yield
    }) : () -> ()
    %dma_start3A = arith.constant 0 : i32
    %dma_start3A_25 = arith.constant 0 : i32
    %dma_start3A_26 = arith.constant 0 : i32
    %dma_start3A_27 = tpu.memref_slice %arg8[%dma_start3A_25, %dma_start3A_26] : memref<256x128xf32, #tpu.memory_space<vmem>> -> memref<125x128xf32, #tpu.memory_space<vmem>>
    %dma_start3A_28 = arith.constant 0 : i32
    %dma_start3A_29 = tpu.memref_slice %arg6[%dma_start3A, %dma_start3A_28] : memref<40x125xi32, #tpu.memory_space<vmem>> -> memref<1x125xi32, #tpu.memory_space<vmem>>
    %dma_start3A_30 = tpu.memref_squeeze %dma_start3A_29 : memref<1x125xi32, #tpu.memory_space<vmem>> -> memref<125xi32, #tpu.memory_space<vmem>>
    %dma_start3A_31 = arith.constant 0 : i32
    %dma_start3A_32 = arith.constant 0 : i32
    %dma_start3A_33 = tpu.memref_slice %arg2[%dma_start3A_31, %dma_start3A_32] : memref<10000x128xf32, #tpu.memory_space<hbm>> -> memref<10000x128xf32, #tpu.memory_space<hbm>>
    tpu.enqueue_indirect_dma source(%dma_start3A_33 : memref<10000x128xf32, #tpu.memory_space<hbm>>) target(%dma_start3A_27 : memref<125x128xf32, #tpu.memory_space<vmem>>) offsets(%dma_start3A_30 : memref<125xi32, #tpu.memory_space<vmem>>) semaphore(%arg10 : memref<!tpu.dma_semaphore, #tpu.memory_space<semaphore_mem>>)
    %dma_start3A_34 = arith.constant 1 : i32
    %dma_start3A_35 = arith.constant 128 : i32
    %dma_start3A_36 = arith.constant 0 : i32
    %dma_start3A_37 = tpu.memref_slice %arg8[%dma_start3A_35, %dma_start3A_36] : memref<256x128xf32, #tpu.memory_space<vmem>> -> memref<125x128xf32, #tpu.memory_space<vmem>>
    %dma_start3A_38 = arith.constant 0 : i32
    %dma_start3A_39 = tpu.memref_slice %arg6[%dma_start3A_34, %dma_start3A_38] : memref<40x125xi32, #tpu.memory_space<vmem>> -> memref<1x125xi32, #tpu.memory_space<vmem>>
    %dma_start3A_40 = tpu.memref_squeeze %dma_start3A_39 : memref<1x125xi32, #tpu.memory_space<vmem>> -> memref<125xi32, #tpu.memory_space<vmem>>
    %dma_start3A_41 = arith.constant 0 : i32
    %dma_start3A_42 = arith.constant 0 : i32
    %dma_start3A_43 = tpu.memref_slice %arg2[%dma_start3A_41, %dma_start3A_42] : memref<10000x128xf32, #tpu.memory_space<hbm>> -> memref<10000x128xf32, #tpu.memory_space<hbm>>
    tpu.enqueue_indirect_dma source(%dma_start3A_43 : memref<10000x128xf32, #tpu.memory_space<hbm>>) target(%dma_start3A_37 : memref<125x128xf32, #tpu.memory_space<vmem>>) offsets(%dma_start3A_40 : memref<125xi32, #tpu.memory_space<vmem>>) semaphore(%arg11 : memref<!tpu.dma_semaphore, #tpu.memory_space<semaphore_mem>>)
    %scan3A_44 = arith.constant 0 : i32
    %scan3A_45 = arith.constant 0 : i32
    %scan3A_46 = arith.constant 19 : i32
    %scan3A_47 = arith.addi %scan3A_45, %scan3A_46 : i32
    %scan3A_48 = arith.constant 1 : i32
    %scan3A_49 = scf.for %scan3A_129 = %scan3A_45 to %scan3A_47 step %scan3A_48 iter_args(%scan3A_130 = %scan3A_44) -> (i32)  : i32 {
      %mul3A_131 = arith.constant 2 : i32
      %mul3A_132 = arith.muli %scan3A_129, %mul3A_131 : i32
      %add3A_133 = arith.constant 0 : i32
      %add3A_134 = arith.addi %mul3A_132, %add3A_133 : i32
      %dma_wait3A_135 = arith.constant 0 : i32
      %dma_wait3A_136 = arith.constant 0 : i32
      %dma_wait3A_137 = tpu.memref_slice %arg8[%dma_wait3A_135, %dma_wait3A_136] : memref<256x128xf32, #tpu.memory_space<vmem>> -> memref<125x128xf32, #tpu.memory_space<vmem>>
      %dma_wait3A_138 = arith.constant 0 : i32
      %dma_wait3A_139 = tpu.memref_slice %arg6[%add3A_134, %dma_wait3A_138] : memref<40x125xi32, #tpu.memory_space<vmem>> -> memref<1x125xi32, #tpu.memory_space<vmem>>
      %dma_wait3A_140 = tpu.memref_squeeze %dma_wait3A_139 : memref<1x125xi32, #tpu.memory_space<vmem>> -> memref<125xi32, #tpu.memory_space<vmem>>
      %dma_wait3A_141 = arith.constant 0 : i32
      %dma_wait3A_142 = arith.constant 0 : i32
      %dma_wait3A_143 = tpu.memref_slice %arg2[%dma_wait3A_141, %dma_wait3A_142] : memref<10000x128xf32, #tpu.memory_space<hbm>> -> memref<10000x128xf32, #tpu.memory_space<hbm>>
      tpu.wait_indirect_dma semaphore(%arg10 : memref<!tpu.dma_semaphore, #tpu.memory_space<semaphore_mem>>) src(%dma_wait3A_143 : memref<10000x128xf32, #tpu.memory_space<hbm>>) dst(%dma_wait3A_137 : memref<125x128xf32, #tpu.memory_space<vmem>>)
      %add3A_144 = arith.constant 0 : i32
      %add3A_145 = arith.addi %mul3A_132, %add3A_144 : i32
      "tpu.region"() ({
        %run_scoped3A_186 = tpu.sem_alloc : memref<!tpu.dma_semaphore, #tpu.memory_space<semaphore_mem>>
        %dma_start3A_187 = arith.constant 0 : i32
        %dma_start3A_188 = arith.constant 0 : i32
        %dma_start3A_189 = tpu.memref_slice %arg8[%dma_start3A_187, %dma_start3A_188] : memref<256x128xf32, #tpu.memory_space<vmem>> -> memref<125x128xf32, #tpu.memory_space<vmem>>
        %dma_start3A_190 = arith.constant 0 : i32
        %dma_start3A_191 = tpu.memref_slice %arg7[%add3A_145, %dma_start3A_190] : memref<40x125xi32, #tpu.memory_space<vmem>> -> memref<1x125xi32, #tpu.memory_space<vmem>>
        %dma_start3A_192 = tpu.memref_squeeze %dma_start3A_191 : memref<1x125xi32, #tpu.memory_space<vmem>> -> memref<125xi32, #tpu.memory_space<vmem>>
        %dma_start3A_193 = arith.constant 0 : i32
        %dma_start3A_194 = arith.constant 0 : i32
        %dma_start3A_195 = tpu.memref_slice %arg9[%dma_start3A_193, %dma_start3A_194] : memref<10240x128xf32, #tpu.memory_space<vmem_shared>> -> memref<10240x128xf32, #tpu.memory_space<vmem_shared>>
        tpu.enqueue_indirect_dma source(%dma_start3A_189 : memref<125x128xf32, #tpu.memory_space<vmem>>) target(%dma_start3A_195 : memref<10240x128xf32, #tpu.memory_space<vmem_shared>>) offsets(%dma_start3A_192 : memref<125xi32, #tpu.memory_space<vmem>>) semaphore(%run_scoped3A_186 : memref<!tpu.dma_semaphore, #tpu.memory_space<semaphore_mem>>) {add = true}
        %dma_wait3A_196 = arith.constant 0 : i32
        %dma_wait3A_197 = arith.constant 0 : i32
        %dma_wait3A_198 = tpu.memref_slice %arg8[%dma_wait3A_196, %dma_wait3A_197] : memref<256x128xf32, #tpu.memory_space<vmem>> -> memref<125x128xf32, #tpu.memory_space<vmem>>
        %dma_wait3A_199 = arith.constant 0 : i32
        %dma_wait3A_200 = tpu.memref_slice %arg7[%add3A_145, %dma_wait3A_199] : memref<40x125xi32, #tpu.memory_space<vmem>> -> memref<1x125xi32, #tpu.memory_space<vmem>>
        %dma_wait3A_201 = tpu.memref_squeeze %dma_wait3A_200 : memref<1x125xi32, #tpu.memory_space<vmem>> -> memref<125xi32, #tpu.memory_space<vmem>>
        %dma_wait3A_202 = arith.constant 0 : i32
        %dma_wait3A_203 = arith.constant 0 : i32
        %dma_wait3A_204 = tpu.memref_slice %arg9[%dma_wait3A_202, %dma_wait3A_203] : memref<10240x128xf32, #tpu.memory_space<vmem_shared>> -> memref<10240x128xf32, #tpu.memory_space<vmem_shared>>
        tpu.wait_indirect_dma semaphore(%run_scoped3A_186 : memref<!tpu.dma_semaphore, #tpu.memory_space<semaphore_mem>>) src(%dma_wait3A_198 : memref<125x128xf32, #tpu.memory_space<vmem>>) dst(%dma_wait3A_204 : memref<10240x128xf32, #tpu.memory_space<vmem_shared>>)
        tpu.yield
      }) : () -> ()
      %add3A_146 = arith.constant 0 : i32
      %add3A_147 = arith.addi %mul3A_132, %add3A_146 : i32
      %add3A_148 = arith.constant 2 : i32
      %add3A_149 = arith.addi %add3A_147, %add3A_148 : i32
      %dma_start3A_150 = arith.constant 0 : i32
      %dma_start3A_151 = arith.constant 0 : i32
      %dma_start3A_152 = tpu.memref_slice %arg8[%dma_start3A_150, %dma_start3A_151] : memref<256x128xf32, #tpu.memory_space<vmem>> -> memref<125x128xf32, #tpu.memory_space<vmem>>
      %dma_start3A_153 = arith.constant 0 : i32
      %dma_start3A_154 = tpu.memref_slice %arg6[%add3A_149, %dma_start3A_153] : memref<40x125xi32, #tpu.memory_space<vmem>> -> memref<1x125xi32, #tpu.memory_space<vmem>>
      %dma_start3A_155 = tpu.memref_squeeze %dma_start3A_154 : memref<1x125xi32, #tpu.memory_space<vmem>> -> memref<125xi32, #tpu.memory_space<vmem>>
      %dma_start3A_156 = arith.constant 0 : i32
      %dma_start3A_157 = arith.constant 0 : i32
      %dma_start3A_158 = tpu.memref_slice %arg2[%dma_start3A_156, %dma_start3A_157] : memref<10000x128xf32, #tpu.memory_space<hbm>> -> memref<10000x128xf32, #tpu.memory_space<hbm>>
      tpu.enqueue_indirect_dma source(%dma_start3A_158 : memref<10000x128xf32, #tpu.memory_space<hbm>>) target(%dma_start3A_152 : memref<125x128xf32, #tpu.memory_space<vmem>>) offsets(%dma_start3A_155 : memref<125xi32, #tpu.memory_space<vmem>>) semaphore(%arg10 : memref<!tpu.dma_semaphore, #tpu.memory_space<semaphore_mem>>)
      %add3A_159 = arith.constant 1 : i32
      %add3A_160 = arith.addi %mul3A_132, %add3A_159 : i32
      %dma_wait3A_161 = arith.constant 128 : i32
      %dma_wait3A_162 = arith.constant 0 : i32
      %dma_wait3A_163 = tpu.memref_slice %arg8[%dma_wait3A_161, %dma_wait3A_162] : memref<256x128xf32, #tpu.memory_space<vmem>> -> memref<125x128xf32, #tpu.memory_space<vmem>>
      %dma_wait3A_164 = arith.constant 0 : i32
      %dma_wait3A_165 = tpu.memref_slice %arg6[%add3A_160, %dma_wait3A_164] : memref<40x125xi32, #tpu.memory_space<vmem>> -> memref<1x125xi32, #tpu.memory_space<vmem>>
      %dma_wait3A_166 = tpu.memref_squeeze %dma_wait3A_165 : memref<1x125xi32, #tpu.memory_space<vmem>> -> memref<125xi32, #tpu.memory_space<vmem>>
      %dma_wait3A_167 = arith.constant 0 : i32
      %dma_wait3A_168 = arith.constant 0 : i32
      %dma_wait3A_169 = tpu.memref_slice %arg2[%dma_wait3A_167, %dma_wait3A_168] : memref<10000x128xf32, #tpu.memory_space<hbm>> -> memref<10000x128xf32, #tpu.memory_space<hbm>>
      tpu.wait_indirect_dma semaphore(%arg11 : memref<!tpu.dma_semaphore, #tpu.memory_space<semaphore_mem>>) src(%dma_wait3A_169 : memref<10000x128xf32, #tpu.memory_space<hbm>>) dst(%dma_wait3A_163 : memref<125x128xf32, #tpu.memory_space<vmem>>)
      %add3A_170 = arith.constant 1 : i32
      %add3A_171 = arith.addi %mul3A_132, %add3A_170 : i32
      "tpu.region"() ({
        %run_scoped3A_186 = tpu.sem_alloc : memref<!tpu.dma_semaphore, #tpu.memory_space<semaphore_mem>>
        %dma_start3A_187 = arith.constant 128 : i32
        %dma_start3A_188 = arith.constant 0 : i32
        %dma_start3A_189 = tpu.memref_slice %arg8[%dma_start3A_187, %dma_start3A_188] : memref<256x128xf32, #tpu.memory_space<vmem>> -> memref<125x128xf32, #tpu.memory_space<vmem>>
        %dma_start3A_190 = arith.constant 0 : i32
        %dma_start3A_191 = tpu.memref_slice %arg7[%add3A_171, %dma_start3A_190] : memref<40x125xi32, #tpu.memory_space<vmem>> -> memref<1x125xi32, #tpu.memory_space<vmem>>
        %dma_start3A_192 = tpu.memref_squeeze %dma_start3A_191 : memref<1x125xi32, #tpu.memory_space<vmem>> -> memref<125xi32, #tpu.memory_space<vmem>>
        %dma_start3A_193 = arith.constant 0 : i32
        %dma_start3A_194 = arith.constant 0 : i32
        %dma_start3A_195 = tpu.memref_slice %arg9[%dma_start3A_193, %dma_start3A_194] : memref<10240x128xf32, #tpu.memory_space<vmem_shared>> -> memref<10240x128xf32, #tpu.memory_space<vmem_shared>>
        tpu.enqueue_indirect_dma source(%dma_start3A_189 : memref<125x128xf32, #tpu.memory_space<vmem>>) target(%dma_start3A_195 : memref<10240x128xf32, #tpu.memory_space<vmem_shared>>) offsets(%dma_start3A_192 : memref<125xi32, #tpu.memory_space<vmem>>) semaphore(%run_scoped3A_186 : memref<!tpu.dma_semaphore, #tpu.memory_space<semaphore_mem>>) {add = true}
        %dma_wait3A_196 = arith.constant 128 : i32
        %dma_wait3A_197 = arith.constant 0 : i32
        %dma_wait3A_198 = tpu.memref_slice %arg8[%dma_wait3A_196, %dma_wait3A_197] : memref<256x128xf32, #tpu.memory_space<vmem>> -> memref<125x128xf32, #tpu.memory_space<vmem>>
        %dma_wait3A_199 = arith.constant 0 : i32
        %dma_wait3A_200 = tpu.memref_slice %arg7[%add3A_171, %dma_wait3A_199] : memref<40x125xi32, #tpu.memory_space<vmem>> -> memref<1x125xi32, #tpu.memory_space<vmem>>
        %dma_wait3A_201 = tpu.memref_squeeze %dma_wait3A_200 : memref<1x125xi32, #tpu.memory_space<vmem>> -> memref<125xi32, #tpu.memory_space<vmem>>
        %dma_wait3A_202 = arith.constant 0 : i32
        %dma_wait3A_203 = arith.constant 0 : i32
        %dma_wait3A_204 = tpu.memref_slice %arg9[%dma_wait3A_202, %dma_wait3A_203] : memref<10240x128xf32, #tpu.memory_space<vmem_shared>> -> memref<10240x128xf32, #tpu.memory_space<vmem_shared>>
        tpu.wait_indirect_dma semaphore(%run_scoped3A_186 : memref<!tpu.dma_semaphore, #tpu.memory_space<semaphore_mem>>) src(%dma_wait3A_198 : memref<125x128xf32, #tpu.memory_space<vmem>>) dst(%dma_wait3A_204 : memref<10240x128xf32, #tpu.memory_space<vmem_shared>>)
        tpu.yield
      }) : () -> ()
      %add3A_172 = arith.constant 1 : i32
      %add3A_173 = arith.addi %mul3A_132, %add3A_172 : i32
      %add3A_174 = arith.constant 2 : i32
      %add3A_175 = arith.addi %add3A_173, %add3A_174 : i32
      %dma_start3A_176 = arith.constant 128 : i32
      %dma_start3A_177 = arith.constant 0 : i32
      %dma_start3A_178 = tpu.memref_slice %arg8[%dma_start3A_176, %dma_start3A_177] : memref<256x128xf32, #tpu.memory_space<vmem>> -> memref<125x128xf32, #tpu.memory_space<vmem>>
      %dma_start3A_179 = arith.constant 0 : i32
      %dma_start3A_180 = tpu.memref_slice %arg6[%add3A_175, %dma_start3A_179] : memref<40x125xi32, #tpu.memory_space<vmem>> -> memref<1x125xi32, #tpu.memory_space<vmem>>
      %dma_start3A_181 = tpu.memref_squeeze %dma_start3A_180 : memref<1x125xi32, #tpu.memory_space<vmem>> -> memref<125xi32, #tpu.memory_space<vmem>>
      %dma_start3A_182 = arith.constant 0 : i32
      %dma_start3A_183 = arith.constant 0 : i32
      %dma_start3A_184 = tpu.memref_slice %arg2[%dma_start3A_182, %dma_start3A_183] : memref<10000x128xf32, #tpu.memory_space<hbm>> -> memref<10000x128xf32, #tpu.memory_space<hbm>>
      tpu.enqueue_indirect_dma source(%dma_start3A_184 : memref<10000x128xf32, #tpu.memory_space<hbm>>) target(%dma_start3A_178 : memref<125x128xf32, #tpu.memory_space<vmem>>) offsets(%dma_start3A_181 : memref<125xi32, #tpu.memory_space<vmem>>) semaphore(%arg11 : memref<!tpu.dma_semaphore, #tpu.memory_space<semaphore_mem>>)
      %scan3A_185 = arith.constant 0 : i32
      scf.yield %scan3A_185 : i32
    }
    %scan3A_50 = arith.constant 19 : i32
    %dma_wait3A = arith.constant 38 : i32
    %dma_wait3A_51 = arith.constant 0 : i32
    %dma_wait3A_52 = arith.constant 0 : i32
    %dma_wait3A_53 = tpu.memref_slice %arg8[%dma_wait3A_51, %dma_wait3A_52] : memref<256x128xf32, #tpu.memory_space<vmem>> -> memref<125x128xf32, #tpu.memory_space<vmem>>
    %dma_wait3A_54 = arith.constant 0 : i32
    %dma_wait3A_55 = tpu.memref_slice %arg6[%dma_wait3A, %dma_wait3A_54] : memref<40x125xi32, #tpu.memory_space<vmem>> -> memref<1x125xi32, #tpu.memory_space<vmem>>
    %dma_wait3A_56 = tpu.memref_squeeze %dma_wait3A_55 : memref<1x125xi32, #tpu.memory_space<vmem>> -> memref<125xi32, #tpu.memory_space<vmem>>
    %dma_wait3A_57 = arith.constant 0 : i32
    %dma_wait3A_58 = arith.constant 0 : i32
    %dma_wait3A_59 = tpu.memref_slice %arg2[%dma_wait3A_57, %dma_wait3A_58] : memref<10000x128xf32, #tpu.memory_space<hbm>> -> memref<10000x128xf32, #tpu.memory_space<hbm>>
    tpu.wait_indirect_dma semaphore(%arg10 : memref<!tpu.dma_semaphore, #tpu.memory_space<semaphore_mem>>) src(%dma_wait3A_59 : memref<10000x128xf32, #tpu.memory_space<hbm>>) dst(%dma_wait3A_53 : memref<125x128xf32, #tpu.memory_space<vmem>>)
    %run_scoped3A = arith.constant 38 : i32
    "tpu.region"() ({
      %run_scoped3A_129 = tpu.sem_alloc : memref<!tpu.dma_semaphore, #tpu.memory_space<semaphore_mem>>
      %dma_start3A_130 = arith.constant 0 : i32
      %dma_start3A_131 = arith.constant 0 : i32
      %dma_start3A_132 = tpu.memref_slice %arg8[%dma_start3A_130, %dma_start3A_131] : memref<256x128xf32, #tpu.memory_space<vmem>> -> memref<125x128xf32, #tpu.memory_space<vmem>>
      %dma_start3A_133 = arith.constant 0 : i32
      %dma_start3A_134 = tpu.memref_slice %arg7[%run_scoped3A, %dma_start3A_133] : memref<40x125xi32, #tpu.memory_space<vmem>> -> memref<1x125xi32, #tpu.memory_space<vmem>>
      %dma_start3A_135 = tpu.memref_squeeze %dma_start3A_134 : memref<1x125xi32, #tpu.memory_space<vmem>> -> memref<125xi32, #tpu.memory_space<vmem>>
      %dma_start3A_136 = arith.constant 0 : i32
      %dma_start3A_137 = arith.constant 0 : i32
      %dma_start3A_138 = tpu.memref_slice %arg9[%dma_start3A_136, %dma_start3A_137] : memref<10240x128xf32, #tpu.memory_space<vmem_shared>> -> memref<10240x128xf32, #tpu.memory_space<vmem_shared>>
      tpu.enqueue_indirect_dma source(%dma_start3A_132 : memref<125x128xf32, #tpu.memory_space<vmem>>) target(%dma_start3A_138 : memref<10240x128xf32, #tpu.memory_space<vmem_shared>>) offsets(%dma_start3A_135 : memref<125xi32, #tpu.memory_space<vmem>>) semaphore(%run_scoped3A_129 : memref<!tpu.dma_semaphore, #tpu.memory_space<semaphore_mem>>) {add = true}
      %dma_wait3A_139 = arith.constant 0 : i32
      %dma_wait3A_140 = arith.constant 0 : i32
      %dma_wait3A_141 = tpu.memref_slice %arg8[%dma_wait3A_139, %dma_wait3A_140] : memref<256x128xf32, #tpu.memory_space<vmem>> -> memref<125x128xf32, #tpu.memory_space<vmem>>
      %dma_wait3A_142 = arith.constant 0 : i32
      %dma_wait3A_143 = tpu.memref_slice %arg7[%run_scoped3A, %dma_wait3A_142] : memref<40x125xi32, #tpu.memory_space<vmem>> -> memref<1x125xi32, #tpu.memory_space<vmem>>
      %dma_wait3A_144 = tpu.memref_squeeze %dma_wait3A_143 : memref<1x125xi32, #tpu.memory_space<vmem>> -> memref<125xi32, #tpu.memory_space<vmem>>
      %dma_wait3A_145 = arith.constant 0 : i32
      %dma_wait3A_146 = arith.constant 0 : i32
      %dma_wait3A_147 = tpu.memref_slice %arg9[%dma_wait3A_145, %dma_wait3A_146] : memref<10240x128xf32, #tpu.memory_space<vmem_shared>> -> memref<10240x128xf32, #tpu.memory_space<vmem_shared>>
      tpu.wait_indirect_dma semaphore(%run_scoped3A_129 : memref<!tpu.dma_semaphore, #tpu.memory_space<semaphore_mem>>) src(%dma_wait3A_141 : memref<125x128xf32, #tpu.memory_space<vmem>>) dst(%dma_wait3A_147 : memref<10240x128xf32, #tpu.memory_space<vmem_shared>>)
      tpu.yield
    }) : () -> ()
    %dma_wait3A_60 = arith.constant 39 : i32
    %dma_wait3A_61 = arith.constant 128 : i32
    %dma_wait3A_62 = arith.constant 0 : i32
    %dma_wait3A_63 = tpu.memref_slice %arg8[%dma_wait3A_61, %dma_wait3A_62] : memref<256x128xf32, #tpu.memory_space<vmem>> -> memref<125x128xf32, #tpu.memory_space<vmem>>
    %dma_wait3A_64 = arith.constant 0 : i32
    %dma_wait3A_65 = tpu.memref_slice %arg6[%dma_wait3A_60, %dma_wait3A_64] : memref<40x125xi32, #tpu.memory_space<vmem>> -> memref<1x125xi32, #tpu.memory_space<vmem>>
    %dma_wait3A_66 = tpu.memref_squeeze %dma_wait3A_65 : memref<1x125xi32, #tpu.memory_space<vmem>> -> memref<125xi32, #tpu.memory_space<vmem>>
    %dma_wait3A_67 = arith.constant 0 : i32
    %dma_wait3A_68 = arith.constant 0 : i32
    %dma_wait3A_69 = tpu.memref_slice %arg2[%dma_wait3A_67, %dma_wait3A_68] : memref<10000x128xf32, #tpu.memory_space<hbm>> -> memref<10000x128xf32, #tpu.memory_space<hbm>>
    tpu.wait_indirect_dma semaphore(%arg11 : memref<!tpu.dma_semaphore, #tpu.memory_space<semaphore_mem>>) src(%dma_wait3A_69 : memref<10000x128xf32, #tpu.memory_space<hbm>>) dst(%dma_wait3A_63 : memref<125x128xf32, #tpu.memory_space<vmem>>)
    %run_scoped3A_70 = arith.constant 39 : i32
    "tpu.region"() ({
      %run_scoped3A_129 = tpu.sem_alloc : memref<!tpu.dma_semaphore, #tpu.memory_space<semaphore_mem>>
      %dma_start3A_130 = arith.constant 128 : i32
      %dma_start3A_131 = arith.constant 0 : i32
      %dma_start3A_132 = tpu.memref_slice %arg8[%dma_start3A_130, %dma_start3A_131] : memref<256x128xf32, #tpu.memory_space<vmem>> -> memref<125x128xf32, #tpu.memory_space<vmem>>
      %dma_start3A_133 = arith.constant 0 : i32
      %dma_start3A_134 = tpu.memref_slice %arg7[%run_scoped3A_70, %dma_start3A_133] : memref<40x125xi32, #tpu.memory_space<vmem>> -> memref<1x125xi32, #tpu.memory_space<vmem>>
      %dma_start3A_135 = tpu.memref_squeeze %dma_start3A_134 : memref<1x125xi32, #tpu.memory_space<vmem>> -> memref<125xi32, #tpu.memory_space<vmem>>
      %dma_start3A_136 = arith.constant 0 : i32
      %dma_start3A_137 = arith.constant 0 : i32
      %dma_start3A_138 = tpu.memref_slice %arg9[%dma_start3A_136, %dma_start3A_137] : memref<10240x128xf32, #tpu.memory_space<vmem_shared>> -> memref<10240x128xf32, #tpu.memory_space<vmem_shared>>
      tpu.enqueue_indirect_dma source(%dma_start3A_132 : memref<125x128xf32, #tpu.memory_space<vmem>>) target(%dma_start3A_138 : memref<10240x128xf32, #tpu.memory_space<vmem_shared>>) offsets(%dma_start3A_135 : memref<125xi32, #tpu.memory_space<vmem>>) semaphore(%run_scoped3A_129 : memref<!tpu.dma_semaphore, #tpu.memory_space<semaphore_mem>>) {add = true}
      %dma_wait3A_139 = arith.constant 128 : i32
      %dma_wait3A_140 = arith.constant 0 : i32
      %dma_wait3A_141 = tpu.memref_slice %arg8[%dma_wait3A_139, %dma_wait3A_140] : memref<256x128xf32, #tpu.memory_space<vmem>> -> memref<125x128xf32, #tpu.memory_space<vmem>>
      %dma_wait3A_142 = arith.constant 0 : i32
      %dma_wait3A_143 = tpu.memref_slice %arg7[%run_scoped3A_70, %dma_wait3A_142] : memref<40x125xi32, #tpu.memory_space<vmem>> -> memref<1x125xi32, #tpu.memory_space<vmem>>
      %dma_wait3A_144 = tpu.memref_squeeze %dma_wait3A_143 : memref<1x125xi32, #tpu.memory_space<vmem>> -> memref<125xi32, #tpu.memory_space<vmem>>
      %dma_wait3A_145 = arith.constant 0 : i32
      %dma_wait3A_146 = arith.constant 0 : i32
      %dma_wait3A_147 = tpu.memref_slice %arg9[%dma_wait3A_145, %dma_wait3A_146] : memref<10240x128xf32, #tpu.memory_space<vmem_shared>> -> memref<10240x128xf32, #tpu.memory_space<vmem_shared>>
      tpu.wait_indirect_dma semaphore(%run_scoped3A_129 : memref<!tpu.dma_semaphore, #tpu.memory_space<semaphore_mem>>) src(%dma_wait3A_141 : memref<125x128xf32, #tpu.memory_space<vmem>>) dst(%dma_wait3A_147 : memref<10240x128xf32, #tpu.memory_space<vmem_shared>>)
      tpu.yield
    }) : () -> ()
    %mul3A_71 = arith.constant 16 : i32
    %mul3A_72 = arith.muli %arg0, %mul3A_71 : i32
    %add3A_73 = arith.addi %mul3A_72, %arg1 : i32
    %mul3A_74 = arith.constant 80 : i32
    %mul3A_75 = arith.muli %add3A_73, %mul3A_74 : i32
    %add3A_76 = arith.constant 40 : i32
    %add3A_77 = arith.addi %mul3A_75, %add3A_76 : i32
    %multiple_of3A_78 = tpu.assume_multiple %add3A_77, 8 : i32
    "tpu.region"() ({
      %run_scoped3A_129 = tpu.sem_alloc : memref<!tpu.dma_semaphore, #tpu.memory_space<semaphore_mem>>
      %dma_start3A_130 = arith.constant 0 : i32
      %dma_start3A_131 = tpu.memref_slice %arg3[%multiple_of3A_78, %dma_start3A_130] : memref<2560x125xi32, #tpu.memory_space<hbm>> -> memref<40x125xi32, #tpu.memory_space<hbm>>
      %dma_start3A_132 = arith.constant 0 : i32
      %dma_start3A_133 = tpu.memref_slice %arg3[%multiple_of3A_78, %dma_start3A_132] : memref<2560x125xi32, #tpu.memory_space<hbm>> -> memref<40x125xi32, #tpu.memory_space<hbm>>
      tpu.enqueue_dma source(%dma_start3A_133 : memref<40x125xi32, #tpu.memory_space<hbm>>) target(%arg6 : memref<40x125xi32, #tpu.memory_space<vmem>>) target_semaphore(%run_scoped3A_129 : memref<!tpu.dma_semaphore, #tpu.memory_space<semaphore_mem>>)
      %dma_wait3A_134 = arith.constant 0 : i32
      %dma_wait3A_135 = tpu.memref_slice %arg3[%multiple_of3A_78, %dma_wait3A_134] : memref<2560x125xi32, #tpu.memory_space<hbm>> -> memref<40x125xi32, #tpu.memory_space<hbm>>
      %dma_wait3A_136 = arith.constant 0 : i32
      %dma_wait3A_137 = tpu.memref_slice %arg3[%multiple_of3A_78, %dma_wait3A_136] : memref<2560x125xi32, #tpu.memory_space<hbm>> -> memref<40x125xi32, #tpu.memory_space<hbm>>
      tpu.wait_dma2 semaphore(%run_scoped3A_129 : memref<!tpu.dma_semaphore, #tpu.memory_space<semaphore_mem>>) src(%dma_wait3A_137 : memref<40x125xi32, #tpu.memory_space<hbm>>) dst(%arg6 : memref<40x125xi32, #tpu.memory_space<vmem>>)
      tpu.yield
    }) : () -> ()
    "tpu.region"() ({
      %run_scoped3A_129 = tpu.sem_alloc : memref<!tpu.dma_semaphore, #tpu.memory_space<semaphore_mem>>
      %dma_start3A_130 = arith.constant 0 : i32
      %dma_start3A_131 = tpu.memref_slice %arg4[%multiple_of3A_78, %dma_start3A_130] : memref<2560x125xi32, #tpu.memory_space<hbm>> -> memref<40x125xi32, #tpu.memory_space<hbm>>
      %dma_start3A_132 = arith.constant 0 : i32
      %dma_start3A_133 = tpu.memref_slice %arg4[%multiple_of3A_78, %dma_start3A_132] : memref<2560x125xi32, #tpu.memory_space<hbm>> -> memref<40x125xi32, #tpu.memory_space<hbm>>
      tpu.enqueue_dma source(%dma_start3A_133 : memref<40x125xi32, #tpu.memory_space<hbm>>) target(%arg7 : memref<40x125xi32, #tpu.memory_space<vmem>>) target_semaphore(%run_scoped3A_129 : memref<!tpu.dma_semaphore, #tpu.memory_space<semaphore_mem>>)
      %dma_wait3A_134 = arith.constant 0 : i32
      %dma_wait3A_135 = tpu.memref_slice %arg4[%multiple_of3A_78, %dma_wait3A_134] : memref<2560x125xi32, #tpu.memory_space<hbm>> -> memref<40x125xi32, #tpu.memory_space<hbm>>
      %dma_wait3A_136 = arith.constant 0 : i32
      %dma_wait3A_137 = tpu.memref_slice %arg4[%multiple_of3A_78, %dma_wait3A_136] : memref<2560x125xi32, #tpu.memory_space<hbm>> -> memref<40x125xi32, #tpu.memory_space<hbm>>
      tpu.wait_dma2 semaphore(%run_scoped3A_129 : memref<!tpu.dma_semaphore, #tpu.memory_space<semaphore_mem>>) src(%dma_wait3A_137 : memref<40x125xi32, #tpu.memory_space<hbm>>) dst(%arg7 : memref<40x125xi32, #tpu.memory_space<vmem>>)
      tpu.yield
    }) : () -> ()
    %dma_start3A_79 = arith.constant 0 : i32
    %dma_start3A_80 = arith.constant 0 : i32
    %dma_start3A_81 = arith.constant 0 : i32
    %dma_start3A_82 = tpu.memref_slice %arg8[%dma_start3A_80, %dma_start3A_81] : memref<256x128xf32, #tpu.memory_space<vmem>> -> memref<125x128xf32, #tpu.memory_space<vmem>>
    %dma_start3A_83 = arith.constant 0 : i32
    %dma_start3A_84 = tpu.memref_slice %arg6[%dma_start3A_79, %dma_start3A_83] : memref<40x125xi32, #tpu.memory_space<vmem>> -> memref<1x125xi32, #tpu.memory_space<vmem>>
    %dma_start3A_85 = tpu.memref_squeeze %dma_start3A_84 : memref<1x125xi32, #tpu.memory_space<vmem>> -> memref<125xi32, #tpu.memory_space<vmem>>
    %dma_start3A_86 = arith.constant 0 : i32
    %dma_start3A_87 = arith.constant 0 : i32
    %dma_start3A_88 = tpu.memref_slice %arg2[%dma_start3A_86, %dma_start3A_87] : memref<10000x128xf32, #tpu.memory_space<hbm>> -> memref<10000x128xf32, #tpu.memory_space<hbm>>
    tpu.enqueue_indirect_dma source(%dma_start3A_88 : memref<10000x128xf32, #tpu.memory_space<hbm>>) target(%dma_start3A_82 : memref<125x128xf32, #tpu.memory_space<vmem>>) offsets(%dma_start3A_85 : memref<125xi32, #tpu.memory_space<vmem>>) semaphore(%arg10 : memref<!tpu.dma_semaphore, #tpu.memory_space<semaphore_mem>>)
    %dma_start3A_89 = arith.constant 1 : i32
    %dma_start3A_90 = arith.constant 128 : i32
    %dma_start3A_91 = arith.constant 0 : i32
    %dma_start3A_92 = tpu.memref_slice %arg8[%dma_start3A_90, %dma_start3A_91] : memref<256x128xf32, #tpu.memory_space<vmem>> -> memref<125x128xf32, #tpu.memory_space<vmem>>
    %dma_start3A_93 = arith.constant 0 : i32
    %dma_start3A_94 = tpu.memref_slice %arg6[%dma_start3A_89, %dma_start3A_93] : memref<40x125xi32, #tpu.memory_space<vmem>> -> memref<1x125xi32, #tpu.memory_space<vmem>>
    %dma_start3A_95 = tpu.memref_squeeze %dma_start3A_94 : memref<1x125xi32, #tpu.memory_space<vmem>> -> memref<125xi32, #tpu.memory_space<vmem>>
    %dma_start3A_96 = arith.constant 0 : i32
    %dma_start3A_97 = arith.constant 0 : i32
    %dma_start3A_98 = tpu.memref_slice %arg2[%dma_start3A_96, %dma_start3A_97] : memref<10000x128xf32, #tpu.memory_space<hbm>> -> memref<10000x128xf32, #tpu.memory_space<hbm>>
    tpu.enqueue_indirect_dma source(%dma_start3A_98 : memref<10000x128xf32, #tpu.memory_space<hbm>>) target(%dma_start3A_92 : memref<125x128xf32, #tpu.memory_space<vmem>>) offsets(%dma_start3A_95 : memref<125xi32, #tpu.memory_space<vmem>>) semaphore(%arg11 : memref<!tpu.dma_semaphore, #tpu.memory_space<semaphore_mem>>)
    %scan3A_99 = arith.constant 0 : i32
    %scan3A_100 = arith.constant 0 : i32
    %scan3A_101 = arith.constant 19 : i32
    %scan3A_102 = arith.addi %scan3A_100, %scan3A_101 : i32
    %scan3A_103 = arith.constant 1 : i32
    %scan3A_104 = scf.for %scan3A_129 = %scan3A_100 to %scan3A_102 step %scan3A_103 iter_args(%scan3A_130 = %scan3A_99) -> (i32)  : i32 {
      %mul3A_131 = arith.constant 2 : i32
      %mul3A_132 = arith.muli %scan3A_129, %mul3A_131 : i32
      %add3A_133 = arith.constant 0 : i32
      %add3A_134 = arith.addi %mul3A_132, %add3A_133 : i32
      %dma_wait3A_135 = arith.constant 0 : i32
      %dma_wait3A_136 = arith.constant 0 : i32
      %dma_wait3A_137 = tpu.memref_slice %arg8[%dma_wait3A_135, %dma_wait3A_136] : memref<256x128xf32, #tpu.memory_space<vmem>> -> memref<125x128xf32, #tpu.memory_space<vmem>>
      %dma_wait3A_138 = arith.constant 0 : i32
      %dma_wait3A_139 = tpu.memref_slice %arg6[%add3A_134, %dma_wait3A_138] : memref<40x125xi32, #tpu.memory_space<vmem>> -> memref<1x125xi32, #tpu.memory_space<vmem>>
      %dma_wait3A_140 = tpu.memref_squeeze %dma_wait3A_139 : memref<1x125xi32, #tpu.memory_space<vmem>> -> memref<125xi32, #tpu.memory_space<vmem>>
      %dma_wait3A_141 = arith.constant 0 : i32
      %dma_wait3A_142 = arith.constant 0 : i32
      %dma_wait3A_143 = tpu.memref_slice %arg2[%dma_wait3A_141, %dma_wait3A_142] : memref<10000x128xf32, #tpu.memory_space<hbm>> -> memref<10000x128xf32, #tpu.memory_space<hbm>>
      tpu.wait_indirect_dma semaphore(%arg10 : memref<!tpu.dma_semaphore, #tpu.memory_space<semaphore_mem>>) src(%dma_wait3A_143 : memref<10000x128xf32, #tpu.memory_space<hbm>>) dst(%dma_wait3A_137 : memref<125x128xf32, #tpu.memory_space<vmem>>)
      %add3A_144 = arith.constant 0 : i32
      %add3A_145 = arith.addi %mul3A_132, %add3A_144 : i32
      "tpu.region"() ({
        %run_scoped3A_186 = tpu.sem_alloc : memref<!tpu.dma_semaphore, #tpu.memory_space<semaphore_mem>>
        %dma_start3A_187 = arith.constant 0 : i32
        %dma_start3A_188 = arith.constant 0 : i32
        %dma_start3A_189 = tpu.memref_slice %arg8[%dma_start3A_187, %dma_start3A_188] : memref<256x128xf32, #tpu.memory_space<vmem>> -> memref<125x128xf32, #tpu.memory_space<vmem>>
        %dma_start3A_190 = arith.constant 0 : i32
        %dma_start3A_191 = tpu.memref_slice %arg7[%add3A_145, %dma_start3A_190] : memref<40x125xi32, #tpu.memory_space<vmem>> -> memref<1x125xi32, #tpu.memory_space<vmem>>
        %dma_start3A_192 = tpu.memref_squeeze %dma_start3A_191 : memref<1x125xi32, #tpu.memory_space<vmem>> -> memref<125xi32, #tpu.memory_space<vmem>>
        %dma_start3A_193 = arith.constant 0 : i32
        %dma_start3A_194 = arith.constant 0 : i32
        %dma_start3A_195 = tpu.memref_slice %arg9[%dma_start3A_193, %dma_start3A_194] : memref<10240x128xf32, #tpu.memory_space<vmem_shared>> -> memref<10240x128xf32, #tpu.memory_space<vmem_shared>>
        tpu.enqueue_indirect_dma source(%dma_start3A_189 : memref<125x128xf32, #tpu.memory_space<vmem>>) target(%dma_start3A_195 : memref<10240x128xf32, #tpu.memory_space<vmem_shared>>) offsets(%dma_start3A_192 : memref<125xi32, #tpu.memory_space<vmem>>) semaphore(%run_scoped3A_186 : memref<!tpu.dma_semaphore, #tpu.memory_space<semaphore_mem>>) {add = true}
        %dma_wait3A_196 = arith.constant 0 : i32
        %dma_wait3A_197 = arith.constant 0 : i32
        %dma_wait3A_198 = tpu.memref_slice %arg8[%dma_wait3A_196, %dma_wait3A_197] : memref<256x128xf32, #tpu.memory_space<vmem>> -> memref<125x128xf32, #tpu.memory_space<vmem>>
        %dma_wait3A_199 = arith.constant 0 : i32
        %dma_wait3A_200 = tpu.memref_slice %arg7[%add3A_145, %dma_wait3A_199] : memref<40x125xi32, #tpu.memory_space<vmem>> -> memref<1x125xi32, #tpu.memory_space<vmem>>
        %dma_wait3A_201 = tpu.memref_squeeze %dma_wait3A_200 : memref<1x125xi32, #tpu.memory_space<vmem>> -> memref<125xi32, #tpu.memory_space<vmem>>
        %dma_wait3A_202 = arith.constant 0 : i32
        %dma_wait3A_203 = arith.constant 0 : i32
        %dma_wait3A_204 = tpu.memref_slice %arg9[%dma_wait3A_202, %dma_wait3A_203] : memref<10240x128xf32, #tpu.memory_space<vmem_shared>> -> memref<10240x128xf32, #tpu.memory_space<vmem_shared>>
        tpu.wait_indirect_dma semaphore(%run_scoped3A_186 : memref<!tpu.dma_semaphore, #tpu.memory_space<semaphore_mem>>) src(%dma_wait3A_198 : memref<125x128xf32, #tpu.memory_space<vmem>>) dst(%dma_wait3A_204 : memref<10240x128xf32, #tpu.memory_space<vmem_shared>>)
        tpu.yield
      }) : () -> ()
      %add3A_146 = arith.constant 0 : i32
      %add3A_147 = arith.addi %mul3A_132, %add3A_146 : i32
      %add3A_148 = arith.constant 2 : i32
      %add3A_149 = arith.addi %add3A_147, %add3A_148 : i32
      %dma_start3A_150 = arith.constant 0 : i32
      %dma_start3A_151 = arith.constant 0 : i32
      %dma_start3A_152 = tpu.memref_slice %arg8[%dma_start3A_150, %dma_start3A_151] : memref<256x128xf32, #tpu.memory_space<vmem>> -> memref<125x128xf32, #tpu.memory_space<vmem>>
      %dma_start3A_153 = arith.constant 0 : i32
      %dma_start3A_154 = tpu.memref_slice %arg6[%add3A_149, %dma_start3A_153] : memref<40x125xi32, #tpu.memory_space<vmem>> -> memref<1x125xi32, #tpu.memory_space<vmem>>
      %dma_start3A_155 = tpu.memref_squeeze %dma_start3A_154 : memref<1x125xi32, #tpu.memory_space<vmem>> -> memref<125xi32, #tpu.memory_space<vmem>>
      %dma_start3A_156 = arith.constant 0 : i32
      %dma_start3A_157 = arith.constant 0 : i32
      %dma_start3A_158 = tpu.memref_slice %arg2[%dma_start3A_156, %dma_start3A_157] : memref<10000x128xf32, #tpu.memory_space<hbm>> -> memref<10000x128xf32, #tpu.memory_space<hbm>>
      tpu.enqueue_indirect_dma source(%dma_start3A_158 : memref<10000x128xf32, #tpu.memory_space<hbm>>) target(%dma_start3A_152 : memref<125x128xf32, #tpu.memory_space<vmem>>) offsets(%dma_start3A_155 : memref<125xi32, #tpu.memory_space<vmem>>) semaphore(%arg10 : memref<!tpu.dma_semaphore, #tpu.memory_space<semaphore_mem>>)
      %add3A_159 = arith.constant 1 : i32
      %add3A_160 = arith.addi %mul3A_132, %add3A_159 : i32
      %dma_wait3A_161 = arith.constant 128 : i32
      %dma_wait3A_162 = arith.constant 0 : i32
      %dma_wait3A_163 = tpu.memref_slice %arg8[%dma_wait3A_161, %dma_wait3A_162] : memref<256x128xf32, #tpu.memory_space<vmem>> -> memref<125x128xf32, #tpu.memory_space<vmem>>
      %dma_wait3A_164 = arith.constant 0 : i32
      %dma_wait3A_165 = tpu.memref_slice %arg6[%add3A_160, %dma_wait3A_164] : memref<40x125xi32, #tpu.memory_space<vmem>> -> memref<1x125xi32, #tpu.memory_space<vmem>>
      %dma_wait3A_166 = tpu.memref_squeeze %dma_wait3A_165 : memref<1x125xi32, #tpu.memory_space<vmem>> -> memref<125xi32, #tpu.memory_space<vmem>>
      %dma_wait3A_167 = arith.constant 0 : i32
      %dma_wait3A_168 = arith.constant 0 : i32
      %dma_wait3A_169 = tpu.memref_slice %arg2[%dma_wait3A_167, %dma_wait3A_168] : memref<10000x128xf32, #tpu.memory_space<hbm>> -> memref<10000x128xf32, #tpu.memory_space<hbm>>
      tpu.wait_indirect_dma semaphore(%arg11 : memref<!tpu.dma_semaphore, #tpu.memory_space<semaphore_mem>>) src(%dma_wait3A_169 : memref<10000x128xf32, #tpu.memory_space<hbm>>) dst(%dma_wait3A_163 : memref<125x128xf32, #tpu.memory_space<vmem>>)
      %add3A_170 = arith.constant 1 : i32
      %add3A_171 = arith.addi %mul3A_132, %add3A_170 : i32
      "tpu.region"() ({
        %run_scoped3A_186 = tpu.sem_alloc : memref<!tpu.dma_semaphore, #tpu.memory_space<semaphore_mem>>
        %dma_start3A_187 = arith.constant 128 : i32
        %dma_start3A_188 = arith.constant 0 : i32
        %dma_start3A_189 = tpu.memref_slice %arg8[%dma_start3A_187, %dma_start3A_188] : memref<256x128xf32, #tpu.memory_space<vmem>> -> memref<125x128xf32, #tpu.memory_space<vmem>>
        %dma_start3A_190 = arith.constant 0 : i32
        %dma_start3A_191 = tpu.memref_slice %arg7[%add3A_171, %dma_start3A_190] : memref<40x125xi32, #tpu.memory_space<vmem>> -> memref<1x125xi32, #tpu.memory_space<vmem>>
        %dma_start3A_192 = tpu.memref_squeeze %dma_start3A_191 : memref<1x125xi32, #tpu.memory_space<vmem>> -> memref<125xi32, #tpu.memory_space<vmem>>
        %dma_start3A_193 = arith.constant 0 : i32
        %dma_start3A_194 = arith.constant 0 : i32
        %dma_start3A_195 = tpu.memref_slice %arg9[%dma_start3A_193, %dma_start3A_194] : memref<10240x128xf32, #tpu.memory_space<vmem_shared>> -> memref<10240x128xf32, #tpu.memory_space<vmem_shared>>
        tpu.enqueue_indirect_dma source(%dma_start3A_189 : memref<125x128xf32, #tpu.memory_space<vmem>>) target(%dma_start3A_195 : memref<10240x128xf32, #tpu.memory_space<vmem_shared>>) offsets(%dma_start3A_192 : memref<125xi32, #tpu.memory_space<vmem>>) semaphore(%run_scoped3A_186 : memref<!tpu.dma_semaphore, #tpu.memory_space<semaphore_mem>>) {add = true}
        %dma_wait3A_196 = arith.constant 128 : i32
        %dma_wait3A_197 = arith.constant 0 : i32
        %dma_wait3A_198 = tpu.memref_slice %arg8[%dma_wait3A_196, %dma_wait3A_197] : memref<256x128xf32, #tpu.memory_space<vmem>> -> memref<125x128xf32, #tpu.memory_space<vmem>>
        %dma_wait3A_199 = arith.constant 0 : i32
        %dma_wait3A_200 = tpu.memref_slice %arg7[%add3A_171, %dma_wait3A_199] : memref<40x125xi32, #tpu.memory_space<vmem>> -> memref<1x125xi32, #tpu.memory_space<vmem>>
        %dma_wait3A_201 = tpu.memref_squeeze %dma_wait3A_200 : memref<1x125xi32, #tpu.memory_space<vmem>> -> memref<125xi32, #tpu.memory_space<vmem>>
        %dma_wait3A_202 = arith.constant 0 : i32
        %dma_wait3A_203 = arith.constant 0 : i32
        %dma_wait3A_204 = tpu.memref_slice %arg9[%dma_wait3A_202, %dma_wait3A_203] : memref<10240x128xf32, #tpu.memory_space<vmem_shared>> -> memref<10240x128xf32, #tpu.memory_space<vmem_shared>>
        tpu.wait_indirect_dma semaphore(%run_scoped3A_186 : memref<!tpu.dma_semaphore, #tpu.memory_space<semaphore_mem>>) src(%dma_wait3A_198 : memref<125x128xf32, #tpu.memory_space<vmem>>) dst(%dma_wait3A_204 : memref<10240x128xf32, #tpu.memory_space<vmem_shared>>)
        tpu.yield
      }) : () -> ()
      %add3A_172 = arith.constant 1 : i32
      %add3A_173 = arith.addi %mul3A_132, %add3A_172 : i32
      %add3A_174 = arith.constant 2 : i32
      %add3A_175 = arith.addi %add3A_173, %add3A_174 : i32
      %dma_start3A_176 = arith.constant 128 : i32
      %dma_start3A_177 = arith.constant 0 : i32
      %dma_start3A_178 = tpu.memref_slice %arg8[%dma_start3A_176, %dma_start3A_177] : memref<256x128xf32, #tpu.memory_space<vmem>> -> memref<125x128xf32, #tpu.memory_space<vmem>>
      %dma_start3A_179 = arith.constant 0 : i32
      %dma_start3A_180 = tpu.memref_slice %arg6[%add3A_175, %dma_start3A_179] : memref<40x125xi32, #tpu.memory_space<vmem>> -> memref<1x125xi32, #tpu.memory_space<vmem>>
      %dma_start3A_181 = tpu.memref_squeeze %dma_start3A_180 : memref<1x125xi32, #tpu.memory_space<vmem>> -> memref<125xi32, #tpu.memory_space<vmem>>
      %dma_start3A_182 = arith.constant 0 : i32
      %dma_start3A_183 = arith.constant 0 : i32
      %dma_start3A_184 = tpu.memref_slice %arg2[%dma_start3A_182, %dma_start3A_183] : memref<10000x128xf32, #tpu.memory_space<hbm>> -> memref<10000x128xf32, #tpu.memory_space<hbm>>
      tpu.enqueue_indirect_dma source(%dma_start3A_184 : memref<10000x128xf32, #tpu.memory_space<hbm>>) target(%dma_start3A_178 : memref<125x128xf32, #tpu.memory_space<vmem>>) offsets(%dma_start3A_181 : memref<125xi32, #tpu.memory_space<vmem>>) semaphore(%arg11 : memref<!tpu.dma_semaphore, #tpu.memory_space<semaphore_mem>>)
      %scan3A_185 = arith.constant 0 : i32
      scf.yield %scan3A_185 : i32
    }
    %scan3A_105 = arith.constant 19 : i32
    %dma_wait3A_106 = arith.constant 38 : i32
    %dma_wait3A_107 = arith.constant 0 : i32
    %dma_wait3A_108 = arith.constant 0 : i32
    %dma_wait3A_109 = tpu.memref_slice %arg8[%dma_wait3A_107, %dma_wait3A_108] : memref<256x128xf32, #tpu.memory_space<vmem>> -> memref<125x128xf32, #tpu.memory_space<vmem>>
    %dma_wait3A_110 = arith.constant 0 : i32
    %dma_wait3A_111 = tpu.memref_slice %arg6[%dma_wait3A_106, %dma_wait3A_110] : memref<40x125xi32, #tpu.memory_space<vmem>> -> memref<1x125xi32, #tpu.memory_space<vmem>>
    %dma_wait3A_112 = tpu.memref_squeeze %dma_wait3A_111 : memref<1x125xi32, #tpu.memory_space<vmem>> -> memref<125xi32, #tpu.memory_space<vmem>>
    %dma_wait3A_113 = arith.constant 0 : i32
    %dma_wait3A_114 = arith.constant 0 : i32
    %dma_wait3A_115 = tpu.memref_slice %arg2[%dma_wait3A_113, %dma_wait3A_114] : memref<10000x128xf32, #tpu.memory_space<hbm>> -> memref<10000x128xf32, #tpu.memory_space<hbm>>
    tpu.wait_indirect_dma semaphore(%arg10 : memref<!tpu.dma_semaphore, #tpu.memory_space<semaphore_mem>>) src(%dma_wait3A_115 : memref<10000x128xf32, #tpu.memory_space<hbm>>) dst(%dma_wait3A_109 : memref<125x128xf32, #tpu.memory_space<vmem>>)
    %run_scoped3A_116 = arith.constant 38 : i32
    "tpu.region"() ({
      %run_scoped3A_129 = tpu.sem_alloc : memref<!tpu.dma_semaphore, #tpu.memory_space<semaphore_mem>>
      %dma_start3A_130 = arith.constant 0 : i32
      %dma_start3A_131 = arith.constant 0 : i32
      %dma_start3A_132 = tpu.memref_slice %arg8[%dma_start3A_130, %dma_start3A_131] : memref<256x128xf32, #tpu.memory_space<vmem>> -> memref<125x128xf32, #tpu.memory_space<vmem>>
      %dma_start3A_133 = arith.constant 0 : i32
      %dma_start3A_134 = tpu.memref_slice %arg7[%run_scoped3A_116, %dma_start3A_133] : memref<40x125xi32, #tpu.memory_space<vmem>> -> memref<1x125xi32, #tpu.memory_space<vmem>>
      %dma_start3A_135 = tpu.memref_squeeze %dma_start3A_134 : memref<1x125xi32, #tpu.memory_space<vmem>> -> memref<125xi32, #tpu.memory_space<vmem>>
      %dma_start3A_136 = arith.constant 0 : i32
      %dma_start3A_137 = arith.constant 0 : i32
      %dma_start3A_138 = tpu.memref_slice %arg9[%dma_start3A_136, %dma_start3A_137] : memref<10240x128xf32, #tpu.memory_space<vmem_shared>> -> memref<10240x128xf32, #tpu.memory_space<vmem_shared>>
      tpu.enqueue_indirect_dma source(%dma_start3A_132 : memref<125x128xf32, #tpu.memory_space<vmem>>) target(%dma_start3A_138 : memref<10240x128xf32, #tpu.memory_space<vmem_shared>>) offsets(%dma_start3A_135 : memref<125xi32, #tpu.memory_space<vmem>>) semaphore(%run_scoped3A_129 : memref<!tpu.dma_semaphore, #tpu.memory_space<semaphore_mem>>) {add = true}
      %dma_wait3A_139 = arith.constant 0 : i32
      %dma_wait3A_140 = arith.constant 0 : i32
      %dma_wait3A_141 = tpu.memref_slice %arg8[%dma_wait3A_139, %dma_wait3A_140] : memref<256x128xf32, #tpu.memory_space<vmem>> -> memref<125x128xf32, #tpu.memory_space<vmem>>
      %dma_wait3A_142 = arith.constant 0 : i32
      %dma_wait3A_143 = tpu.memref_slice %arg7[%run_scoped3A_116, %dma_wait3A_142] : memref<40x125xi32, #tpu.memory_space<vmem>> -> memref<1x125xi32, #tpu.memory_space<vmem>>
      %dma_wait3A_144 = tpu.memref_squeeze %dma_wait3A_143 : memref<1x125xi32, #tpu.memory_space<vmem>> -> memref<125xi32, #tpu.memory_space<vmem>>
      %dma_wait3A_145 = arith.constant 0 : i32
      %dma_wait3A_146 = arith.constant 0 : i32
      %dma_wait3A_147 = tpu.memref_slice %arg9[%dma_wait3A_145, %dma_wait3A_146] : memref<10240x128xf32, #tpu.memory_space<vmem_shared>> -> memref<10240x128xf32, #tpu.memory_space<vmem_shared>>
      tpu.wait_indirect_dma semaphore(%run_scoped3A_129 : memref<!tpu.dma_semaphore, #tpu.memory_space<semaphore_mem>>) src(%dma_wait3A_141 : memref<125x128xf32, #tpu.memory_space<vmem>>) dst(%dma_wait3A_147 : memref<10240x128xf32, #tpu.memory_space<vmem_shared>>)
      tpu.yield
    }) : () -> ()
    %dma_wait3A_117 = arith.constant 39 : i32
    %dma_wait3A_118 = arith.constant 128 : i32
    %dma_wait3A_119 = arith.constant 0 : i32
    %dma_wait3A_120 = tpu.memref_slice %arg8[%dma_wait3A_118, %dma_wait3A_119] : memref<256x128xf32, #tpu.memory_space<vmem>> -> memref<125x128xf32, #tpu.memory_space<vmem>>
    %dma_wait3A_121 = arith.constant 0 : i32
    %dma_wait3A_122 = tpu.memref_slice %arg6[%dma_wait3A_117, %dma_wait3A_121] : memref<40x125xi32, #tpu.memory_space<vmem>> -> memref<1x125xi32, #tpu.memory_space<vmem>>
    %dma_wait3A_123 = tpu.memref_squeeze %dma_wait3A_122 : memref<1x125xi32, #tpu.memory_space<vmem>> -> memref<125xi32, #tpu.memory_space<vmem>>
    %dma_wait3A_124 = arith.constant 0 : i32
    %dma_wait3A_125 = arith.constant 0 : i32
    %dma_wait3A_126 = tpu.memref_slice %arg2[%dma_wait3A_124, %dma_wait3A_125] : memref<10000x128xf32, #tpu.memory_space<hbm>> -> memref<10000x128xf32, #tpu.memory_space<hbm>>
    tpu.wait_indirect_dma semaphore(%arg11 : memref<!tpu.dma_semaphore, #tpu.memory_space<semaphore_mem>>) src(%dma_wait3A_126 : memref<10000x128xf32, #tpu.memory_space<hbm>>) dst(%dma_wait3A_120 : memref<125x128xf32, #tpu.memory_space<vmem>>)
    %run_scoped3A_127 = arith.constant 39 : i32
    "tpu.region"() ({
      %run_scoped3A_129 = tpu.sem_alloc : memref<!tpu.dma_semaphore, #tpu.memory_space<semaphore_mem>>
      %dma_start3A_130 = arith.constant 128 : i32
      %dma_start3A_131 = arith.constant 0 : i32
      %dma_start3A_132 = tpu.memref_slice %arg8[%dma_start3A_130, %dma_start3A_131] : memref<256x128xf32, #tpu.memory_space<vmem>> -> memref<125x128xf32, #tpu.memory_space<vmem>>
      %dma_start3A_133 = arith.constant 0 : i32
      %dma_start3A_134 = tpu.memref_slice %arg7[%run_scoped3A_127, %dma_start3A_133] : memref<40x125xi32, #tpu.memory_space<vmem>> -> memref<1x125xi32, #tpu.memory_space<vmem>>
      %dma_start3A_135 = tpu.memref_squeeze %dma_start3A_134 : memref<1x125xi32, #tpu.memory_space<vmem>> -> memref<125xi32, #tpu.memory_space<vmem>>
      %dma_start3A_136 = arith.constant 0 : i32
      %dma_start3A_137 = arith.constant 0 : i32
      %dma_start3A_138 = tpu.memref_slice %arg9[%dma_start3A_136, %dma_start3A_137] : memref<10240x128xf32, #tpu.memory_space<vmem_shared>> -> memref<10240x128xf32, #tpu.memory_space<vmem_shared>>
      tpu.enqueue_indirect_dma source(%dma_start3A_132 : memref<125x128xf32, #tpu.memory_space<vmem>>) target(%dma_start3A_138 : memref<10240x128xf32, #tpu.memory_space<vmem_shared>>) offsets(%dma_start3A_135 : memref<125xi32, #tpu.memory_space<vmem>>) semaphore(%run_scoped3A_129 : memref<!tpu.dma_semaphore, #tpu.memory_space<semaphore_mem>>) {add = true}
      %dma_wait3A_139 = arith.constant 128 : i32
      %dma_wait3A_140 = arith.constant 0 : i32
      %dma_wait3A_141 = tpu.memref_slice %arg8[%dma_wait3A_139, %dma_wait3A_140] : memref<256x128xf32, #tpu.memory_space<vmem>> -> memref<125x128xf32, #tpu.memory_space<vmem>>
      %dma_wait3A_142 = arith.constant 0 : i32
      %dma_wait3A_143 = tpu.memref_slice %arg7[%run_scoped3A_127, %dma_wait3A_142] : memref<40x125xi32, #tpu.memory_space<vmem>> -> memref<1x125xi32, #tpu.memory_space<vmem>>
      %dma_wait3A_144 = tpu.memref_squeeze %dma_wait3A_143 : memref<1x125xi32, #tpu.memory_space<vmem>> -> memref<125xi32, #tpu.memory_space<vmem>>
      %dma_wait3A_145 = arith.constant 0 : i32
      %dma_wait3A_146 = arith.constant 0 : i32
      %dma_wait3A_147 = tpu.memref_slice %arg9[%dma_wait3A_145, %dma_wait3A_146] : memref<10240x128xf32, #tpu.memory_space<vmem_shared>> -> memref<10240x128xf32, #tpu.memory_space<vmem_shared>>
      tpu.wait_indirect_dma semaphore(%run_scoped3A_129 : memref<!tpu.dma_semaphore, #tpu.memory_space<semaphore_mem>>) src(%dma_wait3A_141 : memref<125x128xf32, #tpu.memory_space<vmem>>) dst(%dma_wait3A_147 : memref<10240x128xf32, #tpu.memory_space<vmem_shared>>)
      tpu.yield
    }) : () -> ()
    %barrier3A_128 = arith.constant 0 : index
    tpu.barrier barrier_id(%barrier3A_128)
    "tpu.region"() ({
      %run_scoped3A_129 = tpu.sem_alloc : memref<!tpu.dma_semaphore, #tpu.memory_space<semaphore_mem>>
      %dma_start3A_130 = arith.constant 0 : i32
      %dma_start3A_131 = tpu.memref_slice %arg5[%arg0, %multiple_of3A, %dma_start3A_130] : memref<2x10240x128xf32, #tpu.memory_space<hbm>> -> memref<1x640x128xf32, #tpu.memory_space<hbm>>
      %dma_start3A_132 = tpu.memref_squeeze %dma_start3A_131 : memref<1x640x128xf32, #tpu.memory_space<hbm>> -> memref<640x128xf32, #tpu.memory_space<hbm>>
      %dma_start3A_133 = arith.constant 0 : i32
      %dma_start3A_134 = tpu.memref_slice %arg9[%multiple_of3A, %dma_start3A_133] : memref<10240x128xf32, #tpu.memory_space<vmem_shared>> -> memref<640x128xf32, #tpu.memory_space<vmem_shared>>
      tpu.enqueue_dma source(%dma_start3A_134 : memref<640x128xf32, #tpu.memory_space<vmem_shared>>) target(%dma_start3A_132 : memref<640x128xf32, #tpu.memory_space<hbm>>) target_semaphore(%run_scoped3A_129 : memref<!tpu.dma_semaphore, #tpu.memory_space<semaphore_mem>>)
      %dma_wait3A_135 = arith.constant 0 : i32
      %dma_wait3A_136 = tpu.memref_slice %arg5[%arg0, %multiple_of3A, %dma_wait3A_135] : memref<2x10240x128xf32, #tpu.memory_space<hbm>> -> memref<1x640x128xf32, #tpu.memory_space<hbm>>
      %dma_wait3A_137 = tpu.memref_squeeze %dma_wait3A_136 : memref<1x640x128xf32, #tpu.memory_space<hbm>> -> memref<640x128xf32, #tpu.memory_space<hbm>>
      %dma_wait3A_138 = arith.constant 0 : i32
      %dma_wait3A_139 = tpu.memref_slice %arg9[%multiple_of3A, %dma_wait3A_138] : memref<10240x128xf32, #tpu.memory_space<vmem_shared>> -> memref<640x128xf32, #tpu.memory_space<vmem_shared>>
      tpu.wait_dma2 semaphore(%run_scoped3A_129 : memref<!tpu.dma_semaphore, #tpu.memory_space<semaphore_mem>>) src(%dma_wait3A_139 : memref<640x128xf32, #tpu.memory_space<vmem_shared>>) dst(%dma_wait3A_137 : memref<640x128xf32, #tpu.memory_space<hbm>>)
      tpu.yield
    }) : () -> ()
    return
  }
}

#map = affine_map<(d0, d1) -> (0, 0)>
#map1 = affine_map<(d0, d1) -> (0, 0, 0)>
module attributes {stable_mosaic.version = 14 : i64} {
  func.func @_deg_body(%arg0: i32, %arg1: i32, %arg2: memref<2560x125xi32, #tpu.memory_space<hbm>>, %arg3: memref<2x10240x128xf32, #tpu.memory_space<hbm>>, %arg4: memref<80x125xi32, #tpu.memory_space<vmem>>, %arg5: memref<128x128xf32, #tpu.memory_space<vmem>>, %arg6: memref<10240x128xf32, #tpu.memory_space<vmem_shared>>) attributes {dimension_semantics = [#tpu.dimension_semantics<core_parallel>, #tpu.dimension_semantics<subcore_parallel>], iteration_bounds = array<i64: 2, 16>, scalar_prefetch = 0 : i64, scratch_operands = 3 : i64, tpu.core_type = #tpu.core_type<sc_vector_subcore>, window_params = [{transform_indices = #map}, {transform_indices = #map1}]} {
    %mul3A = arith.constant 16 : i32
    %mul3A_0 = arith.muli %arg0, %mul3A : i32
    %add3A = arith.addi %mul3A_0, %arg1 : i32
    %mul3A_1 = arith.constant 80 : i32
    %mul3A_2 = arith.muli %add3A, %mul3A_1 : i32
    %multiple_of3A = tpu.assume_multiple %mul3A_2, 8 : i32
    %mul3A_3 = arith.constant 640 : i32
    %mul3A_4 = arith.muli %arg1, %mul3A_3 : i32
    %multiple_of3A_5 = tpu.assume_multiple %mul3A_4, 8 : i32
    %broadcast_in_dim3A = arith.constant 0.000000e+00 : f32
    %broadcast_in_dim3A_6 = vector.broadcast %broadcast_in_dim3A : f32 to vector<16xf32>
    %scan3A = arith.constant 0 : i32
    %scan3A_7 = arith.constant 0 : i32
    %scan3A_8 = arith.constant 128 : i32
    %scan3A_9 = arith.addi %scan3A_7, %scan3A_8 : i32
    %scan3A_10 = arith.constant 1 : i32
    %scan3A_11 = scf.for %scan3A_40 = %scan3A_7 to %scan3A_9 step %scan3A_10 iter_args(%scan3A_41 = %scan3A) -> (i32)  : i32 {
      %swap3A = arith.index_cast %scan3A_40 : i32 to index
      %swap3A_42 = arith.constant 0 : index
      %swap3A_43 = tpu.vector_load %arg5[%swap3A, %swap3A_42] {strides = array<i32>} : memref<128x128xf32, #tpu.memory_space<vmem>>, vector<1x16xf32>,
      %swap3A_44 = vector.shape_cast %swap3A_43 : vector<1x16xf32> to vector<16xf32>
      %swap3A_45 = vector.shape_cast %broadcast_in_dim3A_6 : vector<16xf32> to vector<1x16xf32>
      tpu.vector_store %arg5[%swap3A, %swap3A_42], %swap3A_45 {strides = array<i32>} : memref<128x128xf32, #tpu.memory_space<vmem>>, vector<1x16xf32>,
      %swap3A_46 = arith.index_cast %scan3A_40 : i32 to index
      %swap3A_47 = arith.constant 16 : index
      %swap3A_48 = tpu.vector_load %arg5[%swap3A_46, %swap3A_47] {strides = array<i32>} : memref<128x128xf32, #tpu.memory_space<vmem>>, vector<1x16xf32>,
      %swap3A_49 = vector.shape_cast %swap3A_48 : vector<1x16xf32> to vector<16xf32>
      %swap3A_50 = vector.shape_cast %broadcast_in_dim3A_6 : vector<16xf32> to vector<1x16xf32>
      tpu.vector_store %arg5[%swap3A_46, %swap3A_47], %swap3A_50 {strides = array<i32>} : memref<128x128xf32, #tpu.memory_space<vmem>>, vector<1x16xf32>,
      %swap3A_51 = arith.index_cast %scan3A_40 : i32 to index
      %swap3A_52 = arith.constant 32 : index
      %swap3A_53 = tpu.vector_load %arg5[%swap3A_51, %swap3A_52] {strides = array<i32>} : memref<128x128xf32, #tpu.memory_space<vmem>>, vector<1x16xf32>,
      %swap3A_54 = vector.shape_cast %swap3A_53 : vector<1x16xf32> to vector<16xf32>
      %swap3A_55 = vector.shape_cast %broadcast_in_dim3A_6 : vector<16xf32> to vector<1x16xf32>
      tpu.vector_store %arg5[%swap3A_51, %swap3A_52], %swap3A_55 {strides = array<i32>} : memref<128x128xf32, #tpu.memory_space<vmem>>, vector<1x16xf32>,
      %swap3A_56 = arith.index_cast %scan3A_40 : i32 to index
      %swap3A_57 = arith.constant 48 : index
      %swap3A_58 = tpu.vector_load %arg5[%swap3A_56, %swap3A_57] {strides = array<i32>} : memref<128x128xf32, #tpu.memory_space<vmem>>, vector<1x16xf32>,
      %swap3A_59 = vector.shape_cast %swap3A_58 : vector<1x16xf32> to vector<16xf32>
      %swap3A_60 = vector.shape_cast %broadcast_in_dim3A_6 : vector<16xf32> to vector<1x16xf32>
      tpu.vector_store %arg5[%swap3A_56, %swap3A_57], %swap3A_60 {strides = array<i32>} : memref<128x128xf32, #tpu.memory_space<vmem>>, vector<1x16xf32>,
      %swap3A_61 = arith.index_cast %scan3A_40 : i32 to index
      %swap3A_62 = arith.constant 64 : index
      %swap3A_63 = tpu.vector_load %arg5[%swap3A_61, %swap3A_62] {strides = array<i32>} : memref<128x128xf32, #tpu.memory_space<vmem>>, vector<1x16xf32>,
      %swap3A_64 = vector.shape_cast %swap3A_63 : vector<1x16xf32> to vector<16xf32>
      %swap3A_65 = vector.shape_cast %broadcast_in_dim3A_6 : vector<16xf32> to vector<1x16xf32>
      tpu.vector_store %arg5[%swap3A_61, %swap3A_62], %swap3A_65 {strides = array<i32>} : memref<128x128xf32, #tpu.memory_space<vmem>>, vector<1x16xf32>,
      %swap3A_66 = arith.index_cast %scan3A_40 : i32 to index
      %swap3A_67 = arith.constant 80 : index
      %swap3A_68 = tpu.vector_load %arg5[%swap3A_66, %swap3A_67] {strides = array<i32>} : memref<128x128xf32, #tpu.memory_space<vmem>>, vector<1x16xf32>,
      %swap3A_69 = vector.shape_cast %swap3A_68 : vector<1x16xf32> to vector<16xf32>
      %swap3A_70 = vector.shape_cast %broadcast_in_dim3A_6 : vector<16xf32> to vector<1x16xf32>
      tpu.vector_store %arg5[%swap3A_66, %swap3A_67], %swap3A_70 {strides = array<i32>} : memref<128x128xf32, #tpu.memory_space<vmem>>, vector<1x16xf32>,
      %swap3A_71 = arith.index_cast %scan3A_40 : i32 to index
      %swap3A_72 = arith.constant 96 : index
      %swap3A_73 = tpu.vector_load %arg5[%swap3A_71, %swap3A_72] {strides = array<i32>} : memref<128x128xf32, #tpu.memory_space<vmem>>, vector<1x16xf32>,
      %swap3A_74 = vector.shape_cast %swap3A_73 : vector<1x16xf32> to vector<16xf32>
      %swap3A_75 = vector.shape_cast %broadcast_in_dim3A_6 : vector<16xf32> to vector<1x16xf32>
      tpu.vector_store %arg5[%swap3A_71, %swap3A_72], %swap3A_75 {strides = array<i32>} : memref<128x128xf32, #tpu.memory_space<vmem>>, vector<1x16xf32>,
      %swap3A_76 = arith.index_cast %scan3A_40 : i32 to index
      %swap3A_77 = arith.constant 112 : index
      %swap3A_78 = tpu.vector_load %arg5[%swap3A_76, %swap3A_77] {strides = array<i32>} : memref<128x128xf32, #tpu.memory_space<vmem>>, vector<1x16xf32>,
      %swap3A_79 = vector.shape_cast %swap3A_78 : vector<1x16xf32> to vector<16xf32>
      %swap3A_80 = vector.shape_cast %broadcast_in_dim3A_6 : vector<16xf32> to vector<1x16xf32>
      tpu.vector_store %arg5[%swap3A_76, %swap3A_77], %swap3A_80 {strides = array<i32>} : memref<128x128xf32, #tpu.memory_space<vmem>>, vector<1x16xf32>,
      %scan3A_81 = arith.constant 0 : i32
      scf.yield %scan3A_81 : i32
    }
    %scan3A_12 = arith.constant 128 : i32
    %add3A_13 = arith.constant 0 : i32
    %add3A_14 = arith.addi %multiple_of3A_5, %add3A_13 : i32
    "tpu.region"() ({
      %run_scoped3A = tpu.sem_alloc : memref<!tpu.dma_semaphore, #tpu.memory_space<semaphore_mem>>
      %dma_start3A = arith.constant 0 : i32
      %dma_start3A_40 = tpu.memref_slice %arg6[%add3A_14, %dma_start3A] : memref<10240x128xf32, #tpu.memory_space<vmem_shared>> -> memref<128x128xf32, #tpu.memory_space<vmem_shared>>
      %dma_start3A_41 = arith.constant 0 : i32
      %dma_start3A_42 = tpu.memref_slice %arg6[%add3A_14, %dma_start3A_41] : memref<10240x128xf32, #tpu.memory_space<vmem_shared>> -> memref<128x128xf32, #tpu.memory_space<vmem_shared>>
      tpu.enqueue_dma source(%arg5 : memref<128x128xf32, #tpu.memory_space<vmem>>) target(%dma_start3A_42 : memref<128x128xf32, #tpu.memory_space<vmem_shared>>) target_semaphore(%run_scoped3A : memref<!tpu.dma_semaphore, #tpu.memory_space<semaphore_mem>>)
      %dma_wait3A = arith.constant 0 : i32
      %dma_wait3A_43 = tpu.memref_slice %arg6[%add3A_14, %dma_wait3A] : memref<10240x128xf32, #tpu.memory_space<vmem_shared>> -> memref<128x128xf32, #tpu.memory_space<vmem_shared>>
      %dma_wait3A_44 = arith.constant 0 : i32
      %dma_wait3A_45 = tpu.memref_slice %arg6[%add3A_14, %dma_wait3A_44] : memref<10240x128xf32, #tpu.memory_space<vmem_shared>> -> memref<128x128xf32, #tpu.memory_space<vmem_shared>>
      tpu.wait_dma2 semaphore(%run_scoped3A : memref<!tpu.dma_semaphore, #tpu.memory_space<semaphore_mem>>) src(%arg5 : memref<128x128xf32, #tpu.memory_space<vmem>>) dst(%dma_wait3A_45 : memref<128x128xf32, #tpu.memory_space<vmem_shared>>)
      tpu.yield
    }) : () -> ()
    %add3A_15 = arith.constant 128 : i32
    %add3A_16 = arith.addi %multiple_of3A_5, %add3A_15 : i32
    "tpu.region"() ({
      %run_scoped3A = tpu.sem_alloc : memref<!tpu.dma_semaphore, #tpu.memory_space<semaphore_mem>>
      %dma_start3A = arith.constant 0 : i32
      %dma_start3A_40 = tpu.memref_slice %arg6[%add3A_16, %dma_start3A] : memref<10240x128xf32, #tpu.memory_space<vmem_shared>> -> memref<128x128xf32, #tpu.memory_space<vmem_shared>>
      %dma_start3A_41 = arith.constant 0 : i32
      %dma_start3A_42 = tpu.memref_slice %arg6[%add3A_16, %dma_start3A_41] : memref<10240x128xf32, #tpu.memory_space<vmem_shared>> -> memref<128x128xf32, #tpu.memory_space<vmem_shared>>
      tpu.enqueue_dma source(%arg5 : memref<128x128xf32, #tpu.memory_space<vmem>>) target(%dma_start3A_42 : memref<128x128xf32, #tpu.memory_space<vmem_shared>>) target_semaphore(%run_scoped3A : memref<!tpu.dma_semaphore, #tpu.memory_space<semaphore_mem>>)
      %dma_wait3A = arith.constant 0 : i32
      %dma_wait3A_43 = tpu.memref_slice %arg6[%add3A_16, %dma_wait3A] : memref<10240x128xf32, #tpu.memory_space<vmem_shared>> -> memref<128x128xf32, #tpu.memory_space<vmem_shared>>
      %dma_wait3A_44 = arith.constant 0 : i32
      %dma_wait3A_45 = tpu.memref_slice %arg6[%add3A_16, %dma_wait3A_44] : memref<10240x128xf32, #tpu.memory_space<vmem_shared>> -> memref<128x128xf32, #tpu.memory_space<vmem_shared>>
      tpu.wait_dma2 semaphore(%run_scoped3A : memref<!tpu.dma_semaphore, #tpu.memory_space<semaphore_mem>>) src(%arg5 : memref<128x128xf32, #tpu.memory_space<vmem>>) dst(%dma_wait3A_45 : memref<128x128xf32, #tpu.memory_space<vmem_shared>>)
      tpu.yield
    }) : () -> ()
    %add3A_17 = arith.constant 256 : i32
    %add3A_18 = arith.addi %multiple_of3A_5, %add3A_17 : i32
    "tpu.region"() ({
      %run_scoped3A = tpu.sem_alloc : memref<!tpu.dma_semaphore, #tpu.memory_space<semaphore_mem>>
      %dma_start3A = arith.constant 0 : i32
      %dma_start3A_40 = tpu.memref_slice %arg6[%add3A_18, %dma_start3A] : memref<10240x128xf32, #tpu.memory_space<vmem_shared>> -> memref<128x128xf32, #tpu.memory_space<vmem_shared>>
      %dma_start3A_41 = arith.constant 0 : i32
      %dma_start3A_42 = tpu.memref_slice %arg6[%add3A_18, %dma_start3A_41] : memref<10240x128xf32, #tpu.memory_space<vmem_shared>> -> memref<128x128xf32, #tpu.memory_space<vmem_shared>>
      tpu.enqueue_dma source(%arg5 : memref<128x128xf32, #tpu.memory_space<vmem>>) target(%dma_start3A_42 : memref<128x128xf32, #tpu.memory_space<vmem_shared>>) target_semaphore(%run_scoped3A : memref<!tpu.dma_semaphore, #tpu.memory_space<semaphore_mem>>)
      %dma_wait3A = arith.constant 0 : i32
      %dma_wait3A_43 = tpu.memref_slice %arg6[%add3A_18, %dma_wait3A] : memref<10240x128xf32, #tpu.memory_space<vmem_shared>> -> memref<128x128xf32, #tpu.memory_space<vmem_shared>>
      %dma_wait3A_44 = arith.constant 0 : i32
      %dma_wait3A_45 = tpu.memref_slice %arg6[%add3A_18, %dma_wait3A_44] : memref<10240x128xf32, #tpu.memory_space<vmem_shared>> -> memref<128x128xf32, #tpu.memory_space<vmem_shared>>
      tpu.wait_dma2 semaphore(%run_scoped3A : memref<!tpu.dma_semaphore, #tpu.memory_space<semaphore_mem>>) src(%arg5 : memref<128x128xf32, #tpu.memory_space<vmem>>) dst(%dma_wait3A_45 : memref<128x128xf32, #tpu.memory_space<vmem_shared>>)
      tpu.yield
    }) : () -> ()
    %add3A_19 = arith.constant 384 : i32
    %add3A_20 = arith.addi %multiple_of3A_5, %add3A_19 : i32
    "tpu.region"() ({
      %run_scoped3A = tpu.sem_alloc : memref<!tpu.dma_semaphore, #tpu.memory_space<semaphore_mem>>
      %dma_start3A = arith.constant 0 : i32
      %dma_start3A_40 = tpu.memref_slice %arg6[%add3A_20, %dma_start3A] : memref<10240x128xf32, #tpu.memory_space<vmem_shared>> -> memref<128x128xf32, #tpu.memory_space<vmem_shared>>
      %dma_start3A_41 = arith.constant 0 : i32
      %dma_start3A_42 = tpu.memref_slice %arg6[%add3A_20, %dma_start3A_41] : memref<10240x128xf32, #tpu.memory_space<vmem_shared>> -> memref<128x128xf32, #tpu.memory_space<vmem_shared>>
      tpu.enqueue_dma source(%arg5 : memref<128x128xf32, #tpu.memory_space<vmem>>) target(%dma_start3A_42 : memref<128x128xf32, #tpu.memory_space<vmem_shared>>) target_semaphore(%run_scoped3A : memref<!tpu.dma_semaphore, #tpu.memory_space<semaphore_mem>>)
      %dma_wait3A = arith.constant 0 : i32
      %dma_wait3A_43 = tpu.memref_slice %arg6[%add3A_20, %dma_wait3A] : memref<10240x128xf32, #tpu.memory_space<vmem_shared>> -> memref<128x128xf32, #tpu.memory_space<vmem_shared>>
      %dma_wait3A_44 = arith.constant 0 : i32
      %dma_wait3A_45 = tpu.memref_slice %arg6[%add3A_20, %dma_wait3A_44] : memref<10240x128xf32, #tpu.memory_space<vmem_shared>> -> memref<128x128xf32, #tpu.memory_space<vmem_shared>>
      tpu.wait_dma2 semaphore(%run_scoped3A : memref<!tpu.dma_semaphore, #tpu.memory_space<semaphore_mem>>) src(%arg5 : memref<128x128xf32, #tpu.memory_space<vmem>>) dst(%dma_wait3A_45 : memref<128x128xf32, #tpu.memory_space<vmem_shared>>)
      tpu.yield
    }) : () -> ()
    %add3A_21 = arith.constant 512 : i32
    %add3A_22 = arith.addi %multiple_of3A_5, %add3A_21 : i32
    "tpu.region"() ({
      %run_scoped3A = tpu.sem_alloc : memref<!tpu.dma_semaphore, #tpu.memory_space<semaphore_mem>>
      %dma_start3A = arith.constant 0 : i32
      %dma_start3A_40 = tpu.memref_slice %arg6[%add3A_22, %dma_start3A] : memref<10240x128xf32, #tpu.memory_space<vmem_shared>> -> memref<128x128xf32, #tpu.memory_space<vmem_shared>>
      %dma_start3A_41 = arith.constant 0 : i32
      %dma_start3A_42 = tpu.memref_slice %arg6[%add3A_22, %dma_start3A_41] : memref<10240x128xf32, #tpu.memory_space<vmem_shared>> -> memref<128x128xf32, #tpu.memory_space<vmem_shared>>
      tpu.enqueue_dma source(%arg5 : memref<128x128xf32, #tpu.memory_space<vmem>>) target(%dma_start3A_42 : memref<128x128xf32, #tpu.memory_space<vmem_shared>>) target_semaphore(%run_scoped3A : memref<!tpu.dma_semaphore, #tpu.memory_space<semaphore_mem>>)
      %dma_wait3A = arith.constant 0 : i32
      %dma_wait3A_43 = tpu.memref_slice %arg6[%add3A_22, %dma_wait3A] : memref<10240x128xf32, #tpu.memory_space<vmem_shared>> -> memref<128x128xf32, #tpu.memory_space<vmem_shared>>
      %dma_wait3A_44 = arith.constant 0 : i32
      %dma_wait3A_45 = tpu.memref_slice %arg6[%add3A_22, %dma_wait3A_44] : memref<10240x128xf32, #tpu.memory_space<vmem_shared>> -> memref<128x128xf32, #tpu.memory_space<vmem_shared>>
      tpu.wait_dma2 semaphore(%run_scoped3A : memref<!tpu.dma_semaphore, #tpu.memory_space<semaphore_mem>>) src(%arg5 : memref<128x128xf32, #tpu.memory_space<vmem>>) dst(%dma_wait3A_45 : memref<128x128xf32, #tpu.memory_space<vmem_shared>>)
      tpu.yield
    }) : () -> ()
    %barrier3A = arith.constant 0 : index
    tpu.barrier barrier_id(%barrier3A)
    "tpu.region"() ({
      %run_scoped3A = tpu.sem_alloc : memref<!tpu.dma_semaphore, #tpu.memory_space<semaphore_mem>>
      %dma_start3A = arith.constant 0 : i32
      %dma_start3A_40 = tpu.memref_slice %arg2[%multiple_of3A, %dma_start3A] : memref<2560x125xi32, #tpu.memory_space<hbm>> -> memref<80x125xi32, #tpu.memory_space<hbm>>
      %dma_start3A_41 = arith.constant 0 : i32
      %dma_start3A_42 = tpu.memref_slice %arg2[%multiple_of3A, %dma_start3A_41] : memref<2560x125xi32, #tpu.memory_space<hbm>> -> memref<80x125xi32, #tpu.memory_space<hbm>>
      tpu.enqueue_dma source(%dma_start3A_42 : memref<80x125xi32, #tpu.memory_space<hbm>>) target(%arg4 : memref<80x125xi32, #tpu.memory_space<vmem>>) target_semaphore(%run_scoped3A : memref<!tpu.dma_semaphore, #tpu.memory_space<semaphore_mem>>)
      %dma_wait3A = arith.constant 0 : i32
      %dma_wait3A_43 = tpu.memref_slice %arg2[%multiple_of3A, %dma_wait3A] : memref<2560x125xi32, #tpu.memory_space<hbm>> -> memref<80x125xi32, #tpu.memory_space<hbm>>
      %dma_wait3A_44 = arith.constant 0 : i32
      %dma_wait3A_45 = tpu.memref_slice %arg2[%multiple_of3A, %dma_wait3A_44] : memref<2560x125xi32, #tpu.memory_space<hbm>> -> memref<80x125xi32, #tpu.memory_space<hbm>>
      tpu.wait_dma2 semaphore(%run_scoped3A : memref<!tpu.dma_semaphore, #tpu.memory_space<semaphore_mem>>) src(%dma_wait3A_45 : memref<80x125xi32, #tpu.memory_space<hbm>>) dst(%arg4 : memref<80x125xi32, #tpu.memory_space<vmem>>)
      tpu.yield
    }) : () -> ()
    %broadcast_in_dim3A_23 = arith.constant 1.000000e+00 : f32
    %broadcast_in_dim3A_24 = vector.broadcast %broadcast_in_dim3A_23 : f32 to vector<16xf32>
    %scan3A_25 = arith.constant 0 : i32
    %scan3A_26 = arith.constant 0 : i32
    %scan3A_27 = arith.constant 125 : i32
    %scan3A_28 = arith.addi %scan3A_26, %scan3A_27 : i32
    %scan3A_29 = arith.constant 1 : i32
    %scan3A_30 = scf.for %scan3A_40 = %scan3A_26 to %scan3A_28 step %scan3A_29 iter_args(%scan3A_41 = %scan3A_25) -> (i32)  : i32 {
      %swap3A = arith.index_cast %scan3A_40 : i32 to index
      %swap3A_42 = arith.constant 0 : index
      %swap3A_43 = tpu.vector_load %arg5[%swap3A, %swap3A_42] {strides = array<i32>} : memref<128x128xf32, #tpu.memory_space<vmem>>, vector<1x16xf32>,
      %swap3A_44 = vector.shape_cast %swap3A_43 : vector<1x16xf32> to vector<16xf32>
      %swap3A_45 = vector.shape_cast %broadcast_in_dim3A_24 : vector<16xf32> to vector<1x16xf32>
      tpu.vector_store %arg5[%swap3A, %swap3A_42], %swap3A_45 {strides = array<i32>} : memref<128x128xf32, #tpu.memory_space<vmem>>, vector<1x16xf32>,
      %swap3A_46 = arith.index_cast %scan3A_40 : i32 to index
      %swap3A_47 = arith.constant 16 : index
      %swap3A_48 = tpu.vector_load %arg5[%swap3A_46, %swap3A_47] {strides = array<i32>} : memref<128x128xf32, #tpu.memory_space<vmem>>, vector<1x16xf32>,
      %swap3A_49 = vector.shape_cast %swap3A_48 : vector<1x16xf32> to vector<16xf32>
      %swap3A_50 = vector.shape_cast %broadcast_in_dim3A_24 : vector<16xf32> to vector<1x16xf32>
      tpu.vector_store %arg5[%swap3A_46, %swap3A_47], %swap3A_50 {strides = array<i32>} : memref<128x128xf32, #tpu.memory_space<vmem>>, vector<1x16xf32>,
      %swap3A_51 = arith.index_cast %scan3A_40 : i32 to index
      %swap3A_52 = arith.constant 32 : index
      %swap3A_53 = tpu.vector_load %arg5[%swap3A_51, %swap3A_52] {strides = array<i32>} : memref<128x128xf32, #tpu.memory_space<vmem>>, vector<1x16xf32>,
      %swap3A_54 = vector.shape_cast %swap3A_53 : vector<1x16xf32> to vector<16xf32>
      %swap3A_55 = vector.shape_cast %broadcast_in_dim3A_24 : vector<16xf32> to vector<1x16xf32>
      tpu.vector_store %arg5[%swap3A_51, %swap3A_52], %swap3A_55 {strides = array<i32>} : memref<128x128xf32, #tpu.memory_space<vmem>>, vector<1x16xf32>,
      %swap3A_56 = arith.index_cast %scan3A_40 : i32 to index
      %swap3A_57 = arith.constant 48 : index
      %swap3A_58 = tpu.vector_load %arg5[%swap3A_56, %swap3A_57] {strides = array<i32>} : memref<128x128xf32, #tpu.memory_space<vmem>>, vector<1x16xf32>,
      %swap3A_59 = vector.shape_cast %swap3A_58 : vector<1x16xf32> to vector<16xf32>
      %swap3A_60 = vector.shape_cast %broadcast_in_dim3A_24 : vector<16xf32> to vector<1x16xf32>
      tpu.vector_store %arg5[%swap3A_56, %swap3A_57], %swap3A_60 {strides = array<i32>} : memref<128x128xf32, #tpu.memory_space<vmem>>, vector<1x16xf32>,
      %swap3A_61 = arith.index_cast %scan3A_40 : i32 to index
      %swap3A_62 = arith.constant 64 : index
      %swap3A_63 = tpu.vector_load %arg5[%swap3A_61, %swap3A_62] {strides = array<i32>} : memref<128x128xf32, #tpu.memory_space<vmem>>, vector<1x16xf32>,
      %swap3A_64 = vector.shape_cast %swap3A_63 : vector<1x16xf32> to vector<16xf32>
      %swap3A_65 = vector.shape_cast %broadcast_in_dim3A_24 : vector<16xf32> to vector<1x16xf32>
      tpu.vector_store %arg5[%swap3A_61, %swap3A_62], %swap3A_65 {strides = array<i32>} : memref<128x128xf32, #tpu.memory_space<vmem>>, vector<1x16xf32>,
      %swap3A_66 = arith.index_cast %scan3A_40 : i32 to index
      %swap3A_67 = arith.constant 80 : index
      %swap3A_68 = tpu.vector_load %arg5[%swap3A_66, %swap3A_67] {strides = array<i32>} : memref<128x128xf32, #tpu.memory_space<vmem>>, vector<1x16xf32>,
      %swap3A_69 = vector.shape_cast %swap3A_68 : vector<1x16xf32> to vector<16xf32>
      %swap3A_70 = vector.shape_cast %broadcast_in_dim3A_24 : vector<16xf32> to vector<1x16xf32>
      tpu.vector_store %arg5[%swap3A_66, %swap3A_67], %swap3A_70 {strides = array<i32>} : memref<128x128xf32, #tpu.memory_space<vmem>>, vector<1x16xf32>,
      %swap3A_71 = arith.index_cast %scan3A_40 : i32 to index
      %swap3A_72 = arith.constant 96 : index
      %swap3A_73 = tpu.vector_load %arg5[%swap3A_71, %swap3A_72] {strides = array<i32>} : memref<128x128xf32, #tpu.memory_space<vmem>>, vector<1x16xf32>,
      %swap3A_74 = vector.shape_cast %swap3A_73 : vector<1x16xf32> to vector<16xf32>
      %swap3A_75 = vector.shape_cast %broadcast_in_dim3A_24 : vector<16xf32> to vector<1x16xf32>
      tpu.vector_store %arg5[%swap3A_71, %swap3A_72], %swap3A_75 {strides = array<i32>} : memref<128x128xf32, #tpu.memory_space<vmem>>, vector<1x16xf32>,
      %swap3A_76 = arith.index_cast %scan3A_40 : i32 to index
      %swap3A_77 = arith.constant 112 : index
      %swap3A_78 = tpu.vector_load %arg5[%swap3A_76, %swap3A_77] {strides = array<i32>} : memref<128x128xf32, #tpu.memory_space<vmem>>, vector<1x16xf32>,
      %swap3A_79 = vector.shape_cast %swap3A_78 : vector<1x16xf32> to vector<16xf32>
      %swap3A_80 = vector.shape_cast %broadcast_in_dim3A_24 : vector<16xf32> to vector<1x16xf32>
      tpu.vector_store %arg5[%swap3A_76, %swap3A_77], %swap3A_80 {strides = array<i32>} : memref<128x128xf32, #tpu.memory_space<vmem>>, vector<1x16xf32>,
      %scan3A_81 = arith.constant 0 : i32
      scf.yield %scan3A_81 : i32
    }
    %scan3A_31 = arith.constant 125 : i32
    %scan3A_32 = arith.constant 0 : i32
    %scan3A_33 = arith.constant 0 : i32
    %scan3A_34 = arith.constant 80 : i32
    %scan3A_35 = arith.addi %scan3A_33, %scan3A_34 : i32
    %scan3A_36 = arith.constant 1 : i32
    %scan3A_37 = scf.for %scan3A_40 = %scan3A_33 to %scan3A_35 step %scan3A_36 iter_args(%scan3A_41 = %scan3A_32) -> (i32)  : i32 {
      "tpu.region"() ({
        %run_scoped3A = tpu.sem_alloc : memref<!tpu.dma_semaphore, #tpu.memory_space<semaphore_mem>>
        %dma_start3A = arith.constant 0 : i32
        %dma_start3A_43 = arith.constant 0 : i32
        %dma_start3A_44 = tpu.memref_slice %arg5[%dma_start3A, %dma_start3A_43] : memref<128x128xf32, #tpu.memory_space<vmem>> -> memref<125x128xf32, #tpu.memory_space<vmem>>
        %dma_start3A_45 = arith.constant 0 : i32
        %dma_start3A_46 = tpu.memref_slice %arg4[%scan3A_40, %dma_start3A_45] : memref<80x125xi32, #tpu.memory_space<vmem>> -> memref<1x125xi32, #tpu.memory_space<vmem>>
        %dma_start3A_47 = tpu.memref_squeeze %dma_start3A_46 : memref<1x125xi32, #tpu.memory_space<vmem>> -> memref<125xi32, #tpu.memory_space<vmem>>
        %dma_start3A_48 = arith.constant 0 : i32
        %dma_start3A_49 = arith.constant 0 : i32
        %dma_start3A_50 = tpu.memref_slice %arg6[%dma_start3A_48, %dma_start3A_49] : memref<10240x128xf32, #tpu.memory_space<vmem_shared>> -> memref<10240x128xf32, #tpu.memory_space<vmem_shared>>
        tpu.enqueue_indirect_dma source(%dma_start3A_44 : memref<125x128xf32, #tpu.memory_space<vmem>>) target(%dma_start3A_50 : memref<10240x128xf32, #tpu.memory_space<vmem_shared>>) offsets(%dma_start3A_47 : memref<125xi32, #tpu.memory_space<vmem>>) semaphore(%run_scoped3A : memref<!tpu.dma_semaphore, #tpu.memory_space<semaphore_mem>>) {add = true}
        %dma_wait3A = arith.constant 0 : i32
        %dma_wait3A_51 = arith.constant 0 : i32
        %dma_wait3A_52 = tpu.memref_slice %arg5[%dma_wait3A, %dma_wait3A_51] : memref<128x128xf32, #tpu.memory_space<vmem>> -> memref<125x128xf32, #tpu.memory_space<vmem>>
        %dma_wait3A_53 = arith.constant 0 : i32
        %dma_wait3A_54 = tpu.memref_slice %arg4[%scan3A_40, %dma_wait3A_53] : memref<80x125xi32, #tpu.memory_space<vmem>> -> memref<1x125xi32, #tpu.memory_space<vmem>>
        %dma_wait3A_55 = tpu.memref_squeeze %dma_wait3A_54 : memref<1x125xi32, #tpu.memory_space<vmem>> -> memref<125xi32, #tpu.memory_space<vmem>>
        %dma_wait3A_56 = arith.constant 0 : i32
        %dma_wait3A_57 = arith.constant 0 : i32
        %dma_wait3A_58 = tpu.memref_slice %arg6[%dma_wait3A_56, %dma_wait3A_57] : memref<10240x128xf32, #tpu.memory_space<vmem_shared>> -> memref<10240x128xf32, #tpu.memory_space<vmem_shared>>
        tpu.wait_indirect_dma semaphore(%run_scoped3A : memref<!tpu.dma_semaphore, #tpu.memory_space<semaphore_mem>>) src(%dma_wait3A_52 : memref<125x128xf32, #tpu.memory_space<vmem>>) dst(%dma_wait3A_58 : memref<10240x128xf32, #tpu.memory_space<vmem_shared>>)
        tpu.yield
      }) : () -> ()
      %scan3A_42 = arith.constant 0 : i32
      scf.yield %scan3A_42 : i32
    }
    %scan3A_38 = arith.constant 80 : i32
    %barrier3A_39 = arith.constant 0 : index
    tpu.barrier barrier_id(%barrier3A_39)
    "tpu.region"() ({
      %run_scoped3A = tpu.sem_alloc : memref<!tpu.dma_semaphore, #tpu.memory_space<semaphore_mem>>
      %dma_start3A = arith.constant 0 : i32
      %dma_start3A_40 = tpu.memref_slice %arg3[%arg0, %multiple_of3A_5, %dma_start3A] : memref<2x10240x128xf32, #tpu.memory_space<hbm>> -> memref<1x640x128xf32, #tpu.memory_space<hbm>>
      %dma_start3A_41 = tpu.memref_squeeze %dma_start3A_40 : memref<1x640x128xf32, #tpu.memory_space<hbm>> -> memref<640x128xf32, #tpu.memory_space<hbm>>
      %dma_start3A_42 = arith.constant 0 : i32
      %dma_start3A_43 = tpu.memref_slice %arg6[%multiple_of3A_5, %dma_start3A_42] : memref<10240x128xf32, #tpu.memory_space<vmem_shared>> -> memref<640x128xf32, #tpu.memory_space<vmem_shared>>
      tpu.enqueue_dma source(%dma_start3A_43 : memref<640x128xf32, #tpu.memory_space<vmem_shared>>) target(%dma_start3A_41 : memref<640x128xf32, #tpu.memory_space<hbm>>) target_semaphore(%run_scoped3A : memref<!tpu.dma_semaphore, #tpu.memory_space<semaphore_mem>>)
      %dma_wait3A = arith.constant 0 : i32
      %dma_wait3A_44 = tpu.memref_slice %arg3[%arg0, %multiple_of3A_5, %dma_wait3A] : memref<2x10240x128xf32, #tpu.memory_space<hbm>> -> memref<1x640x128xf32, #tpu.memory_space<hbm>>
      %dma_wait3A_45 = tpu.memref_squeeze %dma_wait3A_44 : memref<1x640x128xf32, #tpu.memory_space<hbm>> -> memref<640x128xf32, #tpu.memory_space<hbm>>
      %dma_wait3A_46 = arith.constant 0 : i32
      %dma_wait3A_47 = tpu.memref_slice %arg6[%multiple_of3A_5, %dma_wait3A_46] : memref<10240x128xf32, #tpu.memory_space<vmem_shared>> -> memref<640x128xf32, #tpu.memory_space<vmem_shared>>
      tpu.wait_dma2 semaphore(%run_scoped3A : memref<!tpu.dma_semaphore, #tpu.memory_space<semaphore_mem>>) src(%dma_wait3A_47 : memref<640x128xf32, #tpu.memory_space<vmem_shared>>) dst(%dma_wait3A_45 : memref<640x128xf32, #tpu.memory_space<hbm>>)
      tpu.yield
    }) : () -> ()
    return
  }
}

module attributes {stable_mosaic.version = 14 : i64} {
  func.func @_mm_body(%arg0: i32, %arg1: memref<2000x128xf32, #tpu.memory_space<vmem>>, %arg2: memref<128x128xf32, #tpu.memory_space<vmem>>, %arg3: memref<2000x128xf32, #tpu.memory_space<vmem>>) attributes {dimension_semantics = [#tpu.dimension_semantics<arbitrary>], iteration_bounds = array<i64: 5>, scalar_prefetch = 0 : i64, scratch_operands = 0 : i64, tpu.core_type = #tpu.core_type<tc>, window_params = [{transform_indices = @transform_0, window_bounds = array<i64: 2000, 128>}, {pipeline_mode = #tpu.pipeline_mode<synchronous>, transform_indices = @transform_1, window_bounds = array<i64: 128, 128>}, {transform_indices = @transform_2, window_bounds = array<i64: 2000, 128>}]} {
    %get3A = arith.constant 0 : index
    %get3A_0 = arith.constant 0 : index
    %get3A_1 = vector.load %arg1[%get3A, %get3A_0] : memref<2000x128xf32, #tpu.memory_space<vmem>>, vector<2000x128xf32>
    %get3A_2 = arith.constant 0 : index
    %get3A_3 = arith.constant 0 : index
    %get3A_4 = vector.load %arg2[%get3A_2, %get3A_3] : memref<128x128xf32, #tpu.memory_space<vmem>>, vector<128x128xf32>
    %dot_general3A = arith.constant dense<0.000000e+00> : vector<2000x128xf32>
    %dot_general3A_5 = tpu.matmul %get3A_1, %get3A_4, %dot_general3A {dimension_numbers = #tpu.dot_dimension_numbers<[1], [0], [0], [1], [0, 0, 1, 1], [], []>, transpose_lhs_hint = false} : vector<2000x128xf32>, vector<128x128xf32>, vector<2000x128xf32> -> vector<2000x128xf32>
    %swap3A = arith.constant 0 : index
    %swap3A_6 = arith.constant 0 : index
    %swap3A_7 = vector.load %arg3[%swap3A, %swap3A_6] : memref<2000x128xf32, #tpu.memory_space<vmem>>, vector<2000x128xf32>
    tpu.vector_store %arg3[%swap3A, %swap3A_6], %dot_general3A_5 {strides = array<i32>} : memref<2000x128xf32, #tpu.memory_space<vmem>>, vector<2000x128xf32>,
    return
  }
  func.func @transform_0(%arg0: i32) -> (i32, i32) {
    %c0_i32 = arith.constant 0 : i32
    %c0_i32_0 = arith.constant 0 : i32
    return %arg0, %c0_i32 : i32, i32
  }
  func.func @transform_1(%arg0: i32) -> (i32, i32) {
    %c0_i32 = arith.constant 0 : i32
    %c0_i32_0 = arith.constant 0 : i32
    %c0_i32_1 = arith.constant 0 : i32
    return %c0_i32, %c0_i32_0 : i32, i32
  }
  func.func @transform_2(%arg0: i32) -> (i32, i32) {
    %c0_i32 = arith.constant 0 : i32
    %c0_i32_0 = arith.constant 0 : i32
    return %arg0, %c0_i32 : i32, i32
  }
}

module attributes {stable_mosaic.version = 14 : i64} {
  func.func @_scale_body(%arg0: i32, %arg1: memref<2000x128xf32, #tpu.memory_space<vmem>>, %arg2: memref<2000x128xf32, #tpu.memory_space<vmem>>, %arg3: memref<2000x128xf32, #tpu.memory_space<vmem>>, %arg4: memref<2000x128xf32, #tpu.memory_space<vmem>>, %arg5: memref<2000x128xf32, #tpu.memory_space<vmem>>) attributes {dimension_semantics = [#tpu.dimension_semantics<arbitrary>], iteration_bounds = array<i64: 5>, scalar_prefetch = 0 : i64, scratch_operands = 0 : i64, tpu.core_type = #tpu.core_type<tc>, window_params = [{transform_indices = @transform_0, window_bounds = array<i64: 2000, 128>}, {transform_indices = @transform_1, window_bounds = array<i64: 2000, 128>}, {transform_indices = @transform_2, window_bounds = array<i64: 2000, 128>}, {transform_indices = @transform_3, window_bounds = array<i64: 2000, 128>}, {transform_indices = @transform_4, window_bounds = array<i64: 2000, 128>}]} {
    %get3A = arith.constant 0 : index
    %get3A_0 = arith.constant 0 : index
    %get3A_1 = vector.load %arg2[%get3A, %get3A_0] : memref<2000x128xf32, #tpu.memory_space<vmem>>, vector<2000x128xf32>
    %get3A_2 = arith.constant 0 : index
    %get3A_3 = arith.constant 0 : index
    %get3A_4 = vector.load %arg3[%get3A_2, %get3A_3] : memref<2000x128xf32, #tpu.memory_space<vmem>>, vector<2000x128xf32>
    %slice3A = vector.extract_strided_slice %get3A_1 {offsets = [0, 0], sizes = [2000, 1], strides = [1, 1]} : vector<2000x128xf32> to vector<2000x1xf32>
    %slice3A_5 = vector.extract_strided_slice %get3A_4 {offsets = [0, 0], sizes = [2000, 1], strides = [1, 1]} : vector<2000x128xf32> to vector<2000x1xf32>
    %add3A = arith.addf %slice3A, %slice3A_5 : vector<2000x1xf32>
    %add3A_6 = arith.constant 1.000000e+00 : f32
    %add3A_7 = vector.broadcast %add3A_6 : f32 to vector<2000x1xf32>
    %add3A_8 = arith.addf %add3A, %add3A_7 : vector<2000x1xf32>
    %rsqrt3A = math.rsqrt %add3A_8 : vector<2000x1xf32>
    %broadcast_in_dim3A = vector.shape_cast %rsqrt3A : vector<2000x1xf32> to vector<2000x1xf32>
    %broadcast_in_dim3A_9 = vector.broadcast %broadcast_in_dim3A : vector<2000x1xf32> to vector<2000x128xf32>
    %swap3A = arith.constant 0 : index
    %swap3A_10 = arith.constant 0 : index
    %swap3A_11 = vector.load %arg5[%swap3A, %swap3A_10] : memref<2000x128xf32, #tpu.memory_space<vmem>>, vector<2000x128xf32>
    tpu.vector_store %arg5[%swap3A, %swap3A_10], %broadcast_in_dim3A_9 {strides = array<i32>} : memref<2000x128xf32, #tpu.memory_space<vmem>>, vector<2000x128xf32>,
    %get3A_12 = arith.constant 0 : index
    %get3A_13 = arith.constant 0 : index
    %get3A_14 = vector.load %arg1[%get3A_12, %get3A_13] : memref<2000x128xf32, #tpu.memory_space<vmem>>, vector<2000x128xf32>
    %mul3A = vector.broadcast %rsqrt3A : vector<2000x1xf32> to vector<2000x128xf32>
    %mul3A_15 = arith.mulf %get3A_14, %mul3A : vector<2000x128xf32>
    %swap3A_16 = arith.constant 0 : index
    %swap3A_17 = arith.constant 0 : index
    %swap3A_18 = vector.load %arg4[%swap3A_16, %swap3A_17] : memref<2000x128xf32, #tpu.memory_space<vmem>>, vector<2000x128xf32>
    tpu.vector_store %arg4[%swap3A_16, %swap3A_17], %mul3A_15 {strides = array<i32>} : memref<2000x128xf32, #tpu.memory_space<vmem>>, vector<2000x128xf32>,
    return
  }
  func.func @transform_0(%arg0: i32) -> (i32, i32) {
    %c0_i32 = arith.constant 0 : i32
    %c0_i32_0 = arith.constant 0 : i32
    return %arg0, %c0_i32 : i32, i32
  }
  func.func @transform_1(%arg0: i32) -> (i32, i32) {
    %c0_i32 = arith.constant 0 : i32
    %c0_i32_0 = arith.constant 0 : i32
    return %arg0, %c0_i32 : i32, i32
  }
  func.func @transform_2(%arg0: i32) -> (i32, i32) {
    %c0_i32 = arith.constant 0 : i32
    %c0_i32_0 = arith.constant 0 : i32
    return %arg0, %c0_i32 : i32, i32
  }
  func.func @transform_3(%arg0: i32) -> (i32, i32) {
    %c0_i32 = arith.constant 0 : i32
    %c0_i32_0 = arith.constant 0 : i32
    return %arg0, %c0_i32 : i32, i32
  }
  func.func @transform_4(%arg0: i32) -> (i32, i32) {
    %c0_i32 = arith.constant 0 : i32
    %c0_i32_0 = arith.constant 0 : i32
    return %arg0, %c0_i32 : i32, i32
  }
}

module attributes {stable_mosaic.version = 14 : i64} {
  func.func @_mid_body(%arg0: i32, %arg1: memref<2000x128xf32, #tpu.memory_space<vmem>>, %arg2: memref<2000x128xf32, #tpu.memory_space<vmem>>, %arg3: memref<2000x128xf32, #tpu.memory_space<vmem>>, %arg4: memref<2000x128xf32, #tpu.memory_space<vmem>>, %arg5: memref<1x128xf32, #tpu.memory_space<vmem>>, %arg6: memref<128x128xf32, #tpu.memory_space<vmem>>, %arg7: memref<2000x128xf32, #tpu.memory_space<vmem>>) attributes {dimension_semantics = [#tpu.dimension_semantics<arbitrary>], iteration_bounds = array<i64: 5>, scalar_prefetch = 0 : i64, scratch_operands = 0 : i64, tpu.core_type = #tpu.core_type<tc>, window_params = [{transform_indices = @transform_0, window_bounds = array<i64: 2000, 128>}, {transform_indices = @transform_1, window_bounds = array<i64: 2000, 128>}, {transform_indices = @transform_2, window_bounds = array<i64: 2000, 128>}, {transform_indices = @transform_3, window_bounds = array<i64: 2000, 128>}, {pipeline_mode = #tpu.pipeline_mode<synchronous>, transform_indices = @transform_4, window_bounds = array<i64: 1, 128>}, {pipeline_mode = #tpu.pipeline_mode<synchronous>, transform_indices = @transform_5, window_bounds = array<i64: 128, 128>}, {transform_indices = @transform_6, window_bounds = array<i64: 2000, 128>}]} {
    %get3A = arith.constant 0 : index
    %get3A_0 = arith.constant 0 : index
    %get3A_1 = vector.load %arg4[%get3A, %get3A_0] : memref<2000x128xf32, #tpu.memory_space<vmem>>, vector<2000x128xf32>
    %get3A_2 = arith.constant 0 : index
    %get3A_3 = arith.constant 0 : index
    %get3A_4 = vector.load %arg1[%get3A_2, %get3A_3] : memref<2000x128xf32, #tpu.memory_space<vmem>>, vector<2000x128xf32>
    %get3A_5 = arith.constant 0 : index
    %get3A_6 = arith.constant 0 : index
    %get3A_7 = vector.load %arg2[%get3A_5, %get3A_6] : memref<2000x128xf32, #tpu.memory_space<vmem>>, vector<2000x128xf32>
    %add3A = arith.addf %get3A_4, %get3A_7 : vector<2000x128xf32>
    %get3A_8 = arith.constant 0 : index
    %get3A_9 = arith.constant 0 : index
    %get3A_10 = vector.load %arg3[%get3A_8, %get3A_9] : memref<2000x128xf32, #tpu.memory_space<vmem>>, vector<2000x128xf32>
    %add3A_11 = arith.addf %add3A, %get3A_10 : vector<2000x128xf32>
    %mul3A = arith.mulf %get3A_1, %add3A_11 : vector<2000x128xf32>
    %get3A_12 = arith.constant 0 : index
    %get3A_13 = arith.constant 0 : index
    %get3A_14 = vector.load %arg5[%get3A_12, %get3A_13] : memref<1x128xf32, #tpu.memory_space<vmem>>, vector<1x128xf32>
    %add3A_15 = vector.broadcast %get3A_14 : vector<1x128xf32> to vector<2000x128xf32>
    %add3A_16 = arith.addf %mul3A, %add3A_15 : vector<2000x128xf32>
    %max3A = arith.constant 0.000000e+00 : f32
    %max3A_17 = vector.broadcast %max3A : f32 to vector<2000x128xf32>
    %max3A_18 = arith.maximumf %add3A_16, %max3A_17 : vector<2000x128xf32>
    %get3A_19 = arith.constant 0 : index
    %get3A_20 = arith.constant 0 : index
    %get3A_21 = vector.load %arg6[%get3A_19, %get3A_20] : memref<128x128xf32, #tpu.memory_space<vmem>>, vector<128x128xf32>
    %dot_general3A = arith.constant dense<0.000000e+00> : vector<2000x128xf32>
    %dot_general3A_22 = tpu.matmul %max3A_18, %get3A_21, %dot_general3A {dimension_numbers = #tpu.dot_dimension_numbers<[1], [0], [0], [1], [0, 0, 1, 1], [], []>, transpose_lhs_hint = false} : vector<2000x128xf32>, vector<128x128xf32>, vector<2000x128xf32> -> vector<2000x128xf32>
    %mul3A_23 = arith.mulf %dot_general3A_22, %get3A_1 : vector<2000x128xf32>
    %swap3A = arith.constant 0 : index
    %swap3A_24 = arith.constant 0 : index
    %swap3A_25 = vector.load %arg7[%swap3A, %swap3A_24] : memref<2000x128xf32, #tpu.memory_space<vmem>>, vector<2000x128xf32>
    tpu.vector_store %arg7[%swap3A, %swap3A_24], %mul3A_23 {strides = array<i32>} : memref<2000x128xf32, #tpu.memory_space<vmem>>, vector<2000x128xf32>,
    return
  }
  func.func @transform_0(%arg0: i32) -> (i32, i32) {
    %c0_i32 = arith.constant 0 : i32
    %c0_i32_0 = arith.constant 0 : i32
    return %arg0, %c0_i32 : i32, i32
  }
  func.func @transform_1(%arg0: i32) -> (i32, i32) {
    %c0_i32 = arith.constant 0 : i32
    %c0_i32_0 = arith.constant 0 : i32
    return %arg0, %c0_i32 : i32, i32
  }
  func.func @transform_2(%arg0: i32) -> (i32, i32) {
    %c0_i32 = arith.constant 0 : i32
    %c0_i32_0 = arith.constant 0 : i32
    return %arg0, %c0_i32 : i32, i32
  }
  func.func @transform_3(%arg0: i32) -> (i32, i32) {
    %c0_i32 = arith.constant 0 : i32
    %c0_i32_0 = arith.constant 0 : i32
    return %arg0, %c0_i32 : i32, i32
  }
  func.func @transform_4(%arg0: i32) -> (i32, i32) {
    %c0_i32 = arith.constant 0 : i32
    %c0_i32_0 = arith.constant 0 : i32
    %c0_i32_1 = arith.constant 0 : i32
    return %c0_i32, %c0_i32_0 : i32, i32
  }
  func.func @transform_5(%arg0: i32) -> (i32, i32) {
    %c0_i32 = arith.constant 0 : i32
    %c0_i32_0 = arith.constant 0 : i32
    %c0_i32_1 = arith.constant 0 : i32
    return %c0_i32, %c0_i32_0 : i32, i32
  }
  func.func @transform_6(%arg0: i32) -> (i32, i32) {
    %c0_i32 = arith.constant 0 : i32
    %c0_i32_0 = arith.constant 0 : i32
    return %arg0, %c0_i32 : i32, i32
  }
}

module attributes {stable_mosaic.version = 14 : i64} {
  func.func @_post_body(%arg0: i32, %arg1: memref<2000x128xf32, #tpu.memory_space<vmem>>, %arg2: memref<2000x128xf32, #tpu.memory_space<vmem>>, %arg3: memref<2000x128xf32, #tpu.memory_space<vmem>>, %arg4: memref<2000x128xf32, #tpu.memory_space<vmem>>, %arg5: memref<1x128xf32, #tpu.memory_space<vmem>>, %arg6: memref<2000x128xf32, #tpu.memory_space<vmem>>) attributes {dimension_semantics = [#tpu.dimension_semantics<arbitrary>], iteration_bounds = array<i64: 5>, scalar_prefetch = 0 : i64, scratch_operands = 0 : i64, tpu.core_type = #tpu.core_type<tc>, window_params = [{transform_indices = @transform_0, window_bounds = array<i64: 2000, 128>}, {transform_indices = @transform_1, window_bounds = array<i64: 2000, 128>}, {transform_indices = @transform_2, window_bounds = array<i64: 2000, 128>}, {transform_indices = @transform_3, window_bounds = array<i64: 2000, 128>}, {pipeline_mode = #tpu.pipeline_mode<synchronous>, transform_indices = @transform_4, window_bounds = array<i64: 1, 128>}, {transform_indices = @transform_5, window_bounds = array<i64: 2000, 128>}]} {
    %get3A = arith.constant 0 : index
    %get3A_0 = arith.constant 0 : index
    %get3A_1 = vector.load %arg4[%get3A, %get3A_0] : memref<2000x128xf32, #tpu.memory_space<vmem>>, vector<2000x128xf32>
    %get3A_2 = arith.constant 0 : index
    %get3A_3 = arith.constant 0 : index
    %get3A_4 = vector.load %arg1[%get3A_2, %get3A_3] : memref<2000x128xf32, #tpu.memory_space<vmem>>, vector<2000x128xf32>
    %get3A_5 = arith.constant 0 : index
    %get3A_6 = arith.constant 0 : index
    %get3A_7 = vector.load %arg2[%get3A_5, %get3A_6] : memref<2000x128xf32, #tpu.memory_space<vmem>>, vector<2000x128xf32>
    %add3A = arith.addf %get3A_4, %get3A_7 : vector<2000x128xf32>
    %get3A_8 = arith.constant 0 : index
    %get3A_9 = arith.constant 0 : index
    %get3A_10 = vector.load %arg3[%get3A_8, %get3A_9] : memref<2000x128xf32, #tpu.memory_space<vmem>>, vector<2000x128xf32>
    %add3A_11 = arith.addf %add3A, %get3A_10 : vector<2000x128xf32>
    %mul3A = arith.mulf %get3A_1, %add3A_11 : vector<2000x128xf32>
    %get3A_12 = arith.constant 0 : index
    %get3A_13 = arith.constant 0 : index
    %get3A_14 = vector.load %arg5[%get3A_12, %get3A_13] : memref<1x128xf32, #tpu.memory_space<vmem>>, vector<1x128xf32>
    %add3A_15 = vector.broadcast %get3A_14 : vector<1x128xf32> to vector<2000x128xf32>
    %add3A_16 = arith.addf %mul3A, %add3A_15 : vector<2000x128xf32>
    %swap3A = arith.constant 0 : index
    %swap3A_17 = arith.constant 0 : index
    %swap3A_18 = vector.load %arg6[%swap3A, %swap3A_17] : memref<2000x128xf32, #tpu.memory_space<vmem>>, vector<2000x128xf32>
    tpu.vector_store %arg6[%swap3A, %swap3A_17], %add3A_16 {strides = array<i32>} : memref<2000x128xf32, #tpu.memory_space<vmem>>, vector<2000x128xf32>,
    return
  }
  func.func @transform_0(%arg0: i32) -> (i32, i32) {
    %c0_i32 = arith.constant 0 : i32
    %c0_i32_0 = arith.constant 0 : i32
    return %arg0, %c0_i32 : i32, i32
  }
  func.func @transform_1(%arg0: i32) -> (i32, i32) {
    %c0_i32 = arith.constant 0 : i32
    %c0_i32_0 = arith.constant 0 : i32
    return %arg0, %c0_i32 : i32, i32
  }
  func.func @transform_2(%arg0: i32) -> (i32, i32) {
    %c0_i32 = arith.constant 0 : i32
    %c0_i32_0 = arith.constant 0 : i32
    return %arg0, %c0_i32 : i32, i32
  }
  func.func @transform_3(%arg0: i32) -> (i32, i32) {
    %c0_i32 = arith.constant 0 : i32
    %c0_i32_0 = arith.constant 0 : i32
    return %arg0, %c0_i32 : i32, i32
  }
  func.func @transform_4(%arg0: i32) -> (i32, i32) {
    %c0_i32 = arith.constant 0 : i32
    %c0_i32_0 = arith.constant 0 : i32
    %c0_i32_1 = arith.constant 0 : i32
    return %c0_i32, %c0_i32_0 : i32, i32
  }
  func.func @transform_5(%arg0: i32) -> (i32, i32) {
    %c0_i32 = arith.constant 0 : i32
    %c0_i32_0 = arith.constant 0 : i32
    return %arg0, %c0_i32 : i32, i32
  }
}

</mosaic_0001>

<sc_bundles>
// kernel: kernel.12.cloned.1.call-start
scs
__scs_entry_jumppad:
0x0: {  	(pc) =	sbr.rel $0x88, $3  }
0x1: {  	(tag) =	ssettag $0x0;
	lr =	simm.s32 $0x1  }
0x2: {  	[smem:$0x3F9B] =	sst lr;
	_ =	strace $0xD0000000  }
0x3: {  	_ = 	snop  }
0x4: {  	_ = 	snop  }
0x5: {  	_ = 	snop  }
0x6: {  	_ = 	snop  }
0x7: {  	_ = 	snop  }
__scs_overlays_trampoline_lowered:
0x8: {  	[smem:$0x3FAA] =	sst s0  }
0x9: {  	[smem:$0x3FAB] =	sst s1  }
0xa: {  	[smem:$0x3FAC] =	sst s2  }
0xb: {  	[smem:$0x3FAD] =	sst s3  }
0xc: {  	[smem:$0x3FAE] =	sst s4  }
0xd: {  	[smem:$0x3FAF] =	sst s5  }
0xe: {  	[smem:$0x3FB0] =	sst s6  }
0xf: {  	[smem:$0x3FB1] =	sst s7  }
0x10: {  	[smem:$0x3FB2] =	sst s8  }
0x11: {  	[smem:$0x3FB3] =	sst s9;
	s0 =	simm.s32 @!p0 $0x0  }
0x12: {  	s1 =	sld [smem:$0x3F99];
	s0 =	simm.s32 @p0 $0x1  }
0x13: {  	[smem:$0x3FB4] =	sst s0;
	s0 =	simm.s32 @!p1 $0x0  }
0x14: {  	s2 =	sld [smem:$0x3F98];
	s0 =	simm.s32 @p1 $0x1  }
0x15: {  	[smem:$0x3FB5] =	sst s0;
	s0 =	simm.s32 @!p2 $0x0  }
0x16: {  	s3 =	sld [smem:$0x3FDB];
	s0 =	simm.s32 @p2 $0x1  }
0x17: {  	s4 =	simm.s32 $0x1BF5;
	[smem:$0x3FB7] =	sst s0  }
0x18: {  	s0 =	sld [smem:$0x3F9A];
	_ =	swait.ge [sflag:s4], $0x0  }
0x19: {  	s7 =	sld [smem:$0x3F9B]  }
0x1a: {  	s8 =	sadd.s32 $0xFFFFE003, lr  }
0x1b: {  	s9 =	sadd.s32 $0xFFFFFEF7, lr;
	s5 =	simm.s32 $0xFFFFFFFF;
	p2 =	slt.u32 s8, $0xFFFFF086  }
0x1c: {  	p1 =	slt.u32 s9, $0xF7A;
	s5 =	simm.s32 @!p2 $0x0  }
0x1d: {  	s5 =	simm.s32 @p1 $0x1;
	p0 =	seq.s32 s7, s2  }
0x1e: {  	s7 =	smul.u32 @!p0 $0xF7A, s2;
	p2 =	seq.s32 @!p0 s5, $0x0  }
0x1f: {  	s9 =	smul.u32 $0xF7A, s1;
	s8 =	simm.s32 @!p0 $0x1BF5;
	p2 =	por !p2, p0  }
0x20: {  	[sflag:s8] =	ssyncset.s32 @!p0 $0xFFFFF086;
	s6 =	sadd.s32 @!p0 s3, s7;
	s7 =	simm.s32 @!p0 $0x108  }
0x21: {  	s3 =	sadd.s32 s3, s9;
	s6 =	sadd.s32 @!p0 $0x88, s6;
	s7 =	simm.s32 @p2 $0x1082  }
0x22: {  	[simem:s7], [sflag:s8] =	dma.local @!p0 [hbm:s6], $0xF7A  }
0x23: {  	s9 =	sor.u32 $0xD0000000, s2;
	s6 =	simm.s32 $0x108;
	_ =	swait.ge @!p0 [sflag:s8], $0x0  }
0x24: {  	s3 =	sadd.s32 $0x88, s3;
	s6 =	simm.s32 @!p1 $0x1082;
	[sflag:s4] =	ssyncset.s32 $0xFFFFF086  }
0x25: {  	[simem:s6], [sflag:s4] =	dma.local [hbm:s3], $0xF7A  }
0x26: {  	[smem:$0x3F9B] =	sst s1;
	(tag) =	ssettag s2;
	_ =	strace s9  }
0x27: {  	s1 =	sld [smem:$0x3FAB]  }
0x28: {  	s2 =	sld [smem:$0x3FAC]  }
0x29: {  	s4 =	sld [smem:$0x3FAE]  }
0x2a: {  	p0 =	seq.s32 s5, $0x0;
	s5 =	sld [smem:$0x3FAF]  }
0x2b: {  	s6 =	sld [smem:$0x3FB0]  }
0x2c: {  	s7 =	sld [smem:$0x3FB1]  }
0x2d: {  	s3 =	simm.s32 $0x108;
	s8 =	sld [smem:$0x3FB2]  }
0x2e: {  	s3 =	simm.s32 @!p0 $0x1082;
	s9 =	sld [smem:$0x3FB3]  }
0x2f: {  	lr =	sadd.s32 s0, s3;
	s0 =	sld [smem:$0x3FAA]  }
0x30: {  	s3 =	sld [smem:$0x3FAD]  }
0x31: {  	[smem:$0x3FB6] =	sst s10  }
0x32: {  	s10 =	sld [smem:$0x3FB4];
	_ =	sdelay $0x3  }
0x33: {  	p0 =	seq.s32 s10, $0x1;
	s10 =	sld [smem:$0x3FB6];
	_ =	sdelay $0x3  }
0x34: {  	[smem:$0x3FB6] =	sst s10  }
0x35: {  	s10 =	sld [smem:$0x3FB5];
	_ =	sdelay $0x3  }
0x36: {  	p1 =	seq.s32 s10, $0x1;
	s10 =	sld [smem:$0x3FB6];
	_ =	sdelay $0x3  }
0x37: {  	[smem:$0x3FB6] =	sst s10  }
0x38: {  	s10 =	sld [smem:$0x3FB7]  }
0x39: {  	_ = 	snop;
	(pc) =	sbr.ind lr, $3  }
0x3a: {  	_ = 	snop  }
0x3b: {  	_ = 	snop  }
0x3c: {  	p2 =	seq.s32 s10, $0x1;
	s10 =	sld [smem:$0x3FB6]  }
0x3d: {  	_ =	shalt  }
0x3e: {  	_ =	shalt  }
0x3f: {  	_ =	shalt  }
0x40: {  	_ =	shalt  }
0x41: {  	_ =	shalt  }
0x42: {  	_ =	shalt  }
0x43: {  	_ =	shalt  }
0x44: {  	_ =	shalt  }
0x45: {  	_ =	shalt  }
0x46: {  	_ =	shalt  }
0x47: {  	_ =	shalt  }
0x48: {  	_ =	shalt  }
0x49: {  	_ =	shalt  }
0x4a: {  	_ =	shalt  }
0x4b: {  	_ =	shalt  }
0x4c: {  	_ =	shalt  }
0x4d: {  	_ =	shalt  }
0x4e: {  	_ =	shalt  }
0x4f: {  	_ =	shalt  }
0x50: {  	_ =	shalt  }
0x51: {  	_ =	shalt  }
0x52: {  	_ =	shalt  }
0x53: {  	_ =	shalt  }
0x54: {  	_ =	shalt  }
0x55: {  	_ =	shalt  }
0x56: {  	_ =	shalt  }
0x57: {  	_ =	shalt  }
0x58: {  	_ =	shalt  }
0x59: {  	_ =	shalt  }
0x5a: {  	_ =	shalt  }
0x5b: {  	_ =	shalt  }
0x5c: {  	_ =	shalt  }
0x5d: {  	_ =	shalt  }
0x5e: {  	_ =	shalt  }
0x5f: {  	_ =	shalt  }
0x60: {  	_ =	shalt  }
0x61: {  	_ =	shalt  }
0x62: {  	_ =	shalt  }
0x63: {  	_ =	shalt  }
0x64: {  	_ =	shalt  }
0x65: {  	_ =	shalt  }
0x66: {  	_ =	shalt  }
0x67: {  	_ =	shalt  }
0x68: {  	_ =	shalt  }
0x69: {  	_ =	shalt  }
0x6a: {  	_ =	shalt  }
0x6b: {  	_ =	shalt  }
0x6c: {  	_ =	shalt  }
0x6d: {  	_ =	shalt  }
0x6e: {  	_ =	shalt  }
0x6f: {  	_ =	shalt  }
0x70: {  	_ =	shalt  }
0x71: {  	_ =	shalt  }
0x72: {  	_ =	shalt  }
0x73: {  	_ =	shalt  }
0x74: {  	_ =	shalt  }
0x75: {  	_ =	shalt  }
0x76: {  	_ =	shalt  }
0x77: {  	_ =	shalt  }
0x78: {  	_ =	shalt  }
0x79: {  	_ =	shalt  }
0x7a: {  	_ =	shalt  }
0x7b: {  	_ =	shalt  }
0x7c: {  	_ =	shalt  }
0x7d: {  	_ =	shalt  }
0x7e: {  	_ =	shalt  }
0x7f: {  	_ =	shalt  }
0x80: {  	_ =	shalt  }
0x81: {  	_ =	shalt  }
0x82: {  	_ =	shalt  }
0x83: {  	_ =	shalt  }
0x84: {  	_ =	shalt  }
0x85: {  	_ =	shalt  }
0x86: {  	_ =	shalt  }
0x87: {  	_ =	shalt  }
.Lfunc_end0:
.L_simem_size_0:
called_computation.1_lowered:
.L_overlay_start_0:
0x88: {  	s2 =	sld [smem:$0x3FD9]  }
0x89: {  	s3 =	sld [smem:$0x3FFE];
	_ =	sdelay $0x1  }
0x8a: {  	s1 =	srdreg.scid  }
0x8b: {  	s0 =	sand.u32 $0x1, s1  }
0x8c: {  	s17 =	sshll.u32 s0, $0xA;
	s2 =	sadd.s32 s3, s2  }
0x8d: {  	s2 =	sadd.s32 s2, s17  }
0x8e: {  	[smem:$0x3FC2] =	sst s2  }
0x8f: {  	_ = 	snop  }
0x90: {  	s2 =	sld [smem:$0x3FD0];
	(tm) =	ssettm $0x1  }
0x91: {  	s18 =	sld [smem:$0x3FFB];
	_ =	sdelay $0x3  }
0x92: {  	_ =	strace s18  }
0x93: {  	s3 =	sld [smem:$0x3FFC];
	_ =	sdelay $0x3  }
0x94: {  	_ =	strace s3  }
0x95: {  	s3 =	sld [smem:$0x3FFD];
	_ =	sdelay $0x3  }
0x96: {  	_ =	strace s3  }
0x97: {  	_ =	strace $0x8FFFFFFF  }
0x98: {  	s19 =	sld [smem:$0x3FDB];
	_ =	sdelay $0x1  }
0x99: {  	s4 =	simm.s32 $_scs_section_size  }
0x9a: {  	s5 =	simm.s32 $_size__tile_overlayer_lowered;
	s6 =	simm.s32 $_tile_overlayer_lowered  }
0x9b: {  	s22 =	simm.s32 $0x1BFF;
	s21 =	sshll.u32 s6, $0x1;
	s3 =	sadd.s32 s4, s19  }
0x9c: {  	s7 =	simm.s32 $0x0;
	s20 =	sshll.u32 s5, $0x1;
	s5 =	sadd.s32 s21, s3  }
0x9d: {  	[timem:s7], [sflag:s22] =	dma.local [hbm:s5], s20  }
0x9e: {  	_ =	swait.ge [sflag:s22], s20  }
0x9f: {  	s4 =	ssub.s32 $0x0, s20;
	[sflag:s22] =	ssyncset.done $0x0  }
0xa0: {  	[sflag:s22] =	ssyncadd.s32 s4;
	_ =	sdelay $0x1  }
0xa1: {  	s23 =	simm.s32 $0x1B8B  }
0xa2: {  	_ =	swait.ge [sflag:s23], $0x1  }
0xa3: {  	[sflag:s23] =	ssyncset.done $0x0  }
0xa4: {  	s25 =	simm.s32 $0x1B8E;
	s24 =	sld [smem:$0x3FFE];
	[sflag:s23] =	ssyncadd.s32 $0xFFFFFFFF  }
0xa5: {  	s26 =	simm.s32 $execute0_lowered;
	[smem:$0x3FD2] =	sst s25  }
0xa6: {  	s5 =	sshll.u32 s26, $0x1;
	_ =	strace $0x80000049;
	[dreg:$0x1] =	wrdreg $0xFFFFFFFF  }
0xa7: {  	s28 =	simm.s32 $_size_execute0_lowered;
	s3 =	sadd.s32 s3, s5;
	[dreg:$0x0] =	wrdreg $0x0  }
0xa8: {  	s5 =	sshll.u32 s28, $0x1;
	[dreg:$0x2] =	wrdreg s3  }
0xa9: {  	[dreg:$0x3] =	wrdreg s5  }
0xaa: {  	[dreg:$0x4] =	wrdreg $0xC0  }
0xab: {  	_ =	task [dreg:s7], $0x5FFFF  }
0xac: {  	[dreg:$0x1] =	wrdreg $0xFFFFFFFF  }
0xad: {  	[dreg:$0x0] =	wrdreg $0x60  }
0xae: {  	[dreg:$0x2] =	wrdreg s2  }
0xaf: {  	[dreg:$0x3] =	wrdreg s24  }
0xb0: {  	[dreg:$0x4] =	wrdreg $0xA8000  }
0xb1: {  	[dreg:$0x5] =	wrdreg $0x9  }
0xb2: {  	_ =	task.clear_ibuf [dreg:s7], $0x6FFFF;
	_ =	strace $0x90000049  }
0xb3: {  	s29 =	simm.s32 $0x9;
	_ =	strace $0x8000004B  }
0xb4: {  	_ =	swait.ge [sflag:s29], $0x1  }
0xb5: {  	[sflag:s29] =	ssyncadd.s32 $0xFFFFFFFF  }
0xb6: {  	_ =	strace $0x9000004B  }
0xb7: {  	_ =	sfence  }
0xb8: {  	s30 =	sld [smem:$0x0];
	_ =	sdelay $0x2  }
0xb9: {  	s31 =	sshll.u32 s1, $0xD;
	s1 =	sshrl.u32 s1, $0x2  }
0xba: {  	s3 =	sand.u32 $0x4000, s31;
	s1 =	sadd.s32 s1, s30  }
0xbb: {  	s0 =	sor.u32 s3, s0;
	s1 =	sshll.u32 s1, $0x11  }
0xbc: {  	s0 =	sor.u32 s1, s0  }
0xbd: {  	s0 =	sadd.s32 $0x8F2B, s0  }
0xbe: {  	[sflag:s0] =	ssyncadd.remote.s32 $0x1  }
0xbf: {  	_ =	sfence.sel $0xFFFF  }
0xc0: {  	[dreg:$0x0] =	wrdreg $0xFFFFFFFF;
	(pc) =	sbr.abs _section_cstart, $3  }
0xc1: {  	[dreg:$0x1] =	wrdreg $0xFFFFFFFF  }
0xc2: {  	_ =	task.clear_ibuf [dreg:s7], $0x2FFFF;
	_ =	strace $0x9FFFFFFF  }
0xc3: {  	(tm) =	ssettm $0x7FFFFFFF  }
tec
execute0_lowered:
.L_overlay_start_1:
0x0: {  	(tag) =	ssettag $0x1  }
0x1: {  	s0 =	rddreg [dreg:$0x0]  }
0x2: {  	s5 =	rddreg [dreg:$0x1]  }
0x3: {  	s1 =	srdreg.scid;
	s3 =	rddreg [dreg:$0x2]  }
0x4: {  	s2 =	stileid.u32;
	s4 =	simm.s32 $0x0;
	s17 =	simm.s32 $0x3  }
0x5: {  	s18 =	simm.s32 $0x1400;
	s19 =	simm.s32 $0x7D;
	s20 =	simm.s32 $0x80  }
0x6: {  	s21 =	simm.s32 $0x6800;
	s22 =	simm.s32 $0x1;
	s23 =	simm.s32 $0x2  }
0x7: {  	s24 =	simm.s32 $0x2700;
	s6 =	sand.u32 $0x1, s1;
	s1 =	rddreg [dreg:$0x3]  }
0x8: {  	s25 =	simm.s32 $0x2780;
	s8 =	smul.u32 $0x14000, s2;
	[smem:$0x7FF] =	sst s4  }
0x9: {  	s12 =	sadd.s32 $0x5CA00, s5;
	s28 =	smul.u32 $0x50000, s2;
	s13 =	sadd.s32 $0x2A00, s5  }
0xa: {  	s7 =	smul.u32 $0x140000, s6;
	_ =	strace $0x8000004A;
	s29 =	sshll.u32 s6, $0x4  }
0xb: {  	s6 =	ssub.s32 $0x2, s6;
	s30 =	sshrl.u32 s28, $0x2;
	s31 =	sor.u32 s2, s29  }
0xc: {  	s9 =	sshrl.u32 s6, $0x1;
	s7 =	sadd.s32 s8, s7;
	s10 =	smul.u32 $0x2800, s31  }
0xd: {  	s15 =	ssub.s32 s6, s9;
	s11 =	smul.u32 $0x500, s31;
	s7 =	sshrl.u32 s7, $0x3  }
0xe: {  	s15 =	smax.u32 s15, $0x1;
	s14 =	sadd.s32 s7, s5;
	s5 =	sadd.s32 s30, s3  }
0xf: {  	s16 =	sshrl.u32 s10, $0x3;
	s10 =	sadd.s32 s12, s11;
	s11 =	sadd.s32 s13, s11  }
0x10: {  	s6 =	sadd.s32 $0x4000, s5;
	s7 =	sadd.s32 $0x8000, s5;
	s8 =	sadd.s32 $0xC000, s5  }
0x11: {  	s9 =	sadd.s32 $0x10000, s5;
	s16 =	sadd.s32 $0x280, s16;
	s14 =	sadd.s32 $0xCA00, s14  }
0x12: {  	v0 =	vimm.f32 $0.0e+00;
	s12 =	sadd.s32 s12, s16;
	s13 =	sadd.s32 s13, s16;
	s16 =	simm.s32 $0x2800  }
.LBB2_1:
0x13: {  	s26 =	simm.s32 $0x0;
	s28 =	simm.s32 $0x200  }
.LBB2_2:
0x14: {  	p0 =	sne.s32 s28, $0xFE00;
	[tilespmem:s26+$0x2870] =	vst v0  }
0x15: {  	[tilespmem:s26+$0x2800] =	vst v0  }
0x16: {  	[tilespmem:s26+$0x2810] =	vst v0  }
.Ltmp0:
0x17: {  	[tilespmem:s26+$0x2820] =	vst v0;
	(pc) =	sbr.rel @p0 .LBB2_2-.Ltmp0, $4  }
0x18: {  	[tilespmem:s26+$0x2830] =	vst v0  }
0x19: {  	[tilespmem:s26+$0x2840] =	vst v0  }
0x1a: {  	[tilespmem:s26+$0x2850] =	vst v0  }
0x1b: {  	[tilespmem:s26+$0x2860] =	vst v0;
	s26 =	sshra.s32 s28, $0x2;
	s28 =	sadd.s32 $0x200, s28  }
0x1c: {  	[tilespmem:s26+$0x2870] =	vst v0  }
0x1d: {  	[tilespmem:s26+$0x2800] =	vst v0  }
0x1e: {  	[tilespmem:s26+$0x2810] =	vst v0  }
0x1f: {  	[tilespmem:s26+$0x2820] =	vst v0  }
0x20: {  	[tilespmem:s26+$0x2830] =	vst v0  }
0x21: {  	[tilespmem:s26+$0x2840] =	vst v0  }
0x22: {  	[tilespmem:s26+$0x2850] =	vst v0  }
0x23: {  	[tilespmem:s26+$0x2860] =	vst v0  }
0x24: {  	[spmem:s5] =	stream.linear.scatter [tilespmem:s16], [sflag:$0x3], $0x4000, $0x38;
	[tilespmem:$0x1E800] =	vst v63  }
0x25: {  	_ =	swait.ge [sflag:s17], $0x4000  }
0x26: {  	[sflag:s17] =	ssyncset.done $0x0  }
0x27: {  	[sflag:s17] =	ssyncadd.s32 $0xFFFFC000  }
0x28: {  	[spmem:s6] =	stream.linear.scatter [tilespmem:s16], [sflag:$0x3], $0x4000, $0x38;
	[tilespmem:$0x1E800] =	vst v63  }
0x29: {  	_ =	swait.ge [sflag:s17], $0x4000  }
0x2a: {  	[sflag:s17] =	ssyncset.done $0x0  }
0x2b: {  	[sflag:s17] =	ssyncadd.s32 $0xFFFFC000  }
0x2c: {  	[spmem:s7] =	stream.linear.scatter [tilespmem:s16], [sflag:$0x3], $0x4000, $0x38;
	[tilespmem:$0x1E800] =	vst v63  }
0x2d: {  	_ =	swait.ge [sflag:s17], $0x4000  }
0x2e: {  	[sflag:s17] =	ssyncset.done $0x0  }
0x2f: {  	[sflag:s17] =	ssyncadd.s32 $0xFFFFC000  }
0x30: {  	[spmem:s8] =	stream.linear.scatter [tilespmem:s16], [sflag:$0x3], $0x4000, $0x38;
	[tilespmem:$0x1E800] =	vst v63  }
0x31: {  	_ =	swait.ge [sflag:s17], $0x4000  }
0x32: {  	[sflag:s17] =	ssyncset.done $0x0  }
0x33: {  	[sflag:s17] =	ssyncadd.s32 $0xFFFFC000  }
0x34: {  	[spmem:s9] =	stream.linear.scatter [tilespmem:s16], [sflag:$0x3], $0x4000, $0x38;
	[tilespmem:$0x1E800] =	vst v63  }
0x35: {  	_ =	swait.ge [sflag:s17], $0x4000  }
0x36: {  	[sflag:s17] =	ssyncset.done $0x0  }
0x37: {  	[sflag:s17] =	ssyncadd.s32 $0xFFFFC000  }
0x38: {  	s31 =	simm.s32 $0x0;
	[bflag:$0x0] =	sbarrier.arrive $0xFFFF  }
0x39: {  	[tilespmem:s31], [sflag:$0x3] =	stream.linear.gather [hbm4b:s10+s31], $0x1400, $0x38;
	[tilespmem:$0x1E800] =	vst v63  }
0x3a: {  	_ =	swait.ge [sflag:s17], $0x1400  }
0x3b: {  	[sflag:s17] =	ssyncset.done $0x0  }
0x3c: {  	[sflag:s17] =	ssyncadd.s32 $0xFFFFEC00  }
0x3d: {  	[tilespmem:s18], [sflag:$0x3] =	stream.linear.gather [hbm4b:s11+s31], $0x1400, $0x38;
	[tilespmem:$0x1E800] =	vst v63  }
0x3e: {  	_ =	swait.ge [sflag:s17], $0x1400  }
0x3f: {  	[sflag:s17] =	ssyncset.done $0x0  }
0x40: {  	[sflag:s17] =	ssyncadd.s32 $0xFFFFEC00  }
0x41: {  	[tilespmem:s16], [sflag:$0x1] =	stream.indirect.gather [hbm4b:s0+s19], $0x80, s31, s19, $0xb8;
	[tilespmem:$0x1E800] =	vst v63  }
0x42: {  	_ = 	snop  }
0x43: {  	[tilespmem:s21], [sflag:$0x2] =	stream.indirect.gather [hbm4b:s0+s19], $0x80, s20, s19, $0xb8;
	[tilespmem:$0x1E800] =	vst v63  }
0x44: {  	_ =	swait.ge [sflag:s22], $0x3E80  }
0x45: {  	[sflag:s22] =	ssyncset.done $0x0  }
0x46: {  	s29 =	simm.s32 $0x1400;
	[sflag:s22] =	ssyncadd.s32 $0xFFFFC180  }
0x47: {  	[spmem:s3] =	stream.indirect.scatter.add.f32 [tilespmem:s16], [sflag:$0x3], $0x80, s29, s19, $0xb8;
	[tilespmem:$0x1E800] =	vst v63  }
0x48: {  	_ =	swait.ge [sflag:s17], $0x3E80  }
0x49: {  	[sflag:s17] =	ssyncset.done $0x0  }
0x4a: {  	s30 =	simm.s32 $0x100;
	[sflag:s17] =	ssyncadd.s32 $0xFFFFC180  }
0x4b: {  	[tilespmem:s16], [sflag:$0x1] =	stream.indirect.gather [hbm4b:s0+s19], $0x80, s30, s19, $0xb8;
	[tilespmem:$0x1E800] =	vst v63  }
0x4c: {  	_ =	swait.ge [sflag:s23], $0x3E80  }
0x4d: {  	[sflag:s23] =	ssyncset.done $0x0  }
0x4e: {  	s31 =	simm.s32 $0x1480;
	[sflag:s23] =	ssyncadd.s32 $0xFFFFC180  }
0x4f: {  	[spmem:s3] =	stream.indirect.scatter.add.f32 [tilespmem:s21], [sflag:$0x3], $0x80, s31, s19, $0xb8;
	[tilespmem:$0x1E800] =	vst v63  }
0x50: {  	_ =	swait.ge [sflag:s17], $0x3E80  }
0x51: {  	[sflag:s17] =	ssyncset.done $0x0  }
0x52: {  	s26 =	simm.s32 $0x400;
	s28 =	simm.s32 $0x180;
	[sflag:s17] =	ssyncadd.s32 $0xFFFFC180  }
.LBB2_4:
0x53: {  	[tilespmem:s21], [sflag:$0x2] =	stream.indirect.gather [hbm4b:s0+s19], $0x80, s28, s19, $0xb8;
	[tilespmem:$0x1E800] =	vst v63  }
0x54: {  	s28 =	smov.u32 s26  }
0x55: {  	p0 =	sne.s32 s26, $0x4800;
	s26 =	sadd.s32 $0x400, s26;
	_ =	swait.ge [sflag:s22], $0x3E80  }
0x56: {  	s28 =	sshra.s32 s28, $0x2;
	[sflag:s22] =	ssyncset.done $0x0  }
0x57: {  	s29 =	sadd.s32 $0x1400, s28;
	[sflag:s22] =	ssyncadd.s32 $0xFFFFC180  }
0x58: {  	[spmem:s3] =	stream.indirect.scatter.add.f32 [tilespmem:s16], [sflag:$0x3], $0x80, s29, s19, $0xb8;
	[tilespmem:$0x1E800] =	vst v63  }
0x59: {  	_ =	swait.ge [sflag:s17], $0x3E80  }
0x5a: {  	[sflag:s17] =	ssyncset.done $0x0  }
0x5b: {  	s29 =	sadd.s32 $0x100, s28;
	[sflag:s17] =	ssyncadd.s32 $0xFFFFC180  }
0x5c: {  	[tilespmem:s16], [sflag:$0x1] =	stream.indirect.gather [hbm4b:s0+s19], $0x80, s29, s19, $0xb8;
	[tilespmem:$0x1E800] =	vst v63  }
0x5d: {  	_ =	swait.ge [sflag:s23], $0x3E80  }
0x5e: {  	[sflag:s23] =	ssyncset.done $0x0  }
.Ltmp1:
0x5f: {  	s29 =	sadd.s32 $0x1480, s28;
	[sflag:s23] =	ssyncadd.s32 $0xFFFFC180;
	(pc) =	sbr.rel @p0 .LBB2_4-.Ltmp1, $4  }
0x60: {  	[spmem:s3] =	stream.indirect.scatter.add.f32 [tilespmem:s21], [sflag:$0x3], $0x80, s29, s19, $0xb8;
	[tilespmem:$0x1E800] =	vst v63  }
0x61: {  	_ =	swait.ge [sflag:s17], $0x3E80  }
0x62: {  	[sflag:s17] =	ssyncset.done $0x0  }
0x63: {  	s28 =	sadd.s32 $0x180, s28;
	[sflag:s17] =	ssyncadd.s32 $0xFFFFC180  }
0x64: {  	[tilespmem:s21], [sflag:$0x2] =	stream.indirect.gather [hbm4b:s0+s19], $0x80, s28, s19, $0xb8;
	[tilespmem:$0x1E800] =	vst v63  }
0x65: {  	_ =	swait.ge [sflag:s22], $0x3E80  }
0x66: {  	[sflag:s22] =	ssyncset.done $0x0  }
0x67: {  	[sflag:s22] =	ssyncadd.s32 $0xFFFFC180  }
0x68: {  	[spmem:s3] =	stream.indirect.scatter.add.f32 [tilespmem:s16], [sflag:$0x3], $0x80, s24, s19, $0xb8;
	[tilespmem:$0x1E800] =	vst v63  }
0x69: {  	_ =	swait.ge [sflag:s17], $0x3E80  }
0x6a: {  	[sflag:s17] =	ssyncset.done $0x0  }
0x6b: {  	[sflag:s17] =	ssyncadd.s32 $0xFFFFC180  }
0x6c: {  	_ =	swait.ge [sflag:s23], $0x3E80  }
0x6d: {  	[sflag:s23] =	ssyncset.done $0x0  }
0x6e: {  	[sflag:s23] =	ssyncadd.s32 $0xFFFFC180  }
0x6f: {  	[spmem:s3] =	stream.indirect.scatter.add.f32 [tilespmem:s21], [sflag:$0x3], $0x80, s25, s19, $0xb8;
	[tilespmem:$0x1E800] =	vst v63  }
0x70: {  	_ =	swait.ge [sflag:s17], $0x3E80  }
0x71: {  	[sflag:s17] =	ssyncset.done $0x0  }
0x72: {  	s26 =	simm.s32 $0x0;
	[sflag:s17] =	ssyncadd.s32 $0xFFFFC180  }
0x73: {  	[tilespmem:s26], [sflag:$0x3] =	stream.linear.gather [hbm4b:s12+s26], $0x1400, $0x38;
	[tilespmem:$0x1E800] =	vst v63  }
0x74: {  	_ =	swait.ge [sflag:s17], $0x1400  }
0x75: {  	[sflag:s17] =	ssyncset.done $0x0  }
0x76: {  	[sflag:s17] =	ssyncadd.s32 $0xFFFFEC00  }
0x77: {  	[tilespmem:s18], [sflag:$0x3] =	stream.linear.gather [hbm4b:s13+s26], $0x1400, $0x38;
	[tilespmem:$0x1E800] =	vst v63  }
0x78: {  	_ =	swait.ge [sflag:s17], $0x1400  }
0x79: {  	[sflag:s17] =	ssyncset.done $0x0  }
0x7a: {  	[sflag:s17] =	ssyncadd.s32 $0xFFFFEC00  }
0x7b: {  	[tilespmem:s16], [sflag:$0x1] =	stream.indirect.gather [hbm4b:s0+s19], $0x80, s26, s19, $0xb8;
	[tilespmem:$0x1E800] =	vst v63  }
0x7c: {  	_ = 	snop  }
0x7d: {  	[tilespmem:s21], [sflag:$0x2] =	stream.indirect.gather [hbm4b:s0+s19], $0x80, s20, s19, $0xb8;
	[tilespmem:$0x1E800] =	vst v63  }
0x7e: {  	_ =	swait.ge [sflag:s22], $0x3E80  }
0x7f: {  	[sflag:s22] =	ssyncset.done $0x0  }
0x80: {  	s29 =	simm.s32 $0x1400;
	[sflag:s22] =	ssyncadd.s32 $0xFFFFC180  }
0x81: {  	[spmem:s3] =	stream.indirect.scatter.add.f32 [tilespmem:s16], [sflag:$0x3], $0x80, s29, s19, $0xb8;
	[tilespmem:$0x1E800] =	vst v63  }
0x82: {  	_ =	swait.ge [sflag:s17], $0x3E80  }
0x83: {  	[sflag:s17] =	ssyncset.done $0x0  }
0x84: {  	s30 =	simm.s32 $0x100;
	[sflag:s17] =	ssyncadd.s32 $0xFFFFC180  }
0x85: {  	[tilespmem:s16], [sflag:$0x1] =	stream.indirect.gather [hbm4b:s0+s19], $0x80, s30, s19, $0xb8;
	[tilespmem:$0x1E800] =	vst v63  }
0x86: {  	_ =	swait.ge [sflag:s23], $0x3E80  }
0x87: {  	[sflag:s23] =	ssyncset.done $0x0  }
0x88: {  	s31 =	simm.s32 $0x1480;
	[sflag:s23] =	ssyncadd.s32 $0xFFFFC180  }
0x89: {  	[spmem:s3] =	stream.indirect.scatter.add.f32 [tilespmem:s21], [sflag:$0x3], $0x80, s31, s19, $0xb8;
	[tilespmem:$0x1E800] =	vst v63  }
0x8a: {  	_ =	swait.ge [sflag:s17], $0x3E80  }
0x8b: {  	[sflag:s17] =	ssyncset.done $0x0  }
0x8c: {  	s28 =	simm.s32 $0x180;
	s26 =	simm.s32 $0x400;
	[sflag:s17] =	ssyncadd.s32 $0xFFFFC180  }
.LBB2_6:
0x8d: {  	[tilespmem:s21], [sflag:$0x2] =	stream.indirect.gather [hbm4b:s0+s19], $0x80, s28, s19, $0xb8;
	[tilespmem:$0x1E800] =	vst v63  }
0x8e: {  	s28 =	smov.u32 s26  }
0x8f: {  	p0 =	sne.s32 s26, $0x4800;
	s26 =	sadd.s32 $0x400, s26;
	_ =	swait.ge [sflag:s22], $0x3E80  }
0x90: {  	s28 =	sshra.s32 s28, $0x2;
	[sflag:s22] =	ssyncset.done $0x0  }
0x91: {  	s29 =	sadd.s32 $0x1400, s28;
	[sflag:s22] =	ssyncadd.s32 $0xFFFFC180  }
0x92: {  	[spmem:s3] =	stream.indirect.scatter.add.f32 [tilespmem:s16], [sflag:$0x3], $0x80, s29, s19, $0xb8;
	[tilespmem:$0x1E800] =	vst v63  }
0x93: {  	_ =	swait.ge [sflag:s17], $0x3E80  }
0x94: {  	[sflag:s17] =	ssyncset.done $0x0  }
0x95: {  	s29 =	sadd.s32 $0x100, s28;
	[sflag:s17] =	ssyncadd.s32 $0xFFFFC180  }
0x96: {  	[tilespmem:s16], [sflag:$0x1] =	stream.indirect.gather [hbm4b:s0+s19], $0x80, s29, s19, $0xb8;
	[tilespmem:$0x1E800] =	vst v63  }
0x97: {  	_ =	swait.ge [sflag:s23], $0x3E80  }
0x98: {  	[sflag:s23] =	ssyncset.done $0x0  }
.Ltmp2:
0x99: {  	s29 =	sadd.s32 $0x1480, s28;
	[sflag:s23] =	ssyncadd.s32 $0xFFFFC180;
	(pc) =	sbr.rel @p0 .LBB2_6-.Ltmp2, $4  }
0x9a: {  	[spmem:s3] =	stream.indirect.scatter.add.f32 [tilespmem:s21], [sflag:$0x3], $0x80, s29, s19, $0xb8;
	[tilespmem:$0x1E800] =	vst v63  }
0x9b: {  	_ =	swait.ge [sflag:s17], $0x3E80  }
0x9c: {  	[sflag:s17] =	ssyncset.done $0x0  }
0x9d: {  	s28 =	sadd.s32 $0x180, s28;
	[sflag:s17] =	ssyncadd.s32 $0xFFFFC180  }
0x9e: {  	[tilespmem:s21], [sflag:$0x2] =	stream.indirect.gather [hbm4b:s0+s19], $0x80, s28, s19, $0xb8;
	[tilespmem:$0x1E800] =	vst v63  }
0x9f: {  	_ =	swait.ge [sflag:s22], $0x3E80  }
0xa0: {  	[sflag:s22] =	ssyncset.done $0x0  }
0xa1: {  	[sflag:s22] =	ssyncadd.s32 $0xFFFFC180  }
0xa2: {  	[spmem:s3] =	stream.indirect.scatter.add.f32 [tilespmem:s16], [sflag:$0x3], $0x80, s24, s19, $0xb8;
	[tilespmem:$0x1E800] =	vst v63  }
0xa3: {  	_ =	swait.ge [sflag:s17], $0x3E80  }
0xa4: {  	[sflag:s17] =	ssyncset.done $0x0  }
0xa5: {  	[sflag:s17] =	ssyncadd.s32 $0xFFFFC180  }
0xa6: {  	_ =	swait.ge [sflag:s23], $0x3E80  }
0xa7: {  	[sflag:s23] =	ssyncset.done $0x0  }
0xa8: {  	[sflag:s23] =	ssyncadd.s32 $0xFFFFC180  }
0xa9: {  	[spmem:s3] =	stream.indirect.scatter.add.f32 [tilespmem:s21], [sflag:$0x3], $0x80, s25, s19, $0xb8;
	[tilespmem:$0x1E800] =	vst v63  }
0xaa: {  	_ =	swait.ge [sflag:s17], $0x3E80  }
0xab: {  	s26 =	sshll.u32 s2, $0x6;
	s4 =	sadd.s32 $0x1, s4;
	[sflag:s17] =	ssyncset.done $0x0  }
0xac: {  	s31 =	sshrl.u32 s5, $0x3;
	p0 =	sne.s32 s4, s15;
	[sflag:s17] =	ssyncadd.s32 $0xFFFFC180  }
.Ltmp3:
0xad: {  	s26 =	sor.u32 $0x1C03, s26;
	[bflag:$0x0] =	sbarrier.arrive $0xFFFF;
	(pc) =	sbr.rel @p0 .LBB2_1-.Ltmp3, $4  }
0xae: {  	[hbm:s14], [sflag:s26] =	dma.local [spmem:s31], $0x2800  }
0xaf: {  	_ =	swait.ge [sflag:s17], $0x2800  }
0xb0: {  	[sflag:s17] =	ssyncset.done $0x0  }
0xb1: {  	[sflag:s17] =	ssyncadd.s32 $0xFFFFD800  }
0xb2: {  	_ =	sfence.sel $0x180000  }
0xb3: {  	[bflag:$0x0] =	sbarrier.arrive $0xFFFF  }
0xb4: {  	p0 =	sne.s32 s2, $0x0;
	_ =	strace $0x9000004A  }
0xb5: {  	s0 =	sadd.s32 @!p0 $0x100000, s1;
	[bflag:$0x2] =	sbarrier.arrive $0xFFFF  }
0xb6: {  	[sflag:s0] =	ssyncadd.tile.s32 @!p0 $0x1;
	_ =	shalt  }
.Lfunc_end2:
_tile_overlayer_lowered:
.L_overlay_start_2:
0xb7: {  	(tag) =	ssettag $0x2  }
0xb8: {  	s0 =	rddreg [dreg:$0x0];
	s2 =	stileid.u32  }
0xb9: {  	s1 =	rddreg [dreg:$0x1];
	p0 =	sne.s32 s2, $0x0  }
0xba: {  	s3 =	rddreg [dreg:$0x2];
	[bflag:$0x3] =	sbarrier.arrive $0xFFFF;
	s2 =	simm.s32 @!p0 $0x1C03  }
0xbb: {  	[timem:s3], [sflag:s2] =	dma.local @!p0 [hbm:s0], s1  }
0xbc: {  	s0 =	simm.s32 @!p0 $0x3  }
0xbd: {  	_ =	swait.ge @!p0 [sflag:s0], s1  }
0xbe: {  	s1 =	ssub.s32 @!p0 $0x0, s1;
	[sflag:s0] =	ssyncset.done @!p0 $0x0  }
0xbf: {  	[sflag:s0] =	ssyncadd.s32 @!p0 s1  }
0xc0: {  	[bflag:$0x3] =	sbarrier.arrive $0xFFFF  }
0xc1: {  	_ =	shalt  }

// kernel: kernel.15.cloned.1.call-start
scs
__scs_entry_jumppad:
0x0: {  	(pc) =	sbr.rel $0x88, $3  }
0x1: {  	(tag) =	ssettag $0x0;
	lr =	simm.s32 $0x1  }
0x2: {  	[smem:$0x3F9B] =	sst lr;
	_ =	strace $0xD0000000  }
0x3: {  	_ = 	snop  }
0x4: {  	_ = 	snop  }
0x5: {  	_ = 	snop  }
0x6: {  	_ = 	snop  }
0x7: {  	_ = 	snop  }
__scs_overlays_trampoline_lowered:
0x8: {  	[smem:$0x3FAA] =	sst s0  }
0x9: {  	[smem:$0x3FAB] =	sst s1  }
0xa: {  	[smem:$0x3FAC] =	sst s2  }
0xb: {  	[smem:$0x3FAD] =	sst s3  }
0xc: {  	[smem:$0x3FAE] =	sst s4  }
0xd: {  	[smem:$0x3FAF] =	sst s5  }
0xe: {  	[smem:$0x3FB0] =	sst s6  }
0xf: {  	[smem:$0x3FB1] =	sst s7  }
0x10: {  	[smem:$0x3FB2] =	sst s8  }
0x11: {  	[smem:$0x3FB3] =	sst s9;
	s0 =	simm.s32 @!p0 $0x0  }
0x12: {  	s1 =	sld [smem:$0x3F99];
	s0 =	simm.s32 @p0 $0x1  }
0x13: {  	[smem:$0x3FB4] =	sst s0;
	s0 =	simm.s32 @!p1 $0x0  }
0x14: {  	s2 =	sld [smem:$0x3F98];
	s0 =	simm.s32 @p1 $0x1  }
0x15: {  	[smem:$0x3FB5] =	sst s0;
	s0 =	simm.s32 @!p2 $0x0  }
0x16: {  	s3 =	sld [smem:$0x3FDB];
	s0 =	simm.s32 @p2 $0x1  }
0x17: {  	s4 =	simm.s32 $0x1BF5;
	[smem:$0x3FB7] =	sst s0  }
0x18: {  	s0 =	sld [smem:$0x3F9A];
	_ =	swait.ge [sflag:s4], $0x0  }
0x19: {  	s7 =	sld [smem:$0x3F9B]  }
0x1a: {  	s8 =	sadd.s32 $0xFFFFE003, lr  }
0x1b: {  	s9 =	sadd.s32 $0xFFFFFEF7, lr;
	s5 =	simm.s32 $0xFFFFFFFF;
	p2 =	slt.u32 s8, $0xFFFFF086  }
0x1c: {  	p1 =	slt.u32 s9, $0xF7A;
	s5 =	simm.s32 @!p2 $0x0  }
0x1d: {  	s5 =	simm.s32 @p1 $0x1;
	p0 =	seq.s32 s7, s2  }
0x1e: {  	s7 =	smul.u32 @!p0 $0xF7A, s2;
	p2 =	seq.s32 @!p0 s5, $0x0  }
0x1f: {  	s9 =	smul.u32 $0xF7A, s1;
	s8 =	simm.s32 @!p0 $0x1BF5;
	p2 =	por !p2, p0  }
0x20: {  	[sflag:s8] =	ssyncset.s32 @!p0 $0xFFFFF086;
	s6 =	sadd.s32 @!p0 s3, s7;
	s7 =	simm.s32 @!p0 $0x108  }
0x21: {  	s3 =	sadd.s32 s3, s9;
	s6 =	sadd.s32 @!p0 $0x88, s6;
	s7 =	simm.s32 @p2 $0x1082  }
0x22: {  	[simem:s7], [sflag:s8] =	dma.local @!p0 [hbm:s6], $0xF7A  }
0x23: {  	s9 =	sor.u32 $0xD0000000, s2;
	s6 =	simm.s32 $0x108;
	_ =	swait.ge @!p0 [sflag:s8], $0x0  }
0x24: {  	s3 =	sadd.s32 $0x88, s3;
	s6 =	simm.s32 @!p1 $0x1082;
	[sflag:s4] =	ssyncset.s32 $0xFFFFF086  }
0x25: {  	[simem:s6], [sflag:s4] =	dma.local [hbm:s3], $0xF7A  }
0x26: {  	[smem:$0x3F9B] =	sst s1;
	(tag) =	ssettag s2;
	_ =	strace s9  }
0x27: {  	s1 =	sld [smem:$0x3FAB]  }
0x28: {  	s2 =	sld [smem:$0x3FAC]  }
0x29: {  	s4 =	sld [smem:$0x3FAE]  }
0x2a: {  	p0 =	seq.s32 s5, $0x0;
	s5 =	sld [smem:$0x3FAF]  }
0x2b: {  	s6 =	sld [smem:$0x3FB0]  }
0x2c: {  	s7 =	sld [smem:$0x3FB1]  }
0x2d: {  	s3 =	simm.s32 $0x108;
	s8 =	sld [smem:$0x3FB2]  }
0x2e: {  	s3 =	simm.s32 @!p0 $0x1082;
	s9 =	sld [smem:$0x3FB3]  }
0x2f: {  	lr =	sadd.s32 s0, s3;
	s0 =	sld [smem:$0x3FAA]  }
0x30: {  	s3 =	sld [smem:$0x3FAD]  }
0x31: {  	[smem:$0x3FB6] =	sst s10  }
0x32: {  	s10 =	sld [smem:$0x3FB4];
	_ =	sdelay $0x3  }
0x33: {  	p0 =	seq.s32 s10, $0x1;
	s10 =	sld [smem:$0x3FB6];
	_ =	sdelay $0x3  }
0x34: {  	[smem:$0x3FB6] =	sst s10  }
0x35: {  	s10 =	sld [smem:$0x3FB5];
	_ =	sdelay $0x3  }
0x36: {  	p1 =	seq.s32 s10, $0x1;
	s10 =	sld [smem:$0x3FB6];
	_ =	sdelay $0x3  }
0x37: {  	[smem:$0x3FB6] =	sst s10  }
0x38: {  	s10 =	sld [smem:$0x3FB7]  }
0x39: {  	_ = 	snop;
	(pc) =	sbr.ind lr, $3  }
0x3a: {  	_ = 	snop  }
0x3b: {  	_ = 	snop  }
0x3c: {  	p2 =	seq.s32 s10, $0x1;
	s10 =	sld [smem:$0x3FB6]  }
0x3d: {  	_ =	shalt  }
0x3e: {  	_ =	shalt  }
0x3f: {  	_ =	shalt  }
0x40: {  	_ =	shalt  }
0x41: {  	_ =	shalt  }
0x42: {  	_ =	shalt  }
0x43: {  	_ =	shalt  }
0x44: {  	_ =	shalt  }
0x45: {  	_ =	shalt  }
0x46: {  	_ =	shalt  }
0x47: {  	_ =	shalt  }
0x48: {  	_ =	shalt  }
0x49: {  	_ =	shalt  }
0x4a: {  	_ =	shalt  }
0x4b: {  	_ =	shalt  }
0x4c: {  	_ =	shalt  }
0x4d: {  	_ =	shalt  }
0x4e: {  	_ =	shalt  }
0x4f: {  	_ =	shalt  }
0x50: {  	_ =	shalt  }
0x51: {  	_ =	shalt  }
0x52: {  	_ =	shalt  }
0x53: {  	_ =	shalt  }
0x54: {  	_ =	shalt  }
0x55: {  	_ =	shalt  }
0x56: {  	_ =	shalt  }
0x57: {  	_ =	shalt  }
0x58: {  	_ =	shalt  }
0x59: {  	_ =	shalt  }
0x5a: {  	_ =	shalt  }
0x5b: {  	_ =	shalt  }
0x5c: {  	_ =	shalt  }
0x5d: {  	_ =	shalt  }
0x5e: {  	_ =	shalt  }
0x5f: {  	_ =	shalt  }
0x60: {  	_ =	shalt  }
0x61: {  	_ =	shalt  }
0x62: {  	_ =	shalt  }
0x63: {  	_ =	shalt  }
0x64: {  	_ =	shalt  }
0x65: {  	_ =	shalt  }
0x66: {  	_ =	shalt  }
0x67: {  	_ =	shalt  }
0x68: {  	_ =	shalt  }
0x69: {  	_ =	shalt  }
0x6a: {  	_ =	shalt  }
0x6b: {  	_ =	shalt  }
0x6c: {  	_ =	shalt  }
0x6d: {  	_ =	shalt  }
0x6e: {  	_ =	shalt  }
0x6f: {  	_ =	shalt  }
0x70: {  	_ =	shalt  }
0x71: {  	_ =	shalt  }
0x72: {  	_ =	shalt  }
0x73: {  	_ =	shalt  }
0x74: {  	_ =	shalt  }
0x75: {  	_ =	shalt  }
0x76: {  	_ =	shalt  }
0x77: {  	_ =	shalt  }
0x78: {  	_ =	shalt  }
0x79: {  	_ =	shalt  }
0x7a: {  	_ =	shalt  }
0x7b: {  	_ =	shalt  }
0x7c: {  	_ =	shalt  }
0x7d: {  	_ =	shalt  }
0x7e: {  	_ =	shalt  }
0x7f: {  	_ =	shalt  }
0x80: {  	_ =	shalt  }
0x81: {  	_ =	shalt  }
0x82: {  	_ =	shalt  }
0x83: {  	_ =	shalt  }
0x84: {  	_ =	shalt  }
0x85: {  	_ =	shalt  }
0x86: {  	_ =	shalt  }
0x87: {  	_ =	shalt  }
.Lfunc_end0:
.L_simem_size_0:
called_computation.2_lowered:
.L_overlay_start_0:
0x88: {  	s2 =	sld [smem:$0x3FD9]  }
0x89: {  	s3 =	sld [smem:$0x3FFE];
	_ =	sdelay $0x1  }
0x8a: {  	s1 =	srdreg.scid  }
0x8b: {  	s0 =	sand.u32 $0x1, s1  }
0x8c: {  	s17 =	sshll.u32 s0, $0xA;
	s2 =	sadd.s32 s3, s2  }
0x8d: {  	s2 =	sadd.s32 s2, s17  }
0x8e: {  	[smem:$0x3FC2] =	sst s2  }
0x8f: {  	_ = 	snop  }
0x90: {  	s2 =	sld [smem:$0x3FD0];
	(tm) =	ssettm $0x1  }
0x91: {  	s18 =	sld [smem:$0x3FFB];
	_ =	sdelay $0x3  }
0x92: {  	_ =	strace s18  }
0x93: {  	s3 =	sld [smem:$0x3FFC];
	_ =	sdelay $0x3  }
0x94: {  	_ =	strace s3  }
0x95: {  	s3 =	sld [smem:$0x3FFD];
	_ =	sdelay $0x3  }
0x96: {  	_ =	strace s3  }
0x97: {  	_ =	strace $0x8FFFFFFF  }
0x98: {  	s19 =	sld [smem:$0x3FDB];
	_ =	sdelay $0x1  }
0x99: {  	s4 =	simm.s32 $_scs_section_size  }
0x9a: {  	s5 =	simm.s32 $_size__tile_overlayer_lowered;
	s6 =	simm.s32 $_tile_overlayer_lowered  }
0x9b: {  	s22 =	simm.s32 $0x1BFF;
	s21 =	sshll.u32 s6, $0x1;
	s3 =	sadd.s32 s4, s19  }
0x9c: {  	s7 =	simm.s32 $0x0;
	s20 =	sshll.u32 s5, $0x1;
	s5 =	sadd.s32 s21, s3  }
0x9d: {  	[timem:s7], [sflag:s22] =	dma.local [hbm:s5], s20  }
0x9e: {  	_ =	swait.ge [sflag:s22], s20  }
0x9f: {  	s4 =	ssub.s32 $0x0, s20;
	[sflag:s22] =	ssyncset.done $0x0  }
0xa0: {  	[sflag:s22] =	ssyncadd.s32 s4;
	_ =	sdelay $0x1  }
0xa1: {  	s23 =	simm.s32 $0x1B8B  }
0xa2: {  	_ =	swait.ge [sflag:s23], $0x1  }
0xa3: {  	[sflag:s23] =	ssyncset.done $0x0  }
0xa4: {  	s25 =	simm.s32 $0x1B8E;
	s24 =	sld [smem:$0x3FFE];
	[sflag:s23] =	ssyncadd.s32 $0xFFFFFFFF  }
0xa5: {  	s26 =	simm.s32 $execute0_lowered;
	[smem:$0x3FD2] =	sst s25  }
0xa6: {  	s5 =	sshll.u32 s26, $0x1;
	_ =	strace $0x8000004C;
	[dreg:$0x1] =	wrdreg $0xFFFFFFFF  }
0xa7: {  	s28 =	simm.s32 $_size_execute0_lowered;
	s3 =	sadd.s32 s3, s5;
	[dreg:$0x0] =	wrdreg $0x0  }
0xa8: {  	s5 =	sshll.u32 s28, $0x1;
	[dreg:$0x2] =	wrdreg s3  }
0xa9: {  	[dreg:$0x3] =	wrdreg s5  }
0xaa: {  	[dreg:$0x4] =	wrdreg $0xC0  }
0xab: {  	_ =	task [dreg:s7], $0x5FFFF  }
0xac: {  	[dreg:$0x1] =	wrdreg $0xFFFFFFFF  }
0xad: {  	[dreg:$0x0] =	wrdreg $0x60  }
0xae: {  	[dreg:$0x2] =	wrdreg s2  }
0xaf: {  	[dreg:$0x3] =	wrdreg s24  }
0xb0: {  	[dreg:$0x4] =	wrdreg $0xA8000  }
0xb1: {  	[dreg:$0x5] =	wrdreg $0x9  }
0xb2: {  	_ =	task.clear_ibuf [dreg:s7], $0x6FFFF;
	_ =	strace $0x9000004C  }
0xb3: {  	s29 =	simm.s32 $0x9;
	_ =	strace $0x8000004E  }
0xb4: {  	_ =	swait.ge [sflag:s29], $0x1  }
0xb5: {  	[sflag:s29] =	ssyncadd.s32 $0xFFFFFFFF  }
0xb6: {  	_ =	strace $0x9000004E  }
0xb7: {  	_ =	sfence  }
0xb8: {  	s30 =	sld [smem:$0x0];
	_ =	sdelay $0x2  }
0xb9: {  	s31 =	sshll.u32 s1, $0xD;
	s1 =	sshrl.u32 s1, $0x2  }
0xba: {  	s3 =	sand.u32 $0x4000, s31;
	s1 =	sadd.s32 s1, s30  }
0xbb: {  	s0 =	sor.u32 s3, s0;
	s1 =	sshll.u32 s1, $0x11  }
0xbc: {  	s0 =	sor.u32 s1, s0  }
0xbd: {  	s0 =	sadd.s32 $0x8F2B, s0  }
0xbe: {  	[sflag:s0] =	ssyncadd.remote.s32 $0x1  }
0xbf: {  	_ =	sfence.sel $0xFFFF  }
0xc0: {  	[dreg:$0x0] =	wrdreg $0xFFFFFFFF;
	(pc) =	sbr.abs _section_cstart, $3  }
0xc1: {  	[dreg:$0x1] =	wrdreg $0xFFFFFFFF  }
0xc2: {  	_ =	task.clear_ibuf [dreg:s7], $0x2FFFF;
	_ =	strace $0x9FFFFFFF  }
0xc3: {  	(tm) =	ssettm $0x7FFFFFFF  }
tec
execute0_lowered:
.L_overlay_start_1:
0x0: {  	(tag) =	ssettag $0x1  }
0x1: {  	s0 =	rddreg [dreg:$0x0]  }
0x2: {  	s5 =	rddreg [dreg:$0x1]  }
0x3: {  	s1 =	srdreg.scid;
	s3 =	rddreg [dreg:$0x2]  }
0x4: {  	s2 =	stileid.u32;
	s4 =	simm.s32 $0x0;
	s17 =	simm.s32 $0x3  }
0x5: {  	s18 =	simm.s32 $0x1400;
	s19 =	simm.s32 $0x7D;
	s20 =	simm.s32 $0x80  }
0x6: {  	s21 =	simm.s32 $0x6800;
	s22 =	simm.s32 $0x1;
	s23 =	simm.s32 $0x2  }
0x7: {  	s24 =	simm.s32 $0x2700;
	s6 =	sand.u32 $0x1, s1;
	s1 =	rddreg [dreg:$0x3]  }
0x8: {  	s25 =	simm.s32 $0x2780;
	s8 =	smul.u32 $0x14000, s2;
	[smem:$0x7FF] =	sst s4  }
0x9: {  	s12 =	sadd.s32 $0x5CA00, s5;
	s28 =	smul.u32 $0x50000, s2;
	s13 =	sadd.s32 $0x2A00, s5  }
0xa: {  	s7 =	smul.u32 $0x140000, s6;
	_ =	strace $0x8000004D;
	s29 =	sshll.u32 s6, $0x4  }
0xb: {  	s6 =	ssub.s32 $0x2, s6;
	s30 =	sshrl.u32 s28, $0x2;
	s31 =	sor.u32 s2, s29  }
0xc: {  	s9 =	sshrl.u32 s6, $0x1;
	s7 =	sadd.s32 s8, s7;
	s10 =	smul.u32 $0x2800, s31  }
0xd: {  	s15 =	ssub.s32 s6, s9;
	s11 =	smul.u32 $0x500, s31;
	s7 =	sshrl.u32 s7, $0x3  }
0xe: {  	s15 =	smax.u32 s15, $0x1;
	s14 =	sadd.s32 s7, s5;
	s5 =	sadd.s32 s30, s3  }
0xf: {  	s16 =	sshrl.u32 s10, $0x3;
	s10 =	sadd.s32 s12, s11;
	s11 =	sadd.s32 s13, s11  }
0x10: {  	s6 =	sadd.s32 $0x4000, s5;
	s7 =	sadd.s32 $0x8000, s5;
	s8 =	sadd.s32 $0xC000, s5  }
0x11: {  	s9 =	sadd.s32 $0x10000, s5;
	s16 =	sadd.s32 $0x280, s16;
	s14 =	sadd.s32 $0xCA00, s14  }
0x12: {  	v0 =	vimm.f32 $0.0e+00;
	s12 =	sadd.s32 s12, s16;
	s13 =	sadd.s32 s13, s16;
	s16 =	simm.s32 $0x2800  }
.LBB2_1:
0x13: {  	s26 =	simm.s32 $0x0;
	s28 =	simm.s32 $0x200  }
.LBB2_2:
0x14: {  	p0 =	sne.s32 s28, $0xFE00;
	[tilespmem:s26+$0x2870] =	vst v0  }
0x15: {  	[tilespmem:s26+$0x2800] =	vst v0  }
0x16: {  	[tilespmem:s26+$0x2810] =	vst v0  }
.Ltmp0:
0x17: {  	[tilespmem:s26+$0x2820] =	vst v0;
	(pc) =	sbr.rel @p0 .LBB2_2-.Ltmp0, $4  }
0x18: {  	[tilespmem:s26+$0x2830] =	vst v0  }
0x19: {  	[tilespmem:s26+$0x2840] =	vst v0  }
0x1a: {  	[tilespmem:s26+$0x2850] =	vst v0  }
0x1b: {  	[tilespmem:s26+$0x2860] =	vst v0;
	s26 =	sshra.s32 s28, $0x2;
	s28 =	sadd.s32 $0x200, s28  }
0x1c: {  	[tilespmem:s26+$0x2870] =	vst v0  }
0x1d: {  	[tilespmem:s26+$0x2800] =	vst v0  }
0x1e: {  	[tilespmem:s26+$0x2810] =	vst v0  }
0x1f: {  	[tilespmem:s26+$0x2820] =	vst v0  }
0x20: {  	[tilespmem:s26+$0x2830] =	vst v0  }
0x21: {  	[tilespmem:s26+$0x2840] =	vst v0  }
0x22: {  	[tilespmem:s26+$0x2850] =	vst v0  }
0x23: {  	[tilespmem:s26+$0x2860] =	vst v0  }
0x24: {  	[spmem:s5] =	stream.linear.scatter [tilespmem:s16], [sflag:$0x3], $0x4000, $0x38;
	[tilespmem:$0x1E800] =	vst v63  }
0x25: {  	_ =	swait.ge [sflag:s17], $0x4000  }
0x26: {  	[sflag:s17] =	ssyncset.done $0x0  }
0x27: {  	[sflag:s17] =	ssyncadd.s32 $0xFFFFC000  }
0x28: {  	[spmem:s6] =	stream.linear.scatter [tilespmem:s16], [sflag:$0x3], $0x4000, $0x38;
	[tilespmem:$0x1E800] =	vst v63  }
0x29: {  	_ =	swait.ge [sflag:s17], $0x4000  }
0x2a: {  	[sflag:s17] =	ssyncset.done $0x0  }
0x2b: {  	[sflag:s17] =	ssyncadd.s32 $0xFFFFC000  }
0x2c: {  	[spmem:s7] =	stream.linear.scatter [tilespmem:s16], [sflag:$0x3], $0x4000, $0x38;
	[tilespmem:$0x1E800] =	vst v63  }
0x2d: {  	_ =	swait.ge [sflag:s17], $0x4000  }
0x2e: {  	[sflag:s17] =	ssyncset.done $0x0  }
0x2f: {  	[sflag:s17] =	ssyncadd.s32 $0xFFFFC000  }
0x30: {  	[spmem:s8] =	stream.linear.scatter [tilespmem:s16], [sflag:$0x3], $0x4000, $0x38;
	[tilespmem:$0x1E800] =	vst v63  }
0x31: {  	_ =	swait.ge [sflag:s17], $0x4000  }
0x32: {  	[sflag:s17] =	ssyncset.done $0x0  }
0x33: {  	[sflag:s17] =	ssyncadd.s32 $0xFFFFC000  }
0x34: {  	[spmem:s9] =	stream.linear.scatter [tilespmem:s16], [sflag:$0x3], $0x4000, $0x38;
	[tilespmem:$0x1E800] =	vst v63  }
0x35: {  	_ =	swait.ge [sflag:s17], $0x4000  }
0x36: {  	[sflag:s17] =	ssyncset.done $0x0  }
0x37: {  	[sflag:s17] =	ssyncadd.s32 $0xFFFFC000  }
0x38: {  	s31 =	simm.s32 $0x0;
	[bflag:$0x0] =	sbarrier.arrive $0xFFFF  }
0x39: {  	[tilespmem:s31], [sflag:$0x3] =	stream.linear.gather [hbm4b:s10+s31], $0x1400, $0x38;
	[tilespmem:$0x1E800] =	vst v63  }
0x3a: {  	_ =	swait.ge [sflag:s17], $0x1400  }
0x3b: {  	[sflag:s17] =	ssyncset.done $0x0  }
0x3c: {  	[sflag:s17] =	ssyncadd.s32 $0xFFFFEC00  }
0x3d: {  	[tilespmem:s18], [sflag:$0x3] =	stream.linear.gather [hbm4b:s11+s31], $0x1400, $0x38;
	[tilespmem:$0x1E800] =	vst v63  }
0x3e: {  	_ =	swait.ge [sflag:s17], $0x1400  }
0x3f: {  	[sflag:s17] =	ssyncset.done $0x0  }
0x40: {  	[sflag:s17] =	ssyncadd.s32 $0xFFFFEC00  }
0x41: {  	[tilespmem:s16], [sflag:$0x1] =	stream.indirect.gather [hbm4b:s0+s19], $0x80, s31, s19, $0xb8;
	[tilespmem:$0x1E800] =	vst v63  }
0x42: {  	_ = 	snop  }
0x43: {  	[tilespmem:s21], [sflag:$0x2] =	stream.indirect.gather [hbm4b:s0+s19], $0x80, s20, s19, $0xb8;
	[tilespmem:$0x1E800] =	vst v63  }
0x44: {  	_ =	swait.ge [sflag:s22], $0x3E80  }
0x45: {  	[sflag:s22] =	ssyncset.done $0x0  }
0x46: {  	s29 =	simm.s32 $0x1400;
	[sflag:s22] =	ssyncadd.s32 $0xFFFFC180  }
0x47: {  	[spmem:s3] =	stream.indirect.scatter.add.f32 [tilespmem:s16], [sflag:$0x3], $0x80, s29, s19, $0xb8;
	[tilespmem:$0x1E800] =	vst v63  }
0x48: {  	_ =	swait.ge [sflag:s17], $0x3E80  }
0x49: {  	[sflag:s17] =	ssyncset.done $0x0  }
0x4a: {  	s30 =	simm.s32 $0x100;
	[sflag:s17] =	ssyncadd.s32 $0xFFFFC180  }
0x4b: {  	[tilespmem:s16], [sflag:$0x1] =	stream.indirect.gather [hbm4b:s0+s19], $0x80, s30, s19, $0xb8;
	[tilespmem:$0x1E800] =	vst v63  }
0x4c: {  	_ =	swait.ge [sflag:s23], $0x3E80  }
0x4d: {  	[sflag:s23] =	ssyncset.done $0x0  }
0x4e: {  	s31 =	simm.s32 $0x1480;
	[sflag:s23] =	ssyncadd.s32 $0xFFFFC180  }
0x4f: {  	[spmem:s3] =	stream.indirect.scatter.add.f32 [tilespmem:s21], [sflag:$0x3], $0x80, s31, s19, $0xb8;
	[tilespmem:$0x1E800] =	vst v63  }
0x50: {  	_ =	swait.ge [sflag:s17], $0x3E80  }
0x51: {  	[sflag:s17] =	ssyncset.done $0x0  }
0x52: {  	s26 =	simm.s32 $0x400;
	s28 =	simm.s32 $0x180;
	[sflag:s17] =	ssyncadd.s32 $0xFFFFC180  }
.LBB2_4:
0x53: {  	[tilespmem:s21], [sflag:$0x2] =	stream.indirect.gather [hbm4b:s0+s19], $0x80, s28, s19, $0xb8;
	[tilespmem:$0x1E800] =	vst v63  }
0x54: {  	s28 =	smov.u32 s26  }
0x55: {  	p0 =	sne.s32 s26, $0x4800;
	s26 =	sadd.s32 $0x400, s26;
	_ =	swait.ge [sflag:s22], $0x3E80  }
0x56: {  	s28 =	sshra.s32 s28, $0x2;
	[sflag:s22] =	ssyncset.done $0x0  }
0x57: {  	s29 =	sadd.s32 $0x1400, s28;
	[sflag:s22] =	ssyncadd.s32 $0xFFFFC180  }
0x58: {  	[spmem:s3] =	stream.indirect.scatter.add.f32 [tilespmem:s16], [sflag:$0x3], $0x80, s29, s19, $0xb8;
	[tilespmem:$0x1E800] =	vst v63  }
0x59: {  	_ =	swait.ge [sflag:s17], $0x3E80  }
0x5a: {  	[sflag:s17] =	ssyncset.done $0x0  }
0x5b: {  	s29 =	sadd.s32 $0x100, s28;
	[sflag:s17] =	ssyncadd.s32 $0xFFFFC180  }
0x5c: {  	[tilespmem:s16], [sflag:$0x1] =	stream.indirect.gather [hbm4b:s0+s19], $0x80, s29, s19, $0xb8;
	[tilespmem:$0x1E800] =	vst v63  }
0x5d: {  	_ =	swait.ge [sflag:s23], $0x3E80  }
0x5e: {  	[sflag:s23] =	ssyncset.done $0x0  }
.Ltmp1:
0x5f: {  	s29 =	sadd.s32 $0x1480, s28;
	[sflag:s23] =	ssyncadd.s32 $0xFFFFC180;
	(pc) =	sbr.rel @p0 .LBB2_4-.Ltmp1, $4  }
0x60: {  	[spmem:s3] =	stream.indirect.scatter.add.f32 [tilespmem:s21], [sflag:$0x3], $0x80, s29, s19, $0xb8;
	[tilespmem:$0x1E800] =	vst v63  }
0x61: {  	_ =	swait.ge [sflag:s17], $0x3E80  }
0x62: {  	[sflag:s17] =	ssyncset.done $0x0  }
0x63: {  	s28 =	sadd.s32 $0x180, s28;
	[sflag:s17] =	ssyncadd.s32 $0xFFFFC180  }
0x64: {  	[tilespmem:s21], [sflag:$0x2] =	stream.indirect.gather [hbm4b:s0+s19], $0x80, s28, s19, $0xb8;
	[tilespmem:$0x1E800] =	vst v63  }
0x65: {  	_ =	swait.ge [sflag:s22], $0x3E80  }
0x66: {  	[sflag:s22] =	ssyncset.done $0x0  }
0x67: {  	[sflag:s22] =	ssyncadd.s32 $0xFFFFC180  }
0x68: {  	[spmem:s3] =	stream.indirect.scatter.add.f32 [tilespmem:s16], [sflag:$0x3], $0x80, s24, s19, $0xb8;
	[tilespmem:$0x1E800] =	vst v63  }
0x69: {  	_ =	swait.ge [sflag:s17], $0x3E80  }
0x6a: {  	[sflag:s17] =	ssyncset.done $0x0  }
0x6b: {  	[sflag:s17] =	ssyncadd.s32 $0xFFFFC180  }
0x6c: {  	_ =	swait.ge [sflag:s23], $0x3E80  }
0x6d: {  	[sflag:s23] =	ssyncset.done $0x0  }
0x6e: {  	[sflag:s23] =	ssyncadd.s32 $0xFFFFC180  }
0x6f: {  	[spmem:s3] =	stream.indirect.scatter.add.f32 [tilespmem:s21], [sflag:$0x3], $0x80, s25, s19, $0xb8;
	[tilespmem:$0x1E800] =	vst v63  }
0x70: {  	_ =	swait.ge [sflag:s17], $0x3E80  }
0x71: {  	[sflag:s17] =	ssyncset.done $0x0  }
0x72: {  	s26 =	simm.s32 $0x0;
	[sflag:s17] =	ssyncadd.s32 $0xFFFFC180  }
0x73: {  	[tilespmem:s26], [sflag:$0x3] =	stream.linear.gather [hbm4b:s12+s26], $0x1400, $0x38;
	[tilespmem:$0x1E800] =	vst v63  }
0x74: {  	_ =	swait.ge [sflag:s17], $0x1400  }
0x75: {  	[sflag:s17] =	ssyncset.done $0x0  }
0x76: {  	[sflag:s17] =	ssyncadd.s32 $0xFFFFEC00  }
0x77: {  	[tilespmem:s18], [sflag:$0x3] =	stream.linear.gather [hbm4b:s13+s26], $0x1400, $0x38;
	[tilespmem:$0x1E800] =	vst v63  }
0x78: {  	_ =	swait.ge [sflag:s17], $0x1400  }
0x79: {  	[sflag:s17] =	ssyncset.done $0x0  }
0x7a: {  	[sflag:s17] =	ssyncadd.s32 $0xFFFFEC00  }
0x7b: {  	[tilespmem:s16], [sflag:$0x1] =	stream.indirect.gather [hbm4b:s0+s19], $0x80, s26, s19, $0xb8;
	[tilespmem:$0x1E800] =	vst v63  }
0x7c: {  	_ = 	snop  }
0x7d: {  	[tilespmem:s21], [sflag:$0x2] =	stream.indirect.gather [hbm4b:s0+s19], $0x80, s20, s19, $0xb8;
	[tilespmem:$0x1E800] =	vst v63  }
0x7e: {  	_ =	swait.ge [sflag:s22], $0x3E80  }
0x7f: {  	[sflag:s22] =	ssyncset.done $0x0  }
0x80: {  	s29 =	simm.s32 $0x1400;
	[sflag:s22] =	ssyncadd.s32 $0xFFFFC180  }
0x81: {  	[spmem:s3] =	stream.indirect.scatter.add.f32 [tilespmem:s16], [sflag:$0x3], $0x80, s29, s19, $0xb8;
	[tilespmem:$0x1E800] =	vst v63  }
0x82: {  	_ =	swait.ge [sflag:s17], $0x3E80  }
0x83: {  	[sflag:s17] =	ssyncset.done $0x0  }
0x84: {  	s30 =	simm.s32 $0x100;
	[sflag:s17] =	ssyncadd.s32 $0xFFFFC180  }
0x85: {  	[tilespmem:s16], [sflag:$0x1] =	stream.indirect.gather [hbm4b:s0+s19], $0x80, s30, s19, $0xb8;
	[tilespmem:$0x1E800] =	vst v63  }
0x86: {  	_ =	swait.ge [sflag:s23], $0x3E80  }
0x87: {  	[sflag:s23] =	ssyncset.done $0x0  }
0x88: {  	s31 =	simm.s32 $0x1480;
	[sflag:s23] =	ssyncadd.s32 $0xFFFFC180  }
0x89: {  	[spmem:s3] =	stream.indirect.scatter.add.f32 [tilespmem:s21], [sflag:$0x3], $0x80, s31, s19, $0xb8;
	[tilespmem:$0x1E800] =	vst v63  }
0x8a: {  	_ =	swait.ge [sflag:s17], $0x3E80  }
0x8b: {  	[sflag:s17] =	ssyncset.done $0x0  }
0x8c: {  	s28 =	simm.s32 $0x180;
	s26 =	simm.s32 $0x400;
	[sflag:s17] =	ssyncadd.s32 $0xFFFFC180  }
.LBB2_6:
0x8d: {  	[tilespmem:s21], [sflag:$0x2] =	stream.indirect.gather [hbm4b:s0+s19], $0x80, s28, s19, $0xb8;
	[tilespmem:$0x1E800] =	vst v63  }
0x8e: {  	s28 =	smov.u32 s26  }
0x8f: {  	p0 =	sne.s32 s26, $0x4800;
	s26 =	sadd.s32 $0x400, s26;
	_ =	swait.ge [sflag:s22], $0x3E80  }
0x90: {  	s28 =	sshra.s32 s28, $0x2;
	[sflag:s22] =	ssyncset.done $0x0  }
0x91: {  	s29 =	sadd.s32 $0x1400, s28;
	[sflag:s22] =	ssyncadd.s32 $0xFFFFC180  }
0x92: {  	[spmem:s3] =	stream.indirect.scatter.add.f32 [tilespmem:s16], [sflag:$0x3], $0x80, s29, s19, $0xb8;
	[tilespmem:$0x1E800] =	vst v63  }
0x93: {  	_ =	swait.ge [sflag:s17], $0x3E80  }
0x94: {  	[sflag:s17] =	ssyncset.done $0x0  }
0x95: {  	s29 =	sadd.s32 $0x100, s28;
	[sflag:s17] =	ssyncadd.s32 $0xFFFFC180  }
0x96: {  	[tilespmem:s16], [sflag:$0x1] =	stream.indirect.gather [hbm4b:s0+s19], $0x80, s29, s19, $0xb8;
	[tilespmem:$0x1E800] =	vst v63  }
0x97: {  	_ =	swait.ge [sflag:s23], $0x3E80  }
0x98: {  	[sflag:s23] =	ssyncset.done $0x0  }
.Ltmp2:
0x99: {  	s29 =	sadd.s32 $0x1480, s28;
	[sflag:s23] =	ssyncadd.s32 $0xFFFFC180;
	(pc) =	sbr.rel @p0 .LBB2_6-.Ltmp2, $4  }
0x9a: {  	[spmem:s3] =	stream.indirect.scatter.add.f32 [tilespmem:s21], [sflag:$0x3], $0x80, s29, s19, $0xb8;
	[tilespmem:$0x1E800] =	vst v63  }
0x9b: {  	_ =	swait.ge [sflag:s17], $0x3E80  }
0x9c: {  	[sflag:s17] =	ssyncset.done $0x0  }
0x9d: {  	s28 =	sadd.s32 $0x180, s28;
	[sflag:s17] =	ssyncadd.s32 $0xFFFFC180  }
0x9e: {  	[tilespmem:s21], [sflag:$0x2] =	stream.indirect.gather [hbm4b:s0+s19], $0x80, s28, s19, $0xb8;
	[tilespmem:$0x1E800] =	vst v63  }
0x9f: {  	_ =	swait.ge [sflag:s22], $0x3E80  }
0xa0: {  	[sflag:s22] =	ssyncset.done $0x0  }
0xa1: {  	[sflag:s22] =	ssyncadd.s32 $0xFFFFC180  }
0xa2: {  	[spmem:s3] =	stream.indirect.scatter.add.f32 [tilespmem:s16], [sflag:$0x3], $0x80, s24, s19, $0xb8;
	[tilespmem:$0x1E800] =	vst v63  }
0xa3: {  	_ =	swait.ge [sflag:s17], $0x3E80  }
0xa4: {  	[sflag:s17] =	ssyncset.done $0x0  }
0xa5: {  	[sflag:s17] =	ssyncadd.s32 $0xFFFFC180  }
0xa6: {  	_ =	swait.ge [sflag:s23], $0x3E80  }
0xa7: {  	[sflag:s23] =	ssyncset.done $0x0  }
0xa8: {  	[sflag:s23] =	ssyncadd.s32 $0xFFFFC180  }
0xa9: {  	[spmem:s3] =	stream.indirect.scatter.add.f32 [tilespmem:s21], [sflag:$0x3], $0x80, s25, s19, $0xb8;
	[tilespmem:$0x1E800] =	vst v63  }
0xaa: {  	_ =	swait.ge [sflag:s17], $0x3E80  }
0xab: {  	s26 =	sshll.u32 s2, $0x6;
	s4 =	sadd.s32 $0x1, s4;
	[sflag:s17] =	ssyncset.done $0x0  }
0xac: {  	s31 =	sshrl.u32 s5, $0x3;
	p0 =	sne.s32 s4, s15;
	[sflag:s17] =	ssyncadd.s32 $0xFFFFC180  }
.Ltmp3:
0xad: {  	s26 =	sor.u32 $0x1C03, s26;
	[bflag:$0x0] =	sbarrier.arrive $0xFFFF;
	(pc) =	sbr.rel @p0 .LBB2_1-.Ltmp3, $4  }
0xae: {  	[hbm:s14], [sflag:s26] =	dma.local [spmem:s31], $0x2800  }
0xaf: {  	_ =	swait.ge [sflag:s17], $0x2800  }
0xb0: {  	[sflag:s17] =	ssyncset.done $0x0  }
0xb1: {  	[sflag:s17] =	ssyncadd.s32 $0xFFFFD800  }
0xb2: {  	_ =	sfence.sel $0x180000  }
0xb3: {  	[bflag:$0x0] =	sbarrier.arrive $0xFFFF  }
0xb4: {  	p0 =	sne.s32 s2, $0x0;
	_ =	strace $0x9000004D  }
0xb5: {  	s0 =	sadd.s32 @!p0 $0x100000, s1;
	[bflag:$0x2] =	sbarrier.arrive $0xFFFF  }
0xb6: {  	[sflag:s0] =	ssyncadd.tile.s32 @!p0 $0x1;
	_ =	shalt  }
.Lfunc_end2:
_tile_overlayer_lowered:
.L_overlay_start_2:
0xb7: {  	(tag) =	ssettag $0x2  }
0xb8: {  	s0 =	rddreg [dreg:$0x0];
	s2 =	stileid.u32  }
0xb9: {  	s1 =	rddreg [dreg:$0x1];
	p0 =	sne.s32 s2, $0x0  }
0xba: {  	s3 =	rddreg [dreg:$0x2];
	[bflag:$0x3] =	sbarrier.arrive $0xFFFF;
	s2 =	simm.s32 @!p0 $0x1C03  }
0xbb: {  	[timem:s3], [sflag:s2] =	dma.local @!p0 [hbm:s0], s1  }
0xbc: {  	s0 =	simm.s32 @!p0 $0x3  }
0xbd: {  	_ =	swait.ge @!p0 [sflag:s0], s1  }
0xbe: {  	s1 =	ssub.s32 @!p0 $0x0, s1;
	[sflag:s0] =	ssyncset.done @!p0 $0x0  }
0xbf: {  	[sflag:s0] =	ssyncadd.s32 @!p0 s1  }
0xc0: {  	[bflag:$0x3] =	sbarrier.arrive $0xFFFF  }
0xc1: {  	_ =	shalt  }

// kernel: kernel.9.cloned.1.call-start
scs
__scs_entry_jumppad:
0x0: {  	(pc) =	sbr.rel $0x88, $3  }
0x1: {  	(tag) =	ssettag $0x0;
	lr =	simm.s32 $0x1  }
0x2: {  	[smem:$0x3F9B] =	sst lr;
	_ =	strace $0xD0000000  }
0x3: {  	_ = 	snop  }
0x4: {  	_ = 	snop  }
0x5: {  	_ = 	snop  }
0x6: {  	_ = 	snop  }
0x7: {  	_ = 	snop  }
__scs_overlays_trampoline_lowered:
0x8: {  	[smem:$0x3FAA] =	sst s0  }
0x9: {  	[smem:$0x3FAB] =	sst s1  }
0xa: {  	[smem:$0x3FAC] =	sst s2  }
0xb: {  	[smem:$0x3FAD] =	sst s3  }
0xc: {  	[smem:$0x3FAE] =	sst s4  }
0xd: {  	[smem:$0x3FAF] =	sst s5  }
0xe: {  	[smem:$0x3FB0] =	sst s6  }
0xf: {  	[smem:$0x3FB1] =	sst s7  }
0x10: {  	[smem:$0x3FB2] =	sst s8  }
0x11: {  	[smem:$0x3FB3] =	sst s9;
	s0 =	simm.s32 @!p0 $0x0  }
0x12: {  	s1 =	sld [smem:$0x3F99];
	s0 =	simm.s32 @p0 $0x1  }
0x13: {  	[smem:$0x3FB4] =	sst s0;
	s0 =	simm.s32 @!p1 $0x0  }
0x14: {  	s2 =	sld [smem:$0x3F98];
	s0 =	simm.s32 @p1 $0x1  }
0x15: {  	[smem:$0x3FB5] =	sst s0;
	s0 =	simm.s32 @!p2 $0x0  }
0x16: {  	s3 =	sld [smem:$0x3FDB];
	s0 =	simm.s32 @p2 $0x1  }
0x17: {  	s4 =	simm.s32 $0x1BF5;
	[smem:$0x3FB7] =	sst s0  }
0x18: {  	s0 =	sld [smem:$0x3F9A];
	_ =	swait.ge [sflag:s4], $0x0  }
0x19: {  	s7 =	sld [smem:$0x3F9B]  }
0x1a: {  	s8 =	sadd.s32 $0xFFFFE003, lr  }
0x1b: {  	s9 =	sadd.s32 $0xFFFFFEF7, lr;
	s5 =	simm.s32 $0xFFFFFFFF;
	p2 =	slt.u32 s8, $0xFFFFF086  }
0x1c: {  	p1 =	slt.u32 s9, $0xF7A;
	s5 =	simm.s32 @!p2 $0x0  }
0x1d: {  	s5 =	simm.s32 @p1 $0x1;
	p0 =	seq.s32 s7, s2  }
0x1e: {  	s7 =	smul.u32 @!p0 $0xF7A, s2;
	p2 =	seq.s32 @!p0 s5, $0x0  }
0x1f: {  	s9 =	smul.u32 $0xF7A, s1;
	s8 =	simm.s32 @!p0 $0x1BF5;
	p2 =	por !p2, p0  }
0x20: {  	[sflag:s8] =	ssyncset.s32 @!p0 $0xFFFFF086;
	s6 =	sadd.s32 @!p0 s3, s7;
	s7 =	simm.s32 @!p0 $0x108  }
0x21: {  	s3 =	sadd.s32 s3, s9;
	s6 =	sadd.s32 @!p0 $0x88, s6;
	s7 =	simm.s32 @p2 $0x1082  }
0x22: {  	[simem:s7], [sflag:s8] =	dma.local @!p0 [hbm:s6], $0xF7A  }
0x23: {  	s9 =	sor.u32 $0xD0000000, s2;
	s6 =	simm.s32 $0x108;
	_ =	swait.ge @!p0 [sflag:s8], $0x0  }
0x24: {  	s3 =	sadd.s32 $0x88, s3;
	s6 =	simm.s32 @!p1 $0x1082;
	[sflag:s4] =	ssyncset.s32 $0xFFFFF086  }
0x25: {  	[simem:s6], [sflag:s4] =	dma.local [hbm:s3], $0xF7A  }
0x26: {  	[smem:$0x3F9B] =	sst s1;
	(tag) =	ssettag s2;
	_ =	strace s9  }
0x27: {  	s1 =	sld [smem:$0x3FAB]  }
0x28: {  	s2 =	sld [smem:$0x3FAC]  }
0x29: {  	s4 =	sld [smem:$0x3FAE]  }
0x2a: {  	p0 =	seq.s32 s5, $0x0;
	s5 =	sld [smem:$0x3FAF]  }
0x2b: {  	s6 =	sld [smem:$0x3FB0]  }
0x2c: {  	s7 =	sld [smem:$0x3FB1]  }
0x2d: {  	s3 =	simm.s32 $0x108;
	s8 =	sld [smem:$0x3FB2]  }
0x2e: {  	s3 =	simm.s32 @!p0 $0x1082;
	s9 =	sld [smem:$0x3FB3]  }
0x2f: {  	lr =	sadd.s32 s0, s3;
	s0 =	sld [smem:$0x3FAA]  }
0x30: {  	s3 =	sld [smem:$0x3FAD]  }
0x31: {  	[smem:$0x3FB6] =	sst s10  }
0x32: {  	s10 =	sld [smem:$0x3FB4];
	_ =	sdelay $0x3  }
0x33: {  	p0 =	seq.s32 s10, $0x1;
	s10 =	sld [smem:$0x3FB6];
	_ =	sdelay $0x3  }
0x34: {  	[smem:$0x3FB6] =	sst s10  }
0x35: {  	s10 =	sld [smem:$0x3FB5];
	_ =	sdelay $0x3  }
0x36: {  	p1 =	seq.s32 s10, $0x1;
	s10 =	sld [smem:$0x3FB6];
	_ =	sdelay $0x3  }
0x37: {  	[smem:$0x3FB6] =	sst s10  }
0x38: {  	s10 =	sld [smem:$0x3FB7]  }
0x39: {  	_ = 	snop;
	(pc) =	sbr.ind lr, $3  }
0x3a: {  	_ = 	snop  }
0x3b: {  	_ = 	snop  }
0x3c: {  	p2 =	seq.s32 s10, $0x1;
	s10 =	sld [smem:$0x3FB6]  }
0x3d: {  	_ =	shalt  }
0x3e: {  	_ =	shalt  }
0x3f: {  	_ =	shalt  }
0x40: {  	_ =	shalt  }
0x41: {  	_ =	shalt  }
0x42: {  	_ =	shalt  }
0x43: {  	_ =	shalt  }
0x44: {  	_ =	shalt  }
0x45: {  	_ =	shalt  }
0x46: {  	_ =	shalt  }
0x47: {  	_ =	shalt  }
0x48: {  	_ =	shalt  }
0x49: {  	_ =	shalt  }
0x4a: {  	_ =	shalt  }
0x4b: {  	_ =	shalt  }
0x4c: {  	_ =	shalt  }
0x4d: {  	_ =	shalt  }
0x4e: {  	_ =	shalt  }
0x4f: {  	_ =	shalt  }
0x50: {  	_ =	shalt  }
0x51: {  	_ =	shalt  }
0x52: {  	_ =	shalt  }
0x53: {  	_ =	shalt  }
0x54: {  	_ =	shalt  }
0x55: {  	_ =	shalt  }
0x56: {  	_ =	shalt  }
0x57: {  	_ =	shalt  }
0x58: {  	_ =	shalt  }
0x59: {  	_ =	shalt  }
0x5a: {  	_ =	shalt  }
0x5b: {  	_ =	shalt  }
0x5c: {  	_ =	shalt  }
0x5d: {  	_ =	shalt  }
0x5e: {  	_ =	shalt  }
0x5f: {  	_ =	shalt  }
0x60: {  	_ =	shalt  }
0x61: {  	_ =	shalt  }
0x62: {  	_ =	shalt  }
0x63: {  	_ =	shalt  }
0x64: {  	_ =	shalt  }
0x65: {  	_ =	shalt  }
0x66: {  	_ =	shalt  }
0x67: {  	_ =	shalt  }
0x68: {  	_ =	shalt  }
0x69: {  	_ =	shalt  }
0x6a: {  	_ =	shalt  }
0x6b: {  	_ =	shalt  }
0x6c: {  	_ =	shalt  }
0x6d: {  	_ =	shalt  }
0x6e: {  	_ =	shalt  }
0x6f: {  	_ =	shalt  }
0x70: {  	_ =	shalt  }
0x71: {  	_ =	shalt  }
0x72: {  	_ =	shalt  }
0x73: {  	_ =	shalt  }
0x74: {  	_ =	shalt  }
0x75: {  	_ =	shalt  }
0x76: {  	_ =	shalt  }
0x77: {  	_ =	shalt  }
0x78: {  	_ =	shalt  }
0x79: {  	_ =	shalt  }
0x7a: {  	_ =	shalt  }
0x7b: {  	_ =	shalt  }
0x7c: {  	_ =	shalt  }
0x7d: {  	_ =	shalt  }
0x7e: {  	_ =	shalt  }
0x7f: {  	_ =	shalt  }
0x80: {  	_ =	shalt  }
0x81: {  	_ =	shalt  }
0x82: {  	_ =	shalt  }
0x83: {  	_ =	shalt  }
0x84: {  	_ =	shalt  }
0x85: {  	_ =	shalt  }
0x86: {  	_ =	shalt  }
0x87: {  	_ =	shalt  }
.Lfunc_end0:
.L_simem_size_0:
called_computation_lowered:
.L_overlay_start_0:
0x88: {  	s2 =	sld [smem:$0x3FD9]  }
0x89: {  	s3 =	sld [smem:$0x3FFE];
	_ =	sdelay $0x1  }
0x8a: {  	s1 =	srdreg.scid  }
0x8b: {  	s0 =	sand.u32 $0x1, s1  }
0x8c: {  	s16 =	sshll.u32 s0, $0xA;
	s2 =	sadd.s32 s3, s2  }
0x8d: {  	s2 =	sadd.s32 s2, s16  }
0x8e: {  	[smem:$0x3FC2] =	sst s2  }
0x8f: {  	_ = 	snop  }
0x90: {  	(tm) =	ssettm $0x1  }
0x91: {  	s17 =	sld [smem:$0x3FFB];
	_ =	sdelay $0x3  }
0x92: {  	_ =	strace s17  }
0x93: {  	s2 =	sld [smem:$0x3FFC];
	_ =	sdelay $0x3  }
0x94: {  	_ =	strace s2  }
0x95: {  	s2 =	sld [smem:$0x3FFD];
	_ =	sdelay $0x3  }
0x96: {  	_ =	strace s2  }
0x97: {  	_ =	strace $0x8FFFFFFF  }
0x98: {  	s18 =	sld [smem:$0x3FDB];
	_ =	sdelay $0x1  }
0x99: {  	s19 =	simm.s32 $_scs_section_size  }
0x9a: {  	s4 =	simm.s32 $_size__tile_overlayer_lowered;
	s5 =	simm.s32 $_tile_overlayer_lowered  }
0x9b: {  	s22 =	simm.s32 $0x1BFF;
	s21 =	sshll.u32 s5, $0x1;
	s2 =	sadd.s32 s19, s18  }
0x9c: {  	s6 =	simm.s32 $0x0;
	s20 =	sshll.u32 s4, $0x1;
	s4 =	sadd.s32 s21, s2  }
0x9d: {  	[timem:s6], [sflag:s22] =	dma.local [hbm:s4], s20  }
0x9e: {  	_ =	swait.ge [sflag:s22], s20  }
0x9f: {  	s3 =	ssub.s32 $0x0, s20;
	[sflag:s22] =	ssyncset.done $0x0  }
0xa0: {  	[sflag:s22] =	ssyncadd.s32 s3;
	_ =	sdelay $0x1  }
0xa1: {  	s23 =	simm.s32 $0x1B8B  }
0xa2: {  	_ =	swait.ge [sflag:s23], $0x1  }
0xa3: {  	[sflag:s23] =	ssyncset.done $0x0  }
0xa4: {  	s25 =	simm.s32 $0x1B8E;
	s24 =	sld [smem:$0x3FFE];
	[sflag:s23] =	ssyncadd.s32 $0xFFFFFFFF  }
0xa5: {  	s26 =	simm.s32 $execute0_lowered;
	[smem:$0x3FD2] =	sst s25  }
0xa6: {  	s4 =	sshll.u32 s26, $0x1;
	_ =	strace $0x80000046;
	[dreg:$0x1] =	wrdreg $0xFFFFFFFF  }
0xa7: {  	s28 =	simm.s32 $_size_execute0_lowered;
	s2 =	sadd.s32 s2, s4;
	[dreg:$0x0] =	wrdreg $0x0  }
0xa8: {  	s4 =	sshll.u32 s28, $0x1;
	[dreg:$0x2] =	wrdreg s2  }
0xa9: {  	[dreg:$0x3] =	wrdreg s4  }
0xaa: {  	[dreg:$0x4] =	wrdreg $0xC0  }
0xab: {  	_ =	task [dreg:s6], $0x5FFFF  }
0xac: {  	[dreg:$0x1] =	wrdreg $0xFFFFFFFF  }
0xad: {  	[dreg:$0x0] =	wrdreg $0x60  }
0xae: {  	[dreg:$0x2] =	wrdreg s24  }
0xaf: {  	[dreg:$0x3] =	wrdreg $0x68000  }
0xb0: {  	[dreg:$0x4] =	wrdreg $0x9  }
0xb1: {  	_ =	task.clear_ibuf [dreg:s6], $0x5FFFF;
	_ =	strace $0x90000046  }
0xb2: {  	s29 =	simm.s32 $0x9;
	_ =	strace $0x80000048  }
0xb3: {  	_ =	swait.ge [sflag:s29], $0x1  }
0xb4: {  	[sflag:s29] =	ssyncadd.s32 $0xFFFFFFFF  }
0xb5: {  	_ =	strace $0x90000048  }
0xb6: {  	_ =	sfence  }
0xb7: {  	s30 =	sld [smem:$0x0];
	_ =	sdelay $0x2  }
0xb8: {  	s31 =	sshll.u32 s1, $0xD;
	s1 =	sshrl.u32 s1, $0x2  }
0xb9: {  	s3 =	sand.u32 $0x4000, s31;
	s1 =	sadd.s32 s1, s30  }
0xba: {  	s0 =	sor.u32 s3, s0;
	s1 =	sshll.u32 s1, $0x11  }
0xbb: {  	s0 =	sor.u32 s1, s0  }
0xbc: {  	s0 =	sadd.s32 $0x8F2B, s0  }
0xbd: {  	[sflag:s0] =	ssyncadd.remote.s32 $0x1  }
0xbe: {  	_ =	sfence.sel $0xFFFF  }
0xbf: {  	[dreg:$0x0] =	wrdreg $0xFFFFFFFF;
	(pc) =	sbr.abs _section_cstart, $3  }
0xc0: {  	[dreg:$0x1] =	wrdreg $0xFFFFFFFF  }
0xc1: {  	_ =	task.clear_ibuf [dreg:s6], $0x2FFFF;
	_ =	strace $0x9FFFFFFF  }
0xc2: {  	(tm) =	ssettm $0x7FFFFFFF  }
0xc3: {  	_ =	shalt  }
tec
execute0_lowered:
.L_overlay_start_1:
0x0: {  	(tag) =	ssettag $0x1  }
0x1: {  	s0 =	srdreg.scid;
	s5 =	rddreg [dreg:$0x0]  }
0x2: {  	s2 =	rddreg [dreg:$0x1];
	s4 =	sand.u32 $0x1, s0  }
0x3: {  	s3 =	simm.s32 $0x0;
	s0 =	stileid.u32;
	s7 =	smul.u32 $0x140000, s4  }
0x4: {  	s13 =	simm.s32 $0x1;
	s14 =	simm.s32 $0x7D;
	s8 =	smul.u32 $0x14000, s0  }
0x5: {  	[smem:$0x7FF] =	sst s3;
	s1 =	sshll.u32 s4, $0x4;
	s9 =	smul.u32 $0x50000, s0  }
0x6: {  	s29 =	ssub.s32 $0x2, s4;
	s15 =	sshll.u32 s0, $0x6;
	s1 =	sor.u32 s0, s1  }
0x7: {  	s31 =	sshrl.u32 s29, $0x1;
	s15 =	sor.u32 $0x1C01, s15;
	s6 =	smul.u32 $0x500, s1  }
0x8: {  	s1 =	rddreg [dreg:$0x2];
	_ =	strace $0x80000047;
	s30 =	sshrl.u32 s9, $0x2  }
0x9: {  	s28 =	sadd.s32 s8, s7;
	s12 =	ssub.s32 s29, s31;
	s4 =	sadd.s32 s30, s2  }
0xa: {  	s10 =	sadd.s32 s6, s5;
	s6 =	sshrl.u32 s28, $0x3;
	s7 =	sadd.s32 $0xC000, s4  }
0xb: {  	s8 =	sadd.s32 $0x10000, s4;
	s16 =	sshrl.u32 s4, $0x3;
	s11 =	sadd.s32 s6, s5  }
0xc: {  	s5 =	sadd.s32 $0x4000, s4;
	s6 =	sadd.s32 $0x8000, s4;
	s9 =	sadd.s32 $0x2A00, s10  }
0xd: {  	v0 =	vimm.f32 $0.0e+00;
	v1 =	vimm.f32 $1.000000000e+00;
	s10 =	sadd.s32 $0xCA00, s11;
	s11 =	smax.u32 s12, $0x1;
	s12 =	simm.s32 $0x2800  }
.LBB2_1:
0xe: {  	s17 =	simm.s32 $0x0;
	s18 =	simm.s32 $0x200  }
.LBB2_2:
0xf: {  	p0 =	sne.s32 s18, $0xFE00;
	[tilespmem:s17+$0x2870] =	vst v0  }
0x10: {  	[tilespmem:s17+$0x2800] =	vst v0  }
0x11: {  	[tilespmem:s17+$0x2810] =	vst v0  }
.Ltmp0:
0x12: {  	[tilespmem:s17+$0x2820] =	vst v0;
	(pc) =	sbr.rel @p0 .LBB2_2-.Ltmp0, $4  }
0x13: {  	[tilespmem:s17+$0x2830] =	vst v0  }
0x14: {  	[tilespmem:s17+$0x2840] =	vst v0  }
0x15: {  	[tilespmem:s17+$0x2850] =	vst v0  }
0x16: {  	[tilespmem:s17+$0x2860] =	vst v0;
	s17 =	sshra.s32 s18, $0x2;
	s18 =	sadd.s32 $0x200, s18  }
0x17: {  	[tilespmem:s17+$0x2870] =	vst v0  }
0x18: {  	[tilespmem:s17+$0x2800] =	vst v0  }
0x19: {  	[tilespmem:s17+$0x2810] =	vst v0  }
0x1a: {  	[tilespmem:s17+$0x2820] =	vst v0  }
0x1b: {  	[tilespmem:s17+$0x2830] =	vst v0  }
0x1c: {  	[tilespmem:s17+$0x2840] =	vst v0  }
0x1d: {  	[tilespmem:s17+$0x2850] =	vst v0  }
0x1e: {  	[tilespmem:s17+$0x2860] =	vst v0  }
0x1f: {  	[spmem:s4] =	stream.linear.scatter [tilespmem:s12], [sflag:$0x1], $0x4000, $0x38;
	[tilespmem:$0x1A800] =	vst v63  }
0x20: {  	_ =	swait.ge [sflag:s13], $0x4000  }
0x21: {  	[sflag:s13] =	ssyncset.done $0x0  }
0x22: {  	[sflag:s13] =	ssyncadd.s32 $0xFFFFC000  }
0x23: {  	[spmem:s5] =	stream.linear.scatter [tilespmem:s12], [sflag:$0x1], $0x4000, $0x38;
	[tilespmem:$0x1A800] =	vst v63  }
0x24: {  	_ =	swait.ge [sflag:s13], $0x4000  }
0x25: {  	[sflag:s13] =	ssyncset.done $0x0  }
0x26: {  	[sflag:s13] =	ssyncadd.s32 $0xFFFFC000  }
0x27: {  	[spmem:s6] =	stream.linear.scatter [tilespmem:s12], [sflag:$0x1], $0x4000, $0x38;
	[tilespmem:$0x1A800] =	vst v63  }
0x28: {  	_ =	swait.ge [sflag:s13], $0x4000  }
0x29: {  	[sflag:s13] =	ssyncset.done $0x0  }
0x2a: {  	[sflag:s13] =	ssyncadd.s32 $0xFFFFC000  }
0x2b: {  	[spmem:s7] =	stream.linear.scatter [tilespmem:s12], [sflag:$0x1], $0x4000, $0x38;
	[tilespmem:$0x1A800] =	vst v63  }
0x2c: {  	_ =	swait.ge [sflag:s13], $0x4000  }
0x2d: {  	[sflag:s13] =	ssyncset.done $0x0  }
0x2e: {  	[sflag:s13] =	ssyncadd.s32 $0xFFFFC000  }
0x2f: {  	[spmem:s8] =	stream.linear.scatter [tilespmem:s12], [sflag:$0x1], $0x4000, $0x38;
	[tilespmem:$0x1A800] =	vst v63  }
0x30: {  	_ =	swait.ge [sflag:s13], $0x4000  }
0x31: {  	[sflag:s13] =	ssyncset.done $0x0  }
0x32: {  	[sflag:s13] =	ssyncadd.s32 $0xFFFFC000  }
0x33: {  	s31 =	simm.s32 $0x0;
	[bflag:$0x0] =	sbarrier.arrive $0xFFFF  }
0x34: {  	[tilespmem:s31], [sflag:$0x1] =	stream.linear.gather [hbm4b:s9+s31], $0x2800, $0x38;
	[tilespmem:$0x1A800] =	vst v63  }
0x35: {  	_ =	swait.ge [sflag:s13], $0x2800  }
0x36: {  	[sflag:s13] =	ssyncset.done $0x0  }
0x37: {  	s17 =	simm.s32 $0x0;
	s18 =	simm.s32 $0x200;
	[sflag:s13] =	ssyncadd.s32 $0xFFFFD800  }
.LBB2_4:
0x38: {  	p0 =	sne.s32 s18, $0xF800;
	[tilespmem:s17+$0x2870] =	vst v1  }
0x39: {  	[tilespmem:s17+$0x2800] =	vst v1  }
0x3a: {  	[tilespmem:s17+$0x2810] =	vst v1  }
.Ltmp1:
0x3b: {  	[tilespmem:s17+$0x2820] =	vst v1;
	(pc) =	sbr.rel @p0 .LBB2_4-.Ltmp1, $4  }
0x3c: {  	[tilespmem:s17+$0x2830] =	vst v1  }
0x3d: {  	[tilespmem:s17+$0x2840] =	vst v1  }
0x3e: {  	[tilespmem:s17+$0x2850] =	vst v1  }
0x3f: {  	[tilespmem:s17+$0x2860] =	vst v1;
	s17 =	sshra.s32 s18, $0x2;
	s18 =	sadd.s32 $0x200, s18  }
0x40: {  	[tilespmem:s17+$0x2870] =	vst v1  }
0x41: {  	[tilespmem:s17+$0x2800] =	vst v1  }
0x42: {  	[tilespmem:s17+$0x2810] =	vst v1  }
0x43: {  	[tilespmem:s17+$0x2820] =	vst v1  }
0x44: {  	[tilespmem:s17+$0x2830] =	vst v1  }
0x45: {  	[tilespmem:s17+$0x2840] =	vst v1  }
0x46: {  	[tilespmem:s17+$0x2850] =	vst v1  }
0x47: {  	[tilespmem:s17+$0x2860] =	vst v1;
	s31 =	simm.s32 $0x0  }
0x48: {  	[spmem:s2] =	stream.indirect.scatter.add.f32 [tilespmem:s12], [sflag:$0x1], $0x80, s31, s14, $0xb8;
	[tilespmem:$0x1A800] =	vst v63  }
0x49: {  	_ =	swait.ge [sflag:s13], $0x3E80  }
0x4a: {  	s17 =	simm.s32 $0x200;
	[sflag:s13] =	ssyncset.done $0x0  }
.LBB2_6:
0x4b: {  	s18 =	sshra.s32 s17, $0x2;
	[sflag:s13] =	ssyncadd.s32 $0xFFFFC180;
	p0 =	sne.s32 s17, $0x9E00  }
0x4c: {  	[spmem:s2] =	stream.indirect.scatter.add.f32 [tilespmem:s12], [sflag:$0x1], $0x80, s18, s14, $0xb8;
	[tilespmem:$0x1A800] =	vst v63  }
.Ltmp2:
0x4d: {  	_ = 	snop;
	(pc) =	sbr.rel @p0 .LBB2_6-.Ltmp2, $4  }
0x4e: {  	_ = 	snop  }
0x4f: {  	s17 =	sadd.s32 $0x200, s17  }
0x50: {  	_ =	swait.ge [sflag:s13], $0x3E80  }
0x51: {  	[sflag:s13] =	ssyncset.done $0x0  }
0x52: {  	s3 =	sadd.s32 $0x1, s3  }
0x53: {  	[sflag:s13] =	ssyncadd.s32 $0xFFFFC180;
	p0 =	sne.s32 s3, s11  }
.Ltmp3:
0x54: {  	[bflag:$0x0] =	sbarrier.arrive $0xFFFF;
	(pc) =	sbr.rel @p0 .LBB2_1-.Ltmp3, $4  }
0x55: {  	[hbm:s10], [sflag:s15] =	dma.local [spmem:s16], $0x2800  }
0x56: {  	_ =	swait.ge [sflag:s13], $0x2800  }
0x57: {  	[sflag:s13] =	ssyncset.done $0x0  }
0x58: {  	[sflag:s13] =	ssyncadd.s32 $0xFFFFD800  }
0x59: {  	_ =	sfence.sel $0x180000  }
0x5a: {  	[bflag:$0x0] =	sbarrier.arrive $0xFFFF  }
0x5b: {  	p0 =	sne.s32 s0, $0x0;
	_ =	strace $0x90000047  }
0x5c: {  	s0 =	sadd.s32 @!p0 $0x100000, s1;
	[bflag:$0x2] =	sbarrier.arrive $0xFFFF  }
0x5d: {  	[sflag:s0] =	ssyncadd.tile.s32 @!p0 $0x1;
	_ =	shalt  }
.Lfunc_end2:
_tile_overlayer_lowered:
.L_overlay_start_2:
0x5e: {  	(tag) =	ssettag $0x2  }
0x5f: {  	s0 =	rddreg [dreg:$0x0];
	s2 =	stileid.u32  }
0x60: {  	s1 =	rddreg [dreg:$0x1];
	p0 =	sne.s32 s2, $0x0  }
0x61: {  	s3 =	rddreg [dreg:$0x2];
	[bflag:$0x3] =	sbarrier.arrive $0xFFFF;
	s2 =	simm.s32 @!p0 $0x1C01  }
0x62: {  	[timem:s3], [sflag:s2] =	dma.local @!p0 [hbm:s0], s1  }
0x63: {  	s0 =	simm.s32 @!p0 $0x1  }
0x64: {  	_ =	swait.ge @!p0 [sflag:s0], s1  }
0x65: {  	s1 =	ssub.s32 @!p0 $0x0, s1;
	[sflag:s0] =	ssyncset.done @!p0 $0x0  }
0x66: {  	[sflag:s0] =	ssyncadd.s32 @!p0 s1  }
0x67: {  	[bflag:$0x3] =	sbarrier.arrive $0xFFFF  }
0x68: {  	_ =	shalt  }

</sc_bundles>
